<compile_context>
chip_gen: v7x
topology: tpu7x:2x2x1
jax: 0.10.2.dev20260603
libtpu: 0.0.44.dev20260713+nightly
codegen_flags: <defaults>
</compile_context>

<pallas_src>
import functools
import math

import jax
import jax.numpy as jnp
from jax import lax
from jax.experimental import pallas as pl
from jax.experimental.pallas import tpu as pltpu
from jax.experimental.pallas import tpu_sc as plsc

EPS = 1e-8
NCOMP = 16
LANES = 16
NC, NS = 2, 16
NW = NC * NS
ROWS, COLS = 1024, 2048
R_SC = 184
R_TC = ROWS - R_SC
CHUNK = 11776
BLK = 168
LOG2E = 1.4426950408889634


def _sc_gmm(w_flat, mu_b, nis_b, coef_b, invt_b):
    n = R_SC * COLS
    per_w = n // NW
    nchunk = per_w // CHUNK
    mesh = plsc.VectorSubcoreMesh(core_axis_name="c", subcore_axis_name="s")

    @functools.partial(
        pl.kernel,
        mesh=mesh,
        out_type=jax.ShapeDtypeStruct((n,), jnp.float32),
        scratch_types=[
            pltpu.VMEM((NCOMP, LANES), jnp.float32),
            pltpu.VMEM((NCOMP, LANES), jnp.float32),
            pltpu.VMEM((NCOMP, LANES), jnp.float32),
            pltpu.VMEM((LANES,), jnp.float32),
            pltpu.VMEM((CHUNK,), jnp.float32),
            pltpu.VMEM((CHUNK,), jnp.float32),
        ],
    )
    def body(w_hbm, mu_hbm, nis_hbm, coef_hbm, invt_hbm, out_hbm,
             mu_v, nis_v, coef_v, invt_v, wbuf, obuf):
        wid = lax.axis_index("s") * NC + lax.axis_index("c")
        base = wid * per_w
        pltpu.sync_copy(mu_hbm, mu_v)
        pltpu.sync_copy(nis_hbm, nis_v)
        pltpu.sync_copy(coef_hbm, coef_v)
        pltpu.sync_copy(invt_hbm, invt_v)

        @pl.loop(0, nchunk)
        def chunk_body(j):
            off = base + j * CHUNK
            pltpu.sync_copy(w_hbm.at[pl.ds(off, CHUNK)], wbuf)

            @plsc.parallel_loop(0, CHUNK, step=LANES, unroll=2)
            def vec_body(i):
                invt = invt_v[...]
                w = wbuf[pl.ds(i, LANES)]
                us = []
                s = None
                m = None
                for k in range(NCOMP):
                    d = w - mu_v[k]
                    u = jnp.exp(d * d * nis_v[k] + coef_v[k])
                    us.append(u)
                    if k == 0:
                        s = u
                        m = u
                    else:
                        s = s + u
                        m = jnp.maximum(m, u)
                c = invt / (s + EPS)
                mc = m * c
                den = None
                num = None
                for k in range(NCOMP):
                    e = jnp.exp(us[k] * c - mc)
                    if k == 0:
                        den = e
                    else:
                        den = den + e
                        num = e * mu_v[k] if k == 1 else num + e * mu_v[k]
                obuf[pl.ds(i, LANES)] = num / den

            pltpu.sync_copy(obuf, out_hbm.at[pl.ds(off, CHUNK)])

    return body(w_flat, mu_b, nis_b, coef_b, invt_b)


def _tc_body(mu_ref, nis_ref, coef_ref, invt_ref, w_ref, o_ref):
    w = w_ref[...]
    invt = invt_ref[0]
    us = []
    s = None
    m = None
    for k in range(NCOMP):
        d = w - mu_ref[k]
        u = jnp.exp2(d * d * nis_ref[k] + coef_ref[k])
        us.append(u)
        if k == 0:
            s = u
            m = u
        else:
            s = s + u
            m = jnp.maximum(m, u)
    c = invt / (s + EPS)
    mc = m * c
    den = None
    num = None
    for k in range(NCOMP):
        e = jnp.exp2(us[k] * c - mc)
        if k == 0:
            den = e
        else:
            den = den + e
            num = e * mu_ref[k] if k == 1 else num + e * mu_ref[k]
    o_ref[...] = num / den


def _tc_gmm(w2d, mu_all, nis, lc, invt):
    return pl.pallas_call(
        _tc_body,
        grid=(R_TC // BLK,),
        in_specs=[
            pl.BlockSpec(memory_space=pltpu.SMEM),
            pl.BlockSpec(memory_space=pltpu.SMEM),
            pl.BlockSpec(memory_space=pltpu.SMEM),
            pl.BlockSpec(memory_space=pltpu.SMEM),
            pl.BlockSpec((BLK, COLS), lambda i: (i, 0)),
        ],
        out_specs=pl.BlockSpec((BLK, COLS), lambda i: (i, 0)),
        out_shape=jax.ShapeDtypeStruct((R_TC, COLS), jnp.float32),
    )(mu_all, nis, lc, invt, w2d)


def kernel(weights, mu, pi_k, pi_zero, sigma, sigma_zero, temperature):
    pi_tmp = jnp.abs(jnp.concatenate([pi_zero, pi_k]))
    pi_norm = pi_tmp / jnp.sum(pi_tmp)
    mu_all = jnp.concatenate([jnp.zeros((1,), weights.dtype), mu])
    sigma_all = jnp.concatenate([sigma_zero, sigma])
    two_sig2 = 2.0 * sigma_all ** 2
    coef = pi_norm / jnp.sqrt(math.pi * two_sig2)
    nis = -1.0 / two_sig2
    lc = jnp.log(coef)
    invt = 1.0 / temperature

    mu_b = jnp.broadcast_to(mu_all[:, None], (NCOMP, LANES))
    nis_b = jnp.broadcast_to(nis[:, None], (NCOMP, LANES))
    coef_b = jnp.broadcast_to(lc[:, None], (NCOMP, LANES))
    invt_b = jnp.broadcast_to(invt, (LANES,))

    nis2 = nis * LOG2E
    lc2 = lc * LOG2E
    invt2 = invt * LOG2E

    w_sc = weights[:R_SC].reshape(-1)
    out_sc = _sc_gmm(w_sc, mu_b, nis_b, coef_b, invt_b)
    out_tc = _tc_gmm(weights[R_SC:], mu_all, nis2, lc2, invt2)
    return jnp.concatenate([out_sc.reshape(R_SC, COLS), out_tc], axis=0)

# --- scband reference (transcript-rebuilt; emitter-appended) ---
"""Pipeline reference for scband-gaussian-mixture-model-35304631173606 (READ-ONLY COPY).

The authoritative reference and input builder live on the scoring server;
editing this copy changes nothing except your own understanding.
"""

import jax, jax.numpy as jnp
import numpy as np
import math

EPS = 1e-8
K = 16  # num_components

def setup_inputs(seed: int = 0) -> dict:
    key = jax.random.key(seed)
    ks = jax.random.split(key, 6)
    weights = jax.random.normal(ks[0], (1024, 2048), dtype=jnp.float32) * 0.1
    mu = jax.random.normal(ks[1], (K - 1,), dtype=jnp.float32) * 0.2
    pi_k = jax.random.uniform(ks[2], (K - 1,), dtype=jnp.float32) * 0.9 + 0.1
    pi_zero = jax.random.uniform(ks[3], (1,), dtype=jnp.float32) * 0.9 + 0.1
    sigma = jax.random.uniform(ks[4], (K - 1,), dtype=jnp.float32) * 0.15 + 0.05
    sigma_zero = jax.random.uniform(ks[5], (1,), dtype=jnp.float32) * 0.05 + 0.01
    temperature = jnp.full((1,), 0.01, dtype=jnp.float32)
    return {"weights": weights, "mu": mu, "pi_k": pi_k, "pi_zero": pi_zero,
            "sigma": sigma, "sigma_zero": sigma_zero, "temperature": temperature}

def reference(weights, mu, pi_k, pi_zero, sigma, sigma_zero, temperature):
    w = weights.reshape(-1)  # [N]
    # gaussian_mixing_regularization
    pi_tmp = jnp.abs(jnp.concatenate([pi_zero, pi_k], axis=-1))  # [K]
    pi_norm = pi_tmp / jnp.sum(pi_tmp, axis=-1, keepdims=False)
    # stack component params: component 0 has mu=0, sigma=sigma_zero
    mu_all = jnp.concatenate([jnp.zeros((1,), dtype=weights.dtype), mu], axis=0)      # [K]
    sigma_all = jnp.concatenate([sigma_zero, sigma], axis=0)                          # [K]
    two_sig2 = 2.0 * sigma_all ** 2                                                   # [K]
    coef = pi_norm * (1.0 / jnp.sqrt(math.pi * two_sig2))  # 1/sqrt(2*pi*sigma^2) * pi
    diff2 = (w[None, :] - mu_all[:, None]) ** 2                                       # [K, N]
    responsibility = coef[:, None] * jnp.exp(-diff2 / two_sig2[:, None])              # [K, N]
    responsibility = responsibility / (jnp.sum(responsibility, axis=0) + EPS)
    responsibility = jax.nn.softmax(responsibility / temperature, axis=0)             # [K, N]
    # train=True path: soft-quantized weights
    Sweight = responsibility[0] * 0.0 + jnp.sum(responsibility[1:] * mu[:, None], axis=0)
    return Sweight.reshape(weights.shape)

if __name__ == "__main__":
    import jax
    _d = setup_inputs()
    print(jax.jit(kernel)(*tuple(_d.values())))

</pallas_src>

<mosaic_0001>
#map = affine_map<(d0, d1) -> (0)>
#map1 = affine_map<(d0, d1) -> (0, 0)>
module attributes {stable_mosaic.version = 14 : i64} {
  func.func @body(%arg0: i32, %arg1: i32, %arg2: memref<376832xf32, #tpu.memory_space<hbm>>, %arg3: memref<16x16xf32, #tpu.memory_space<hbm>>, %arg4: memref<16x16xf32, #tpu.memory_space<hbm>>, %arg5: memref<16x16xf32, #tpu.memory_space<hbm>>, %arg6: memref<16xf32, #tpu.memory_space<hbm>>, %arg7: memref<376832xf32, #tpu.memory_space<hbm>>, %arg8: memref<16x16xf32, #tpu.memory_space<vmem>>, %arg9: memref<16x16xf32, #tpu.memory_space<vmem>>, %arg10: memref<16x16xf32, #tpu.memory_space<vmem>>, %arg11: memref<16xf32, #tpu.memory_space<vmem>>, %arg12: memref<11776xf32, #tpu.memory_space<vmem>>, %arg13: memref<11776xf32, #tpu.memory_space<vmem>>) attributes {dimension_semantics = [#tpu.dimension_semantics<core_parallel>, #tpu.dimension_semantics<subcore_parallel>], iteration_bounds = array<i64: 2, 16>, scalar_prefetch = 0 : i64, scratch_operands = 6 : i64, tpu.core_type = #tpu.core_type<sc_vector_subcore>, window_params = [{transform_indices = #map}, {transform_indices = #map1}, {transform_indices = #map1}, {transform_indices = #map1}, {transform_indices = #map}, {transform_indices = #map}]} {
    %mul3A = arith.constant 2 : i32
    %mul3A_0 = arith.muli %arg1, %mul3A : i32
    %add3A = arith.addi %mul3A_0, %arg0 : i32
    %mul3A_1 = arith.constant 11776 : i32
    %mul3A_2 = arith.muli %add3A, %mul3A_1 : i32
    "tpu.region"() ({
      %run_scoped3A = tpu.sem_alloc : memref<!tpu.dma_semaphore, #tpu.memory_space<semaphore_mem>>
      tpu.enqueue_dma source(%arg3 : memref<16x16xf32, #tpu.memory_space<hbm>>) target(%arg8 : memref<16x16xf32, #tpu.memory_space<vmem>>) target_semaphore(%run_scoped3A : memref<!tpu.dma_semaphore, #tpu.memory_space<semaphore_mem>>)
      tpu.wait_dma2 semaphore(%run_scoped3A : memref<!tpu.dma_semaphore, #tpu.memory_space<semaphore_mem>>) src(%arg3 : memref<16x16xf32, #tpu.memory_space<hbm>>) dst(%arg8 : memref<16x16xf32, #tpu.memory_space<vmem>>)
      tpu.yield
    }) : () -> ()
    "tpu.region"() ({
      %run_scoped3A = tpu.sem_alloc : memref<!tpu.dma_semaphore, #tpu.memory_space<semaphore_mem>>
      tpu.enqueue_dma source(%arg4 : memref<16x16xf32, #tpu.memory_space<hbm>>) target(%arg9 : memref<16x16xf32, #tpu.memory_space<vmem>>) target_semaphore(%run_scoped3A : memref<!tpu.dma_semaphore, #tpu.memory_space<semaphore_mem>>)
      tpu.wait_dma2 semaphore(%run_scoped3A : memref<!tpu.dma_semaphore, #tpu.memory_space<semaphore_mem>>) src(%arg4 : memref<16x16xf32, #tpu.memory_space<hbm>>) dst(%arg9 : memref<16x16xf32, #tpu.memory_space<vmem>>)
      tpu.yield
    }) : () -> ()
    "tpu.region"() ({
      %run_scoped3A = tpu.sem_alloc : memref<!tpu.dma_semaphore, #tpu.memory_space<semaphore_mem>>
      tpu.enqueue_dma source(%arg5 : memref<16x16xf32, #tpu.memory_space<hbm>>) target(%arg10 : memref<16x16xf32, #tpu.memory_space<vmem>>) target_semaphore(%run_scoped3A : memref<!tpu.dma_semaphore, #tpu.memory_space<semaphore_mem>>)
      tpu.wait_dma2 semaphore(%run_scoped3A : memref<!tpu.dma_semaphore, #tpu.memory_space<semaphore_mem>>) src(%arg5 : memref<16x16xf32, #tpu.memory_space<hbm>>) dst(%arg10 : memref<16x16xf32, #tpu.memory_space<vmem>>)
      tpu.yield
    }) : () -> ()
    "tpu.region"() ({
      %run_scoped3A = tpu.sem_alloc : memref<!tpu.dma_semaphore, #tpu.memory_space<semaphore_mem>>
      tpu.enqueue_dma source(%arg6 : memref<16xf32, #tpu.memory_space<hbm>>) target(%arg11 : memref<16xf32, #tpu.memory_space<vmem>>) target_semaphore(%run_scoped3A : memref<!tpu.dma_semaphore, #tpu.memory_space<semaphore_mem>>)
      tpu.wait_dma2 semaphore(%run_scoped3A : memref<!tpu.dma_semaphore, #tpu.memory_space<semaphore_mem>>) src(%arg6 : memref<16xf32, #tpu.memory_space<hbm>>) dst(%arg11 : memref<16xf32, #tpu.memory_space<vmem>>)
      tpu.yield
    }) : () -> ()
    %scan3A = arith.constant 0 : i32
    %mul3A_3 = arith.constant 1 : i32
    %mul3A_4 = arith.muli %scan3A, %mul3A_3 : i32
    %add3A_5 = arith.constant 0 : i32
    %add3A_6 = arith.addi %add3A_5, %mul3A_4 : i32
    %mul3A_7 = arith.constant 11776 : i32
    %mul3A_8 = arith.muli %add3A_6, %mul3A_7 : i32
    %add3A_9 = arith.addi %mul3A_2, %mul3A_8 : i32
    "tpu.region"() ({
      %run_scoped3A = tpu.sem_alloc : memref<!tpu.dma_semaphore, #tpu.memory_space<semaphore_mem>>
      %dma_start3A = tpu.memref_slice %arg2[%add3A_9] : memref<376832xf32, #tpu.memory_space<hbm>> -> memref<11776xf32, #tpu.memory_space<hbm>>
      %dma_start3A_13 = tpu.memref_slice %arg2[%add3A_9] : memref<376832xf32, #tpu.memory_space<hbm>> -> memref<11776xf32, #tpu.memory_space<hbm>>
      tpu.enqueue_dma source(%dma_start3A_13 : memref<11776xf32, #tpu.memory_space<hbm>>) target(%arg12 : memref<11776xf32, #tpu.memory_space<vmem>>) target_semaphore(%run_scoped3A : memref<!tpu.dma_semaphore, #tpu.memory_space<semaphore_mem>>)
      %dma_wait3A = tpu.memref_slice %arg2[%add3A_9] : memref<376832xf32, #tpu.memory_space<hbm>> -> memref<11776xf32, #tpu.memory_space<hbm>>
      %dma_wait3A_14 = tpu.memref_slice %arg2[%add3A_9] : memref<376832xf32, #tpu.memory_space<hbm>> -> memref<11776xf32, #tpu.memory_space<hbm>>
      tpu.wait_dma2 semaphore(%run_scoped3A : memref<!tpu.dma_semaphore, #tpu.memory_space<semaphore_mem>>) src(%dma_wait3A_14 : memref<11776xf32, #tpu.memory_space<hbm>>) dst(%arg12 : memref<11776xf32, #tpu.memory_space<vmem>>)
      tpu.yield
    }) : () -> ()
    %parallel_loop3A = arith.constant 0 : i32
    %parallel_loop3A_10 = arith.constant 11776 : i32
    %parallel_loop3A_11 = arith.constant 16 : i32
    scf.for %parallel_loop3A_13 = %parallel_loop3A to %parallel_loop3A_10 step %parallel_loop3A_11  : i32 {
      %parallel_loop3A_14 = arith.constant 0 : index
      %parallel_loop3A_15 = tpu.vector_load %arg11[%parallel_loop3A_14] {strides = array<i32>} : memref<16xf32, #tpu.memory_space<vmem>>, vector<16xf32>,
      %parallel_loop3A_16 = vector.shape_cast %parallel_loop3A_15 : vector<16xf32> to vector<16xf32>
      %parallel_loop3A_17 = arith.index_cast %parallel_loop3A_13 : i32 to index
      %parallel_loop3A_18 = tpu.vector_load %arg12[%parallel_loop3A_17] {strides = array<i32>} : memref<11776xf32, #tpu.memory_space<vmem>>, vector<16xf32>,
      %parallel_loop3A_19 = vector.shape_cast %parallel_loop3A_18 : vector<16xf32> to vector<16xf32>
      %parallel_loop3A_20 = arith.constant 0 : i32
      %parallel_loop3A_21 = arith.index_cast %parallel_loop3A_20 : i32 to index
      %parallel_loop3A_22 = arith.constant 0 : index
      %parallel_loop3A_23 = tpu.vector_load %arg8[%parallel_loop3A_21, %parallel_loop3A_22] {strides = array<i32>} : memref<16x16xf32, #tpu.memory_space<vmem>>, vector<1x16xf32>,
      %parallel_loop3A_24 = vector.shape_cast %parallel_loop3A_23 : vector<1x16xf32> to vector<16xf32>
      %parallel_loop3A_25 = arith.subf %parallel_loop3A_19, %parallel_loop3A_24 : vector<16xf32>
      %parallel_loop3A_26 = arith.mulf %parallel_loop3A_25, %parallel_loop3A_25 : vector<16xf32>
      %parallel_loop3A_27 = arith.constant 0 : i32
      %parallel_loop3A_28 = arith.index_cast %parallel_loop3A_27 : i32 to index
      %parallel_loop3A_29 = arith.constant 0 : index
      %parallel_loop3A_30 = tpu.vector_load %arg9[%parallel_loop3A_28, %parallel_loop3A_29] {strides = array<i32>} : memref<16x16xf32, #tpu.memory_space<vmem>>, vector<1x16xf32>,
      %parallel_loop3A_31 = vector.shape_cast %parallel_loop3A_30 : vector<1x16xf32> to vector<16xf32>
      %parallel_loop3A_32 = arith.mulf %parallel_loop3A_26, %parallel_loop3A_31 : vector<16xf32>
      %parallel_loop3A_33 = arith.constant 0 : i32
      %parallel_loop3A_34 = arith.index_cast %parallel_loop3A_33 : i32 to index
      %parallel_loop3A_35 = arith.constant 0 : index
      %parallel_loop3A_36 = tpu.vector_load %arg10[%parallel_loop3A_34, %parallel_loop3A_35] {strides = array<i32>} : memref<16x16xf32, #tpu.memory_space<vmem>>, vector<1x16xf32>,
      %parallel_loop3A_37 = vector.shape_cast %parallel_loop3A_36 : vector<1x16xf32> to vector<16xf32>
      %parallel_loop3A_38 = arith.addf %parallel_loop3A_32, %parallel_loop3A_37 : vector<16xf32>
      %parallel_loop3A_39 = math.exp %parallel_loop3A_38 : vector<16xf32>
      %parallel_loop3A_40 = arith.constant 1 : i32
      %parallel_loop3A_41 = arith.index_cast %parallel_loop3A_40 : i32 to index
      %parallel_loop3A_42 = arith.constant 0 : index
      %parallel_loop3A_43 = tpu.vector_load %arg8[%parallel_loop3A_41, %parallel_loop3A_42] {strides = array<i32>} : memref<16x16xf32, #tpu.memory_space<vmem>>, vector<1x16xf32>,
      %parallel_loop3A_44 = vector.shape_cast %parallel_loop3A_43 : vector<1x16xf32> to vector<16xf32>
      %parallel_loop3A_45 = arith.subf %parallel_loop3A_19, %parallel_loop3A_44 : vector<16xf32>
      %parallel_loop3A_46 = arith.mulf %parallel_loop3A_45, %parallel_loop3A_45 : vector<16xf32>
      %parallel_loop3A_47 = arith.constant 1 : i32
      %parallel_loop3A_48 = arith.index_cast %parallel_loop3A_47 : i32 to index
      %parallel_loop3A_49 = arith.constant 0 : index
      %parallel_loop3A_50 = tpu.vector_load %arg9[%parallel_loop3A_48, %parallel_loop3A_49] {strides = array<i32>} : memref<16x16xf32, #tpu.memory_space<vmem>>, vector<1x16xf32>,
      %parallel_loop3A_51 = vector.shape_cast %parallel_loop3A_50 : vector<1x16xf32> to vector<16xf32>
      %parallel_loop3A_52 = arith.mulf %parallel_loop3A_46, %parallel_loop3A_51 : vector<16xf32>
      %parallel_loop3A_53 = arith.constant 1 : i32
      %parallel_loop3A_54 = arith.index_cast %parallel_loop3A_53 : i32 to index
      %parallel_loop3A_55 = arith.constant 0 : index
      %parallel_loop3A_56 = tpu.vector_load %arg10[%parallel_loop3A_54, %parallel_loop3A_55] {strides = array<i32>} : memref<16x16xf32, #tpu.memory_space<vmem>>, vector<1x16xf32>,
      %parallel_loop3A_57 = vector.shape_cast %parallel_loop3A_56 : vector<1x16xf32> to vector<16xf32>
      %parallel_loop3A_58 = arith.addf %parallel_loop3A_52, %parallel_loop3A_57 : vector<16xf32>
      %parallel_loop3A_59 = math.exp %parallel_loop3A_58 : vector<16xf32>
      %parallel_loop3A_60 = arith.addf %parallel_loop3A_39, %parallel_loop3A_59 : vector<16xf32>
      %parallel_loop3A_61 = arith.maximumf %parallel_loop3A_39, %parallel_loop3A_59 : vector<16xf32>
      %parallel_loop3A_62 = arith.constant 2 : i32
      %parallel_loop3A_63 = arith.index_cast %parallel_loop3A_62 : i32 to index
      %parallel_loop3A_64 = arith.constant 0 : index
      %parallel_loop3A_65 = tpu.vector_load %arg8[%parallel_loop3A_63, %parallel_loop3A_64] {strides = array<i32>} : memref<16x16xf32, #tpu.memory_space<vmem>>, vector<1x16xf32>,
      %parallel_loop3A_66 = vector.shape_cast %parallel_loop3A_65 : vector<1x16xf32> to vector<16xf32>
      %parallel_loop3A_67 = arith.subf %parallel_loop3A_19, %parallel_loop3A_66 : vector<16xf32>
      %parallel_loop3A_68 = arith.mulf %parallel_loop3A_67, %parallel_loop3A_67 : vector<16xf32>
      %parallel_loop3A_69 = arith.constant 2 : i32
      %parallel_loop3A_70 = arith.index_cast %parallel_loop3A_69 : i32 to index
      %parallel_loop3A_71 = arith.constant 0 : index
      %parallel_loop3A_72 = tpu.vector_load %arg9[%parallel_loop3A_70, %parallel_loop3A_71] {strides = array<i32>} : memref<16x16xf32, #tpu.memory_space<vmem>>, vector<1x16xf32>,
      %parallel_loop3A_73 = vector.shape_cast %parallel_loop3A_72 : vector<1x16xf32> to vector<16xf32>
      %parallel_loop3A_74 = arith.mulf %parallel_loop3A_68, %parallel_loop3A_73 : vector<16xf32>
      %parallel_loop3A_75 = arith.constant 2 : i32
      %parallel_loop3A_76 = arith.index_cast %parallel_loop3A_75 : i32 to index
      %parallel_loop3A_77 = arith.constant 0 : index
      %parallel_loop3A_78 = tpu.vector_load %arg10[%parallel_loop3A_76, %parallel_loop3A_77] {strides = array<i32>} : memref<16x16xf32, #tpu.memory_space<vmem>>, vector<1x16xf32>,
      %parallel_loop3A_79 = vector.shape_cast %parallel_loop3A_78 : vector<1x16xf32> to vector<16xf32>
      %parallel_loop3A_80 = arith.addf %parallel_loop3A_74, %parallel_loop3A_79 : vector<16xf32>
      %parallel_loop3A_81 = math.exp %parallel_loop3A_80 : vector<16xf32>
      %parallel_loop3A_82 = arith.addf %parallel_loop3A_60, %parallel_loop3A_81 : vector<16xf32>
      %parallel_loop3A_83 = arith.maximumf %parallel_loop3A_61, %parallel_loop3A_81 : vector<16xf32>
      %parallel_loop3A_84 = arith.constant 3 : i32
      %parallel_loop3A_85 = arith.index_cast %parallel_loop3A_84 : i32 to index
      %parallel_loop3A_86 = arith.constant 0 : index
      %parallel_loop3A_87 = tpu.vector_load %arg8[%parallel_loop3A_85, %parallel_loop3A_86] {strides = array<i32>} : memref<16x16xf32, #tpu.memory_space<vmem>>, vector<1x16xf32>,
      %parallel_loop3A_88 = vector.shape_cast %parallel_loop3A_87 : vector<1x16xf32> to vector<16xf32>
      %parallel_loop3A_89 = arith.subf %parallel_loop3A_19, %parallel_loop3A_88 : vector<16xf32>
      %parallel_loop3A_90 = arith.mulf %parallel_loop3A_89, %parallel_loop3A_89 : vector<16xf32>
      %parallel_loop3A_91 = arith.constant 3 : i32
      %parallel_loop3A_92 = arith.index_cast %parallel_loop3A_91 : i32 to index
      %parallel_loop3A_93 = arith.constant 0 : index
      %parallel_loop3A_94 = tpu.vector_load %arg9[%parallel_loop3A_92, %parallel_loop3A_93] {strides = array<i32>} : memref<16x16xf32, #tpu.memory_space<vmem>>, vector<1x16xf32>,
      %parallel_loop3A_95 = vector.shape_cast %parallel_loop3A_94 : vector<1x16xf32> to vector<16xf32>
      %parallel_loop3A_96 = arith.mulf %parallel_loop3A_90, %parallel_loop3A_95 : vector<16xf32>
      %parallel_loop3A_97 = arith.constant 3 : i32
      %parallel_loop3A_98 = arith.index_cast %parallel_loop3A_97 : i32 to index
      %parallel_loop3A_99 = arith.constant 0 : index
      %parallel_loop3A_100 = tpu.vector_load %arg10[%parallel_loop3A_98, %parallel_loop3A_99] {strides = array<i32>} : memref<16x16xf32, #tpu.memory_space<vmem>>, vector<1x16xf32>,
      %parallel_loop3A_101 = vector.shape_cast %parallel_loop3A_100 : vector<1x16xf32> to vector<16xf32>
      %parallel_loop3A_102 = arith.addf %parallel_loop3A_96, %parallel_loop3A_101 : vector<16xf32>
      %parallel_loop3A_103 = math.exp %parallel_loop3A_102 : vector<16xf32>
      %parallel_loop3A_104 = arith.addf %parallel_loop3A_82, %parallel_loop3A_103 : vector<16xf32>
      %parallel_loop3A_105 = arith.maximumf %parallel_loop3A_83, %parallel_loop3A_103 : vector<16xf32>
      %parallel_loop3A_106 = arith.constant 4 : i32
      %parallel_loop3A_107 = arith.index_cast %parallel_loop3A_106 : i32 to index
      %parallel_loop3A_108 = arith.constant 0 : index
      %parallel_loop3A_109 = tpu.vector_load %arg8[%parallel_loop3A_107, %parallel_loop3A_108] {strides = array<i32>} : memref<16x16xf32, #tpu.memory_space<vmem>>, vector<1x16xf32>,
      %parallel_loop3A_110 = vector.shape_cast %parallel_loop3A_109 : vector<1x16xf32> to vector<16xf32>
      %parallel_loop3A_111 = arith.subf %parallel_loop3A_19, %parallel_loop3A_110 : vector<16xf32>
      %parallel_loop3A_112 = arith.mulf %parallel_loop3A_111, %parallel_loop3A_111 : vector<16xf32>
      %parallel_loop3A_113 = arith.constant 4 : i32
      %parallel_loop3A_114 = arith.index_cast %parallel_loop3A_113 : i32 to index
      %parallel_loop3A_115 = arith.constant 0 : index
      %parallel_loop3A_116 = tpu.vector_load %arg9[%parallel_loop3A_114, %parallel_loop3A_115] {strides = array<i32>} : memref<16x16xf32, #tpu.memory_space<vmem>>, vector<1x16xf32>,
      %parallel_loop3A_117 = vector.shape_cast %parallel_loop3A_116 : vector<1x16xf32> to vector<16xf32>
      %parallel_loop3A_118 = arith.mulf %parallel_loop3A_112, %parallel_loop3A_117 : vector<16xf32>
      %parallel_loop3A_119 = arith.constant 4 : i32
      %parallel_loop3A_120 = arith.index_cast %parallel_loop3A_119 : i32 to index
      %parallel_loop3A_121 = arith.constant 0 : index
      %parallel_loop3A_122 = tpu.vector_load %arg10[%parallel_loop3A_120, %parallel_loop3A_121] {strides = array<i32>} : memref<16x16xf32, #tpu.memory_space<vmem>>, vector<1x16xf32>,
      %parallel_loop3A_123 = vector.shape_cast %parallel_loop3A_122 : vector<1x16xf32> to vector<16xf32>
      %parallel_loop3A_124 = arith.addf %parallel_loop3A_118, %parallel_loop3A_123 : vector<16xf32>
      %parallel_loop3A_125 = math.exp %parallel_loop3A_124 : vector<16xf32>
      %parallel_loop3A_126 = arith.addf %parallel_loop3A_104, %parallel_loop3A_125 : vector<16xf32>
      %parallel_loop3A_127 = arith.maximumf %parallel_loop3A_105, %parallel_loop3A_125 : vector<16xf32>
      %parallel_loop3A_128 = arith.constant 5 : i32
      %parallel_loop3A_129 = arith.index_cast %parallel_loop3A_128 : i32 to index
      %parallel_loop3A_130 = arith.constant 0 : index
      %parallel_loop3A_131 = tpu.vector_load %arg8[%parallel_loop3A_129, %parallel_loop3A_130] {strides = array<i32>} : memref<16x16xf32, #tpu.memory_space<vmem>>, vector<1x16xf32>,
      %parallel_loop3A_132 = vector.shape_cast %parallel_loop3A_131 : vector<1x16xf32> to vector<16xf32>
      %parallel_loop3A_133 = arith.subf %parallel_loop3A_19, %parallel_loop3A_132 : vector<16xf32>
      %parallel_loop3A_134 = arith.mulf %parallel_loop3A_133, %parallel_loop3A_133 : vector<16xf32>
      %parallel_loop3A_135 = arith.constant 5 : i32
      %parallel_loop3A_136 = arith.index_cast %parallel_loop3A_135 : i32 to index
      %parallel_loop3A_137 = arith.constant 0 : index
      %parallel_loop3A_138 = tpu.vector_load %arg9[%parallel_loop3A_136, %parallel_loop3A_137] {strides = array<i32>} : memref<16x16xf32, #tpu.memory_space<vmem>>, vector<1x16xf32>,
      %parallel_loop3A_139 = vector.shape_cast %parallel_loop3A_138 : vector<1x16xf32> to vector<16xf32>
      %parallel_loop3A_140 = arith.mulf %parallel_loop3A_134, %parallel_loop3A_139 : vector<16xf32>
      %parallel_loop3A_141 = arith.constant 5 : i32
      %parallel_loop3A_142 = arith.index_cast %parallel_loop3A_141 : i32 to index
      %parallel_loop3A_143 = arith.constant 0 : index
      %parallel_loop3A_144 = tpu.vector_load %arg10[%parallel_loop3A_142, %parallel_loop3A_143] {strides = array<i32>} : memref<16x16xf32, #tpu.memory_space<vmem>>, vector<1x16xf32>,
      %parallel_loop3A_145 = vector.shape_cast %parallel_loop3A_144 : vector<1x16xf32> to vector<16xf32>
      %parallel_loop3A_146 = arith.addf %parallel_loop3A_140, %parallel_loop3A_145 : vector<16xf32>
      %parallel_loop3A_147 = math.exp %parallel_loop3A_146 : vector<16xf32>
      %parallel_loop3A_148 = arith.addf %parallel_loop3A_126, %parallel_loop3A_147 : vector<16xf32>
      %parallel_loop3A_149 = arith.maximumf %parallel_loop3A_127, %parallel_loop3A_147 : vector<16xf32>
      %parallel_loop3A_150 = arith.constant 6 : i32
      %parallel_loop3A_151 = arith.index_cast %parallel_loop3A_150 : i32 to index
      %parallel_loop3A_152 = arith.constant 0 : index
      %parallel_loop3A_153 = tpu.vector_load %arg8[%parallel_loop3A_151, %parallel_loop3A_152] {strides = array<i32>} : memref<16x16xf32, #tpu.memory_space<vmem>>, vector<1x16xf32>,
      %parallel_loop3A_154 = vector.shape_cast %parallel_loop3A_153 : vector<1x16xf32> to vector<16xf32>
      %parallel_loop3A_155 = arith.subf %parallel_loop3A_19, %parallel_loop3A_154 : vector<16xf32>
      %parallel_loop3A_156 = arith.mulf %parallel_loop3A_155, %parallel_loop3A_155 : vector<16xf32>
      %parallel_loop3A_157 = arith.constant 6 : i32
      %parallel_loop3A_158 = arith.index_cast %parallel_loop3A_157 : i32 to index
      %parallel_loop3A_159 = arith.constant 0 : index
      %parallel_loop3A_160 = tpu.vector_load %arg9[%parallel_loop3A_158, %parallel_loop3A_159] {strides = array<i32>} : memref<16x16xf32, #tpu.memory_space<vmem>>, vector<1x16xf32>,
      %parallel_loop3A_161 = vector.shape_cast %parallel_loop3A_160 : vector<1x16xf32> to vector<16xf32>
      %parallel_loop3A_162 = arith.mulf %parallel_loop3A_156, %parallel_loop3A_161 : vector<16xf32>
      %parallel_loop3A_163 = arith.constant 6 : i32
      %parallel_loop3A_164 = arith.index_cast %parallel_loop3A_163 : i32 to index
      %parallel_loop3A_165 = arith.constant 0 : index
      %parallel_loop3A_166 = tpu.vector_load %arg10[%parallel_loop3A_164, %parallel_loop3A_165] {strides = array<i32>} : memref<16x16xf32, #tpu.memory_space<vmem>>, vector<1x16xf32>,
      %parallel_loop3A_167 = vector.shape_cast %parallel_loop3A_166 : vector<1x16xf32> to vector<16xf32>
      %parallel_loop3A_168 = arith.addf %parallel_loop3A_162, %parallel_loop3A_167 : vector<16xf32>
      %parallel_loop3A_169 = math.exp %parallel_loop3A_168 : vector<16xf32>
      %parallel_loop3A_170 = arith.addf %parallel_loop3A_148, %parallel_loop3A_169 : vector<16xf32>
      %parallel_loop3A_171 = arith.maximumf %parallel_loop3A_149, %parallel_loop3A_169 : vector<16xf32>
      %parallel_loop3A_172 = arith.constant 7 : i32
      %parallel_loop3A_173 = arith.index_cast %parallel_loop3A_172 : i32 to index
      %parallel_loop3A_174 = arith.constant 0 : index
      %parallel_loop3A_175 = tpu.vector_load %arg8[%parallel_loop3A_173, %parallel_loop3A_174] {strides = array<i32>} : memref<16x16xf32, #tpu.memory_space<vmem>>, vector<1x16xf32>,
      %parallel_loop3A_176 = vector.shape_cast %parallel_loop3A_175 : vector<1x16xf32> to vector<16xf32>
      %parallel_loop3A_177 = arith.subf %parallel_loop3A_19, %parallel_loop3A_176 : vector<16xf32>
      %parallel_loop3A_178 = arith.mulf %parallel_loop3A_177, %parallel_loop3A_177 : vector<16xf32>
      %parallel_loop3A_179 = arith.constant 7 : i32
      %parallel_loop3A_180 = arith.index_cast %parallel_loop3A_179 : i32 to index
      %parallel_loop3A_181 = arith.constant 0 : index
      %parallel_loop3A_182 = tpu.vector_load %arg9[%parallel_loop3A_180, %parallel_loop3A_181] {strides = array<i32>} : memref<16x16xf32, #tpu.memory_space<vmem>>, vector<1x16xf32>,
      %parallel_loop3A_183 = vector.shape_cast %parallel_loop3A_182 : vector<1x16xf32> to vector<16xf32>
      %parallel_loop3A_184 = arith.mulf %parallel_loop3A_178, %parallel_loop3A_183 : vector<16xf32>
      %parallel_loop3A_185 = arith.constant 7 : i32
      %parallel_loop3A_186 = arith.index_cast %parallel_loop3A_185 : i32 to index
      %parallel_loop3A_187 = arith.constant 0 : index
      %parallel_loop3A_188 = tpu.vector_load %arg10[%parallel_loop3A_186, %parallel_loop3A_187] {strides = array<i32>} : memref<16x16xf32, #tpu.memory_space<vmem>>, vector<1x16xf32>,
      %parallel_loop3A_189 = vector.shape_cast %parallel_loop3A_188 : vector<1x16xf32> to vector<16xf32>
      %parallel_loop3A_190 = arith.addf %parallel_loop3A_184, %parallel_loop3A_189 : vector<16xf32>
      %parallel_loop3A_191 = math.exp %parallel_loop3A_190 : vector<16xf32>
      %parallel_loop3A_192 = arith.addf %parallel_loop3A_170, %parallel_loop3A_191 : vector<16xf32>
      %parallel_loop3A_193 = arith.maximumf %parallel_loop3A_171, %parallel_loop3A_191 : vector<16xf32>
      %parallel_loop3A_194 = arith.constant 8 : i32
      %parallel_loop3A_195 = arith.index_cast %parallel_loop3A_194 : i32 to index
      %parallel_loop3A_196 = arith.constant 0 : index
      %parallel_loop3A_197 = tpu.vector_load %arg8[%parallel_loop3A_195, %parallel_loop3A_196] {strides = array<i32>} : memref<16x16xf32, #tpu.memory_space<vmem>>, vector<1x16xf32>,
      %parallel_loop3A_198 = vector.shape_cast %parallel_loop3A_197 : vector<1x16xf32> to vector<16xf32>
      %parallel_loop3A_199 = arith.subf %parallel_loop3A_19, %parallel_loop3A_198 : vector<16xf32>
      %parallel_loop3A_200 = arith.mulf %parallel_loop3A_199, %parallel_loop3A_199 : vector<16xf32>
      %parallel_loop3A_201 = arith.constant 8 : i32
      %parallel_loop3A_202 = arith.index_cast %parallel_loop3A_201 : i32 to index
      %parallel_loop3A_203 = arith.constant 0 : index
      %parallel_loop3A_204 = tpu.vector_load %arg9[%parallel_loop3A_202, %parallel_loop3A_203] {strides = array<i32>} : memref<16x16xf32, #tpu.memory_space<vmem>>, vector<1x16xf32>,
      %parallel_loop3A_205 = vector.shape_cast %parallel_loop3A_204 : vector<1x16xf32> to vector<16xf32>
      %parallel_loop3A_206 = arith.mulf %parallel_loop3A_200, %parallel_loop3A_205 : vector<16xf32>
      %parallel_loop3A_207 = arith.constant 8 : i32
      %parallel_loop3A_208 = arith.index_cast %parallel_loop3A_207 : i32 to index
      %parallel_loop3A_209 = arith.constant 0 : index
      %parallel_loop3A_210 = tpu.vector_load %arg10[%parallel_loop3A_208, %parallel_loop3A_209] {strides = array<i32>} : memref<16x16xf32, #tpu.memory_space<vmem>>, vector<1x16xf32>,
      %parallel_loop3A_211 = vector.shape_cast %parallel_loop3A_210 : vector<1x16xf32> to vector<16xf32>
      %parallel_loop3A_212 = arith.addf %parallel_loop3A_206, %parallel_loop3A_211 : vector<16xf32>
      %parallel_loop3A_213 = math.exp %parallel_loop3A_212 : vector<16xf32>
      %parallel_loop3A_214 = arith.addf %parallel_loop3A_192, %parallel_loop3A_213 : vector<16xf32>
      %parallel_loop3A_215 = arith.maximumf %parallel_loop3A_193, %parallel_loop3A_213 : vector<16xf32>
      %parallel_loop3A_216 = arith.constant 9 : i32
      %parallel_loop3A_217 = arith.index_cast %parallel_loop3A_216 : i32 to index
      %parallel_loop3A_218 = arith.constant 0 : index
      %parallel_loop3A_219 = tpu.vector_load %arg8[%parallel_loop3A_217, %parallel_loop3A_218] {strides = array<i32>} : memref<16x16xf32, #tpu.memory_space<vmem>>, vector<1x16xf32>,
      %parallel_loop3A_220 = vector.shape_cast %parallel_loop3A_219 : vector<1x16xf32> to vector<16xf32>
      %parallel_loop3A_221 = arith.subf %parallel_loop3A_19, %parallel_loop3A_220 : vector<16xf32>
      %parallel_loop3A_222 = arith.mulf %parallel_loop3A_221, %parallel_loop3A_221 : vector<16xf32>
      %parallel_loop3A_223 = arith.constant 9 : i32
      %parallel_loop3A_224 = arith.index_cast %parallel_loop3A_223 : i32 to index
      %parallel_loop3A_225 = arith.constant 0 : index
      %parallel_loop3A_226 = tpu.vector_load %arg9[%parallel_loop3A_224, %parallel_loop3A_225] {strides = array<i32>} : memref<16x16xf32, #tpu.memory_space<vmem>>, vector<1x16xf32>,
      %parallel_loop3A_227 = vector.shape_cast %parallel_loop3A_226 : vector<1x16xf32> to vector<16xf32>
      %parallel_loop3A_228 = arith.mulf %parallel_loop3A_222, %parallel_loop3A_227 : vector<16xf32>
      %parallel_loop3A_229 = arith.constant 9 : i32
      %parallel_loop3A_230 = arith.index_cast %parallel_loop3A_229 : i32 to index
      %parallel_loop3A_231 = arith.constant 0 : index
      %parallel_loop3A_232 = tpu.vector_load %arg10[%parallel_loop3A_230, %parallel_loop3A_231] {strides = array<i32>} : memref<16x16xf32, #tpu.memory_space<vmem>>, vector<1x16xf32>,
      %parallel_loop3A_233 = vector.shape_cast %parallel_loop3A_232 : vector<1x16xf32> to vector<16xf32>
      %parallel_loop3A_234 = arith.addf %parallel_loop3A_228, %parallel_loop3A_233 : vector<16xf32>
      %parallel_loop3A_235 = math.exp %parallel_loop3A_234 : vector<16xf32>
      %parallel_loop3A_236 = arith.addf %parallel_loop3A_214, %parallel_loop3A_235 : vector<16xf32>
      %parallel_loop3A_237 = arith.maximumf %parallel_loop3A_215, %parallel_loop3A_235 : vector<16xf32>
      %parallel_loop3A_238 = arith.constant 10 : i32
      %parallel_loop3A_239 = arith.index_cast %parallel_loop3A_238 : i32 to index
      %parallel_loop3A_240 = arith.constant 0 : index
      %parallel_loop3A_241 = tpu.vector_load %arg8[%parallel_loop3A_239, %parallel_loop3A_240] {strides = array<i32>} : memref<16x16xf32, #tpu.memory_space<vmem>>, vector<1x16xf32>,
      %parallel_loop3A_242 = vector.shape_cast %parallel_loop3A_241 : vector<1x16xf32> to vector<16xf32>
      %parallel_loop3A_243 = arith.subf %parallel_loop3A_19, %parallel_loop3A_242 : vector<16xf32>
      %parallel_loop3A_244 = arith.mulf %parallel_loop3A_243, %parallel_loop3A_243 : vector<16xf32>
      %parallel_loop3A_245 = arith.constant 10 : i32
      %parallel_loop3A_246 = arith.index_cast %parallel_loop3A_245 : i32 to index
      %parallel_loop3A_247 = arith.constant 0 : index
      %parallel_loop3A_248 = tpu.vector_load %arg9[%parallel_loop3A_246, %parallel_loop3A_247] {strides = array<i32>} : memref<16x16xf32, #tpu.memory_space<vmem>>, vector<1x16xf32>,
      %parallel_loop3A_249 = vector.shape_cast %parallel_loop3A_248 : vector<1x16xf32> to vector<16xf32>
      %parallel_loop3A_250 = arith.mulf %parallel_loop3A_244, %parallel_loop3A_249 : vector<16xf32>
      %parallel_loop3A_251 = arith.constant 10 : i32
      %parallel_loop3A_252 = arith.index_cast %parallel_loop3A_251 : i32 to index
      %parallel_loop3A_253 = arith.constant 0 : index
      %parallel_loop3A_254 = tpu.vector_load %arg10[%parallel_loop3A_252, %parallel_loop3A_253] {strides = array<i32>} : memref<16x16xf32, #tpu.memory_space<vmem>>, vector<1x16xf32>,
      %parallel_loop3A_255 = vector.shape_cast %parallel_loop3A_254 : vector<1x16xf32> to vector<16xf32>
      %parallel_loop3A_256 = arith.addf %parallel_loop3A_250, %parallel_loop3A_255 : vector<16xf32>
      %parallel_loop3A_257 = math.exp %parallel_loop3A_256 : vector<16xf32>
      %parallel_loop3A_258 = arith.addf %parallel_loop3A_236, %parallel_loop3A_257 : vector<16xf32>
      %parallel_loop3A_259 = arith.maximumf %parallel_loop3A_237, %parallel_loop3A_257 : vector<16xf32>
      %parallel_loop3A_260 = arith.constant 11 : i32
      %parallel_loop3A_261 = arith.index_cast %parallel_loop3A_260 : i32 to index
      %parallel_loop3A_262 = arith.constant 0 : index
      %parallel_loop3A_263 = tpu.vector_load %arg8[%parallel_loop3A_261, %parallel_loop3A_262] {strides = array<i32>} : memref<16x16xf32, #tpu.memory_space<vmem>>, vector<1x16xf32>,
      %parallel_loop3A_264 = vector.shape_cast %parallel_loop3A_263 : vector<1x16xf32> to vector<16xf32>
      %parallel_loop3A_265 = arith.subf %parallel_loop3A_19, %parallel_loop3A_264 : vector<16xf32>
      %parallel_loop3A_266 = arith.mulf %parallel_loop3A_265, %parallel_loop3A_265 : vector<16xf32>
      %parallel_loop3A_267 = arith.constant 11 : i32
      %parallel_loop3A_268 = arith.index_cast %parallel_loop3A_267 : i32 to index
      %parallel_loop3A_269 = arith.constant 0 : index
      %parallel_loop3A_270 = tpu.vector_load %arg9[%parallel_loop3A_268, %parallel_loop3A_269] {strides = array<i32>} : memref<16x16xf32, #tpu.memory_space<vmem>>, vector<1x16xf32>,
      %parallel_loop3A_271 = vector.shape_cast %parallel_loop3A_270 : vector<1x16xf32> to vector<16xf32>
      %parallel_loop3A_272 = arith.mulf %parallel_loop3A_266, %parallel_loop3A_271 : vector<16xf32>
      %parallel_loop3A_273 = arith.constant 11 : i32
      %parallel_loop3A_274 = arith.index_cast %parallel_loop3A_273 : i32 to index
      %parallel_loop3A_275 = arith.constant 0 : index
      %parallel_loop3A_276 = tpu.vector_load %arg10[%parallel_loop3A_274, %parallel_loop3A_275] {strides = array<i32>} : memref<16x16xf32, #tpu.memory_space<vmem>>, vector<1x16xf32>,
      %parallel_loop3A_277 = vector.shape_cast %parallel_loop3A_276 : vector<1x16xf32> to vector<16xf32>
      %parallel_loop3A_278 = arith.addf %parallel_loop3A_272, %parallel_loop3A_277 : vector<16xf32>
      %parallel_loop3A_279 = math.exp %parallel_loop3A_278 : vector<16xf32>
      %parallel_loop3A_280 = arith.addf %parallel_loop3A_258, %parallel_loop3A_279 : vector<16xf32>
      %parallel_loop3A_281 = arith.maximumf %parallel_loop3A_259, %parallel_loop3A_279 : vector<16xf32>
      %parallel_loop3A_282 = arith.constant 12 : i32
      %parallel_loop3A_283 = arith.index_cast %parallel_loop3A_282 : i32 to index
      %parallel_loop3A_284 = arith.constant 0 : index
      %parallel_loop3A_285 = tpu.vector_load %arg8[%parallel_loop3A_283, %parallel_loop3A_284] {strides = array<i32>} : memref<16x16xf32, #tpu.memory_space<vmem>>, vector<1x16xf32>,
      %parallel_loop3A_286 = vector.shape_cast %parallel_loop3A_285 : vector<1x16xf32> to vector<16xf32>
      %parallel_loop3A_287 = arith.subf %parallel_loop3A_19, %parallel_loop3A_286 : vector<16xf32>
      %parallel_loop3A_288 = arith.mulf %parallel_loop3A_287, %parallel_loop3A_287 : vector<16xf32>
      %parallel_loop3A_289 = arith.constant 12 : i32
      %parallel_loop3A_290 = arith.index_cast %parallel_loop3A_289 : i32 to index
      %parallel_loop3A_291 = arith.constant 0 : index
      %parallel_loop3A_292 = tpu.vector_load %arg9[%parallel_loop3A_290, %parallel_loop3A_291] {strides = array<i32>} : memref<16x16xf32, #tpu.memory_space<vmem>>, vector<1x16xf32>,
      %parallel_loop3A_293 = vector.shape_cast %parallel_loop3A_292 : vector<1x16xf32> to vector<16xf32>
      %parallel_loop3A_294 = arith.mulf %parallel_loop3A_288, %parallel_loop3A_293 : vector<16xf32>
      %parallel_loop3A_295 = arith.constant 12 : i32
      %parallel_loop3A_296 = arith.index_cast %parallel_loop3A_295 : i32 to index
      %parallel_loop3A_297 = arith.constant 0 : index
      %parallel_loop3A_298 = tpu.vector_load %arg10[%parallel_loop3A_296, %parallel_loop3A_297] {strides = array<i32>} : memref<16x16xf32, #tpu.memory_space<vmem>>, vector<1x16xf32>,
      %parallel_loop3A_299 = vector.shape_cast %parallel_loop3A_298 : vector<1x16xf32> to vector<16xf32>
      %parallel_loop3A_300 = arith.addf %parallel_loop3A_294, %parallel_loop3A_299 : vector<16xf32>
      %parallel_loop3A_301 = math.exp %parallel_loop3A_300 : vector<16xf32>
      %parallel_loop3A_302 = arith.addf %parallel_loop3A_280, %parallel_loop3A_301 : vector<16xf32>
      %parallel_loop3A_303 = arith.maximumf %parallel_loop3A_281, %parallel_loop3A_301 : vector<16xf32>
      %parallel_loop3A_304 = arith.constant 13 : i32
      %parallel_loop3A_305 = arith.index_cast %parallel_loop3A_304 : i32 to index
      %parallel_loop3A_306 = arith.constant 0 : index
      %parallel_loop3A_307 = tpu.vector_load %arg8[%parallel_loop3A_305, %parallel_loop3A_306] {strides = array<i32>} : memref<16x16xf32, #tpu.memory_space<vmem>>, vector<1x16xf32>,
      %parallel_loop3A_308 = vector.shape_cast %parallel_loop3A_307 : vector<1x16xf32> to vector<16xf32>
      %parallel_loop3A_309 = arith.subf %parallel_loop3A_19, %parallel_loop3A_308 : vector<16xf32>
      %parallel_loop3A_310 = arith.mulf %parallel_loop3A_309, %parallel_loop3A_309 : vector<16xf32>
      %parallel_loop3A_311 = arith.constant 13 : i32
      %parallel_loop3A_312 = arith.index_cast %parallel_loop3A_311 : i32 to index
      %parallel_loop3A_313 = arith.constant 0 : index
      %parallel_loop3A_314 = tpu.vector_load %arg9[%parallel_loop3A_312, %parallel_loop3A_313] {strides = array<i32>} : memref<16x16xf32, #tpu.memory_space<vmem>>, vector<1x16xf32>,
      %parallel_loop3A_315 = vector.shape_cast %parallel_loop3A_314 : vector<1x16xf32> to vector<16xf32>
      %parallel_loop3A_316 = arith.mulf %parallel_loop3A_310, %parallel_loop3A_315 : vector<16xf32>
      %parallel_loop3A_317 = arith.constant 13 : i32
      %parallel_loop3A_318 = arith.index_cast %parallel_loop3A_317 : i32 to index
      %parallel_loop3A_319 = arith.constant 0 : index
      %parallel_loop3A_320 = tpu.vector_load %arg10[%parallel_loop3A_318, %parallel_loop3A_319] {strides = array<i32>} : memref<16x16xf32, #tpu.memory_space<vmem>>, vector<1x16xf32>,
      %parallel_loop3A_321 = vector.shape_cast %parallel_loop3A_320 : vector<1x16xf32> to vector<16xf32>
      %parallel_loop3A_322 = arith.addf %parallel_loop3A_316, %parallel_loop3A_321 : vector<16xf32>
      %parallel_loop3A_323 = math.exp %parallel_loop3A_322 : vector<16xf32>
      %parallel_loop3A_324 = arith.addf %parallel_loop3A_302, %parallel_loop3A_323 : vector<16xf32>
      %parallel_loop3A_325 = arith.maximumf %parallel_loop3A_303, %parallel_loop3A_323 : vector<16xf32>
      %parallel_loop3A_326 = arith.constant 14 : i32
      %parallel_loop3A_327 = arith.index_cast %parallel_loop3A_326 : i32 to index
      %parallel_loop3A_328 = arith.constant 0 : index
      %parallel_loop3A_329 = tpu.vector_load %arg8[%parallel_loop3A_327, %parallel_loop3A_328] {strides = array<i32>} : memref<16x16xf32, #tpu.memory_space<vmem>>, vector<1x16xf32>,
      %parallel_loop3A_330 = vector.shape_cast %parallel_loop3A_329 : vector<1x16xf32> to vector<16xf32>
      %parallel_loop3A_331 = arith.subf %parallel_loop3A_19, %parallel_loop3A_330 : vector<16xf32>
      %parallel_loop3A_332 = arith.mulf %parallel_loop3A_331, %parallel_loop3A_331 : vector<16xf32>
      %parallel_loop3A_333 = arith.constant 14 : i32
      %parallel_loop3A_334 = arith.index_cast %parallel_loop3A_333 : i32 to index
      %parallel_loop3A_335 = arith.constant 0 : index
      %parallel_loop3A_336 = tpu.vector_load %arg9[%parallel_loop3A_334, %parallel_loop3A_335] {strides = array<i32>} : memref<16x16xf32, #tpu.memory_space<vmem>>, vector<1x16xf32>,
      %parallel_loop3A_337 = vector.shape_cast %parallel_loop3A_336 : vector<1x16xf32> to vector<16xf32>
      %parallel_loop3A_338 = arith.mulf %parallel_loop3A_332, %parallel_loop3A_337 : vector<16xf32>
      %parallel_loop3A_339 = arith.constant 14 : i32
      %parallel_loop3A_340 = arith.index_cast %parallel_loop3A_339 : i32 to index
      %parallel_loop3A_341 = arith.constant 0 : index
      %parallel_loop3A_342 = tpu.vector_load %arg10[%parallel_loop3A_340, %parallel_loop3A_341] {strides = array<i32>} : memref<16x16xf32, #tpu.memory_space<vmem>>, vector<1x16xf32>,
      %parallel_loop3A_343 = vector.shape_cast %parallel_loop3A_342 : vector<1x16xf32> to vector<16xf32>
      %parallel_loop3A_344 = arith.addf %parallel_loop3A_338, %parallel_loop3A_343 : vector<16xf32>
      %parallel_loop3A_345 = math.exp %parallel_loop3A_344 : vector<16xf32>
      %parallel_loop3A_346 = arith.addf %parallel_loop3A_324, %parallel_loop3A_345 : vector<16xf32>
      %parallel_loop3A_347 = arith.maximumf %parallel_loop3A_325, %parallel_loop3A_345 : vector<16xf32>
      %parallel_loop3A_348 = arith.constant 15 : i32
      %parallel_loop3A_349 = arith.index_cast %parallel_loop3A_348 : i32 to index
      %parallel_loop3A_350 = arith.constant 0 : index
      %parallel_loop3A_351 = tpu.vector_load %arg8[%parallel_loop3A_349, %parallel_loop3A_350] {strides = array<i32>} : memref<16x16xf32, #tpu.memory_space<vmem>>, vector<1x16xf32>,
      %parallel_loop3A_352 = vector.shape_cast %parallel_loop3A_351 : vector<1x16xf32> to vector<16xf32>
      %parallel_loop3A_353 = arith.subf %parallel_loop3A_19, %parallel_loop3A_352 : vector<16xf32>
      %parallel_loop3A_354 = arith.mulf %parallel_loop3A_353, %parallel_loop3A_353 : vector<16xf32>
      %parallel_loop3A_355 = arith.constant 15 : i32
      %parallel_loop3A_356 = arith.index_cast %parallel_loop3A_355 : i32 to index
      %parallel_loop3A_357 = arith.constant 0 : index
      %parallel_loop3A_358 = tpu.vector_load %arg9[%parallel_loop3A_356, %parallel_loop3A_357] {strides = array<i32>} : memref<16x16xf32, #tpu.memory_space<vmem>>, vector<1x16xf32>,
      %parallel_loop3A_359 = vector.shape_cast %parallel_loop3A_358 : vector<1x16xf32> to vector<16xf32>
      %parallel_loop3A_360 = arith.mulf %parallel_loop3A_354, %parallel_loop3A_359 : vector<16xf32>
      %parallel_loop3A_361 = arith.constant 15 : i32
      %parallel_loop3A_362 = arith.index_cast %parallel_loop3A_361 : i32 to index
      %parallel_loop3A_363 = arith.constant 0 : index
      %parallel_loop3A_364 = tpu.vector_load %arg10[%parallel_loop3A_362, %parallel_loop3A_363] {strides = array<i32>} : memref<16x16xf32, #tpu.memory_space<vmem>>, vector<1x16xf32>,
      %parallel_loop3A_365 = vector.shape_cast %parallel_loop3A_364 : vector<1x16xf32> to vector<16xf32>
      %parallel_loop3A_366 = arith.addf %parallel_loop3A_360, %parallel_loop3A_365 : vector<16xf32>
      %parallel_loop3A_367 = math.exp %parallel_loop3A_366 : vector<16xf32>
      %parallel_loop3A_368 = arith.addf %parallel_loop3A_346, %parallel_loop3A_367 : vector<16xf32>
      %parallel_loop3A_369 = arith.maximumf %parallel_loop3A_347, %parallel_loop3A_367 : vector<16xf32>
      %parallel_loop3A_370 = arith.constant 9.99999993E-9 : f32
      %parallel_loop3A_371 = vector.broadcast %parallel_loop3A_370 : f32 to vector<16xf32>
      %parallel_loop3A_372 = arith.addf %parallel_loop3A_368, %parallel_loop3A_371 : vector<16xf32>
      %parallel_loop3A_373 = arith.divf %parallel_loop3A_16, %parallel_loop3A_372 : vector<16xf32>
      %parallel_loop3A_374 = arith.mulf %parallel_loop3A_369, %parallel_loop3A_373 : vector<16xf32>
      %parallel_loop3A_375 = arith.mulf %parallel_loop3A_39, %parallel_loop3A_373 : vector<16xf32>
      %parallel_loop3A_376 = arith.subf %parallel_loop3A_375, %parallel_loop3A_374 : vector<16xf32>
      %parallel_loop3A_377 = math.exp %parallel_loop3A_376 : vector<16xf32>
      %parallel_loop3A_378 = arith.mulf %parallel_loop3A_59, %parallel_loop3A_373 : vector<16xf32>
      %parallel_loop3A_379 = arith.subf %parallel_loop3A_378, %parallel_loop3A_374 : vector<16xf32>
      %parallel_loop3A_380 = math.exp %parallel_loop3A_379 : vector<16xf32>
      %parallel_loop3A_381 = arith.addf %parallel_loop3A_377, %parallel_loop3A_380 : vector<16xf32>
      %parallel_loop3A_382 = arith.constant 1 : i32
      %parallel_loop3A_383 = arith.index_cast %parallel_loop3A_382 : i32 to index
      %parallel_loop3A_384 = arith.constant 0 : index
      %parallel_loop3A_385 = tpu.vector_load %arg8[%parallel_loop3A_383, %parallel_loop3A_384] {strides = array<i32>} : memref<16x16xf32, #tpu.memory_space<vmem>>, vector<1x16xf32>,
      %parallel_loop3A_386 = vector.shape_cast %parallel_loop3A_385 : vector<1x16xf32> to vector<16xf32>
      %parallel_loop3A_387 = arith.mulf %parallel_loop3A_380, %parallel_loop3A_386 : vector<16xf32>
      %parallel_loop3A_388 = arith.mulf %parallel_loop3A_81, %parallel_loop3A_373 : vector<16xf32>
      %parallel_loop3A_389 = arith.subf %parallel_loop3A_388, %parallel_loop3A_374 : vector<16xf32>
      %parallel_loop3A_390 = math.exp %parallel_loop3A_389 : vector<16xf32>
      %parallel_loop3A_391 = arith.addf %parallel_loop3A_381, %parallel_loop3A_390 : vector<16xf32>
      %parallel_loop3A_392 = arith.constant 2 : i32
      %parallel_loop3A_393 = arith.index_cast %parallel_loop3A_392 : i32 to index
      %parallel_loop3A_394 = arith.constant 0 : index
      %parallel_loop3A_395 = tpu.vector_load %arg8[%parallel_loop3A_393, %parallel_loop3A_394] {strides = array<i32>} : memref<16x16xf32, #tpu.memory_space<vmem>>, vector<1x16xf32>,
      %parallel_loop3A_396 = vector.shape_cast %parallel_loop3A_395 : vector<1x16xf32> to vector<16xf32>
      %parallel_loop3A_397 = arith.mulf %parallel_loop3A_390, %parallel_loop3A_396 : vector<16xf32>
      %parallel_loop3A_398 = arith.addf %parallel_loop3A_387, %parallel_loop3A_397 : vector<16xf32>
      %parallel_loop3A_399 = arith.mulf %parallel_loop3A_103, %parallel_loop3A_373 : vector<16xf32>
      %parallel_loop3A_400 = arith.subf %parallel_loop3A_399, %parallel_loop3A_374 : vector<16xf32>
      %parallel_loop3A_401 = math.exp %parallel_loop3A_400 : vector<16xf32>
      %parallel_loop3A_402 = arith.addf %parallel_loop3A_391, %parallel_loop3A_401 : vector<16xf32>
      %parallel_loop3A_403 = arith.constant 3 : i32
      %parallel_loop3A_404 = arith.index_cast %parallel_loop3A_403 : i32 to index
      %parallel_loop3A_405 = arith.constant 0 : index
      %parallel_loop3A_406 = tpu.vector_load %arg8[%parallel_loop3A_404, %parallel_loop3A_405] {strides = array<i32>} : memref<16x16xf32, #tpu.memory_space<vmem>>, vector<1x16xf32>,
      %parallel_loop3A_407 = vector.shape_cast %parallel_loop3A_406 : vector<1x16xf32> to vector<16xf32>
      %parallel_loop3A_408 = arith.mulf %parallel_loop3A_401, %parallel_loop3A_407 : vector<16xf32>
      %parallel_loop3A_409 = arith.addf %parallel_loop3A_398, %parallel_loop3A_408 : vector<16xf32>
      %parallel_loop3A_410 = arith.mulf %parallel_loop3A_125, %parallel_loop3A_373 : vector<16xf32>
      %parallel_loop3A_411 = arith.subf %parallel_loop3A_410, %parallel_loop3A_374 : vector<16xf32>
      %parallel_loop3A_412 = math.exp %parallel_loop3A_411 : vector<16xf32>
      %parallel_loop3A_413 = arith.addf %parallel_loop3A_402, %parallel_loop3A_412 : vector<16xf32>
      %parallel_loop3A_414 = arith.constant 4 : i32
      %parallel_loop3A_415 = arith.index_cast %parallel_loop3A_414 : i32 to index
      %parallel_loop3A_416 = arith.constant 0 : index
      %parallel_loop3A_417 = tpu.vector_load %arg8[%parallel_loop3A_415, %parallel_loop3A_416] {strides = array<i32>} : memref<16x16xf32, #tpu.memory_space<vmem>>, vector<1x16xf32>,
      %parallel_loop3A_418 = vector.shape_cast %parallel_loop3A_417 : vector<1x16xf32> to vector<16xf32>
      %parallel_loop3A_419 = arith.mulf %parallel_loop3A_412, %parallel_loop3A_418 : vector<16xf32>
      %parallel_loop3A_420 = arith.addf %parallel_loop3A_409, %parallel_loop3A_419 : vector<16xf32>
      %parallel_loop3A_421 = arith.mulf %parallel_loop3A_147, %parallel_loop3A_373 : vector<16xf32>
      %parallel_loop3A_422 = arith.subf %parallel_loop3A_421, %parallel_loop3A_374 : vector<16xf32>
      %parallel_loop3A_423 = math.exp %parallel_loop3A_422 : vector<16xf32>
      %parallel_loop3A_424 = arith.addf %parallel_loop3A_413, %parallel_loop3A_423 : vector<16xf32>
      %parallel_loop3A_425 = arith.constant 5 : i32
      %parallel_loop3A_426 = arith.index_cast %parallel_loop3A_425 : i32 to index
      %parallel_loop3A_427 = arith.constant 0 : index
      %parallel_loop3A_428 = tpu.vector_load %arg8[%parallel_loop3A_426, %parallel_loop3A_427] {strides = array<i32>} : memref<16x16xf32, #tpu.memory_space<vmem>>, vector<1x16xf32>,
      %parallel_loop3A_429 = vector.shape_cast %parallel_loop3A_428 : vector<1x16xf32> to vector<16xf32>
      %parallel_loop3A_430 = arith.mulf %parallel_loop3A_423, %parallel_loop3A_429 : vector<16xf32>
      %parallel_loop3A_431 = arith.addf %parallel_loop3A_420, %parallel_loop3A_430 : vector<16xf32>
      %parallel_loop3A_432 = arith.mulf %parallel_loop3A_169, %parallel_loop3A_373 : vector<16xf32>
      %parallel_loop3A_433 = arith.subf %parallel_loop3A_432, %parallel_loop3A_374 : vector<16xf32>
      %parallel_loop3A_434 = math.exp %parallel_loop3A_433 : vector<16xf32>
      %parallel_loop3A_435 = arith.addf %parallel_loop3A_424, %parallel_loop3A_434 : vector<16xf32>
      %parallel_loop3A_436 = arith.constant 6 : i32
      %parallel_loop3A_437 = arith.index_cast %parallel_loop3A_436 : i32 to index
      %parallel_loop3A_438 = arith.constant 0 : index
      %parallel_loop3A_439 = tpu.vector_load %arg8[%parallel_loop3A_437, %parallel_loop3A_438] {strides = array<i32>} : memref<16x16xf32, #tpu.memory_space<vmem>>, vector<1x16xf32>,
      %parallel_loop3A_440 = vector.shape_cast %parallel_loop3A_439 : vector<1x16xf32> to vector<16xf32>
      %parallel_loop3A_441 = arith.mulf %parallel_loop3A_434, %parallel_loop3A_440 : vector<16xf32>
      %parallel_loop3A_442 = arith.addf %parallel_loop3A_431, %parallel_loop3A_441 : vector<16xf32>
      %parallel_loop3A_443 = arith.mulf %parallel_loop3A_191, %parallel_loop3A_373 : vector<16xf32>
      %parallel_loop3A_444 = arith.subf %parallel_loop3A_443, %parallel_loop3A_374 : vector<16xf32>
      %parallel_loop3A_445 = math.exp %parallel_loop3A_444 : vector<16xf32>
      %parallel_loop3A_446 = arith.addf %parallel_loop3A_435, %parallel_loop3A_445 : vector<16xf32>
      %parallel_loop3A_447 = arith.constant 7 : i32
      %parallel_loop3A_448 = arith.index_cast %parallel_loop3A_447 : i32 to index
      %parallel_loop3A_449 = arith.constant 0 : index
      %parallel_loop3A_450 = tpu.vector_load %arg8[%parallel_loop3A_448, %parallel_loop3A_449] {strides = array<i32>} : memref<16x16xf32, #tpu.memory_space<vmem>>, vector<1x16xf32>,
      %parallel_loop3A_451 = vector.shape_cast %parallel_loop3A_450 : vector<1x16xf32> to vector<16xf32>
      %parallel_loop3A_452 = arith.mulf %parallel_loop3A_445, %parallel_loop3A_451 : vector<16xf32>
      %parallel_loop3A_453 = arith.addf %parallel_loop3A_442, %parallel_loop3A_452 : vector<16xf32>
      %parallel_loop3A_454 = arith.mulf %parallel_loop3A_213, %parallel_loop3A_373 : vector<16xf32>
      %parallel_loop3A_455 = arith.subf %parallel_loop3A_454, %parallel_loop3A_374 : vector<16xf32>
      %parallel_loop3A_456 = math.exp %parallel_loop3A_455 : vector<16xf32>
      %parallel_loop3A_457 = arith.addf %parallel_loop3A_446, %parallel_loop3A_456 : vector<16xf32>
      %parallel_loop3A_458 = arith.constant 8 : i32
      %parallel_loop3A_459 = arith.index_cast %parallel_loop3A_458 : i32 to index
      %parallel_loop3A_460 = arith.constant 0 : index
      %parallel_loop3A_461 = tpu.vector_load %arg8[%parallel_loop3A_459, %parallel_loop3A_460] {strides = array<i32>} : memref<16x16xf32, #tpu.memory_space<vmem>>, vector<1x16xf32>,
      %parallel_loop3A_462 = vector.shape_cast %parallel_loop3A_461 : vector<1x16xf32> to vector<16xf32>
      %parallel_loop3A_463 = arith.mulf %parallel_loop3A_456, %parallel_loop3A_462 : vector<16xf32>
      %parallel_loop3A_464 = arith.addf %parallel_loop3A_453, %parallel_loop3A_463 : vector<16xf32>
      %parallel_loop3A_465 = arith.mulf %parallel_loop3A_235, %parallel_loop3A_373 : vector<16xf32>
      %parallel_loop3A_466 = arith.subf %parallel_loop3A_465, %parallel_loop3A_374 : vector<16xf32>
      %parallel_loop3A_467 = math.exp %parallel_loop3A_466 : vector<16xf32>
      %parallel_loop3A_468 = arith.addf %parallel_loop3A_457, %parallel_loop3A_467 : vector<16xf32>
      %parallel_loop3A_469 = arith.constant 9 : i32
      %parallel_loop3A_470 = arith.index_cast %parallel_loop3A_469 : i32 to index
      %parallel_loop3A_471 = arith.constant 0 : index
      %parallel_loop3A_472 = tpu.vector_load %arg8[%parallel_loop3A_470, %parallel_loop3A_471] {strides = array<i32>} : memref<16x16xf32, #tpu.memory_space<vmem>>, vector<1x16xf32>,
      %parallel_loop3A_473 = vector.shape_cast %parallel_loop3A_472 : vector<1x16xf32> to vector<16xf32>
      %parallel_loop3A_474 = arith.mulf %parallel_loop3A_467, %parallel_loop3A_473 : vector<16xf32>
      %parallel_loop3A_475 = arith.addf %parallel_loop3A_464, %parallel_loop3A_474 : vector<16xf32>
      %parallel_loop3A_476 = arith.mulf %parallel_loop3A_257, %parallel_loop3A_373 : vector<16xf32>
      %parallel_loop3A_477 = arith.subf %parallel_loop3A_476, %parallel_loop3A_374 : vector<16xf32>
      %parallel_loop3A_478 = math.exp %parallel_loop3A_477 : vector<16xf32>
      %parallel_loop3A_479 = arith.addf %parallel_loop3A_468, %parallel_loop3A_478 : vector<16xf32>
      %parallel_loop3A_480 = arith.constant 10 : i32
      %parallel_loop3A_481 = arith.index_cast %parallel_loop3A_480 : i32 to index
      %parallel_loop3A_482 = arith.constant 0 : index
      %parallel_loop3A_483 = tpu.vector_load %arg8[%parallel_loop3A_481, %parallel_loop3A_482] {strides = array<i32>} : memref<16x16xf32, #tpu.memory_space<vmem>>, vector<1x16xf32>,
      %parallel_loop3A_484 = vector.shape_cast %parallel_loop3A_483 : vector<1x16xf32> to vector<16xf32>
      %parallel_loop3A_485 = arith.mulf %parallel_loop3A_478, %parallel_loop3A_484 : vector<16xf32>
      %parallel_loop3A_486 = arith.addf %parallel_loop3A_475, %parallel_loop3A_485 : vector<16xf32>
      %parallel_loop3A_487 = arith.mulf %parallel_loop3A_279, %parallel_loop3A_373 : vector<16xf32>
      %parallel_loop3A_488 = arith.subf %parallel_loop3A_487, %parallel_loop3A_374 : vector<16xf32>
      %parallel_loop3A_489 = math.exp %parallel_loop3A_488 : vector<16xf32>
      %parallel_loop3A_490 = arith.addf %parallel_loop3A_479, %parallel_loop3A_489 : vector<16xf32>
      %parallel_loop3A_491 = arith.constant 11 : i32
      %parallel_loop3A_492 = arith.index_cast %parallel_loop3A_491 : i32 to index
      %parallel_loop3A_493 = arith.constant 0 : index
      %parallel_loop3A_494 = tpu.vector_load %arg8[%parallel_loop3A_492, %parallel_loop3A_493] {strides = array<i32>} : memref<16x16xf32, #tpu.memory_space<vmem>>, vector<1x16xf32>,
      %parallel_loop3A_495 = vector.shape_cast %parallel_loop3A_494 : vector<1x16xf32> to vector<16xf32>
      %parallel_loop3A_496 = arith.mulf %parallel_loop3A_489, %parallel_loop3A_495 : vector<16xf32>
      %parallel_loop3A_497 = arith.addf %parallel_loop3A_486, %parallel_loop3A_496 : vector<16xf32>
      %parallel_loop3A_498 = arith.mulf %parallel_loop3A_301, %parallel_loop3A_373 : vector<16xf32>
      %parallel_loop3A_499 = arith.subf %parallel_loop3A_498, %parallel_loop3A_374 : vector<16xf32>
      %parallel_loop3A_500 = math.exp %parallel_loop3A_499 : vector<16xf32>
      %parallel_loop3A_501 = arith.addf %parallel_loop3A_490, %parallel_loop3A_500 : vector<16xf32>
      %parallel_loop3A_502 = arith.constant 12 : i32
      %parallel_loop3A_503 = arith.index_cast %parallel_loop3A_502 : i32 to index
      %parallel_loop3A_504 = arith.constant 0 : index
      %parallel_loop3A_505 = tpu.vector_load %arg8[%parallel_loop3A_503, %parallel_loop3A_504] {strides = array<i32>} : memref<16x16xf32, #tpu.memory_space<vmem>>, vector<1x16xf32>,
      %parallel_loop3A_506 = vector.shape_cast %parallel_loop3A_505 : vector<1x16xf32> to vector<16xf32>
      %parallel_loop3A_507 = arith.mulf %parallel_loop3A_500, %parallel_loop3A_506 : vector<16xf32>
      %parallel_loop3A_508 = arith.addf %parallel_loop3A_497, %parallel_loop3A_507 : vector<16xf32>
      %parallel_loop3A_509 = arith.mulf %parallel_loop3A_323, %parallel_loop3A_373 : vector<16xf32>
      %parallel_loop3A_510 = arith.subf %parallel_loop3A_509, %parallel_loop3A_374 : vector<16xf32>
      %parallel_loop3A_511 = math.exp %parallel_loop3A_510 : vector<16xf32>
      %parallel_loop3A_512 = arith.addf %parallel_loop3A_501, %parallel_loop3A_511 : vector<16xf32>
      %parallel_loop3A_513 = arith.constant 13 : i32
      %parallel_loop3A_514 = arith.index_cast %parallel_loop3A_513 : i32 to index
      %parallel_loop3A_515 = arith.constant 0 : index
      %parallel_loop3A_516 = tpu.vector_load %arg8[%parallel_loop3A_514, %parallel_loop3A_515] {strides = array<i32>} : memref<16x16xf32, #tpu.memory_space<vmem>>, vector<1x16xf32>,
      %parallel_loop3A_517 = vector.shape_cast %parallel_loop3A_516 : vector<1x16xf32> to vector<16xf32>
      %parallel_loop3A_518 = arith.mulf %parallel_loop3A_511, %parallel_loop3A_517 : vector<16xf32>
      %parallel_loop3A_519 = arith.addf %parallel_loop3A_508, %parallel_loop3A_518 : vector<16xf32>
      %parallel_loop3A_520 = arith.mulf %parallel_loop3A_345, %parallel_loop3A_373 : vector<16xf32>
      %parallel_loop3A_521 = arith.subf %parallel_loop3A_520, %parallel_loop3A_374 : vector<16xf32>
      %parallel_loop3A_522 = math.exp %parallel_loop3A_521 : vector<16xf32>
      %parallel_loop3A_523 = arith.addf %parallel_loop3A_512, %parallel_loop3A_522 : vector<16xf32>
      %parallel_loop3A_524 = arith.constant 14 : i32
      %parallel_loop3A_525 = arith.index_cast %parallel_loop3A_524 : i32 to index
      %parallel_loop3A_526 = arith.constant 0 : index
      %parallel_loop3A_527 = tpu.vector_load %arg8[%parallel_loop3A_525, %parallel_loop3A_526] {strides = array<i32>} : memref<16x16xf32, #tpu.memory_space<vmem>>, vector<1x16xf32>,
      %parallel_loop3A_528 = vector.shape_cast %parallel_loop3A_527 : vector<1x16xf32> to vector<16xf32>
      %parallel_loop3A_529 = arith.mulf %parallel_loop3A_522, %parallel_loop3A_528 : vector<16xf32>
      %parallel_loop3A_530 = arith.addf %parallel_loop3A_519, %parallel_loop3A_529 : vector<16xf32>
      %parallel_loop3A_531 = arith.mulf %parallel_loop3A_367, %parallel_loop3A_373 : vector<16xf32>
      %parallel_loop3A_532 = arith.subf %parallel_loop3A_531, %parallel_loop3A_374 : vector<16xf32>
      %parallel_loop3A_533 = math.exp %parallel_loop3A_532 : vector<16xf32>
      %parallel_loop3A_534 = arith.addf %parallel_loop3A_523, %parallel_loop3A_533 : vector<16xf32>
      %parallel_loop3A_535 = arith.constant 15 : i32
      %parallel_loop3A_536 = arith.index_cast %parallel_loop3A_535 : i32 to index
      %parallel_loop3A_537 = arith.constant 0 : index
      %parallel_loop3A_538 = tpu.vector_load %arg8[%parallel_loop3A_536, %parallel_loop3A_537] {strides = array<i32>} : memref<16x16xf32, #tpu.memory_space<vmem>>, vector<1x16xf32>,
      %parallel_loop3A_539 = vector.shape_cast %parallel_loop3A_538 : vector<1x16xf32> to vector<16xf32>
      %parallel_loop3A_540 = arith.mulf %parallel_loop3A_533, %parallel_loop3A_539 : vector<16xf32>
      %parallel_loop3A_541 = arith.addf %parallel_loop3A_530, %parallel_loop3A_540 : vector<16xf32>
      %parallel_loop3A_542 = arith.divf %parallel_loop3A_541, %parallel_loop3A_534 : vector<16xf32>
      %parallel_loop3A_543 = arith.index_cast %parallel_loop3A_13 : i32 to index
      %parallel_loop3A_544 = tpu.vector_load %arg13[%parallel_loop3A_543] {strides = array<i32>} : memref<11776xf32, #tpu.memory_space<vmem>>, vector<16xf32>,
      %parallel_loop3A_545 = vector.shape_cast %parallel_loop3A_544 : vector<16xf32> to vector<16xf32>
      %parallel_loop3A_546 = vector.shape_cast %parallel_loop3A_542 : vector<16xf32> to vector<16xf32>
      tpu.vector_store %arg13[%parallel_loop3A_543], %parallel_loop3A_546 {strides = array<i32>} : memref<11776xf32, #tpu.memory_space<vmem>>, vector<16xf32>,
    } {sc.loop_unroll_factor = 2 : i64, sc.parallel_access}
    "tpu.region"() ({
      %run_scoped3A = tpu.sem_alloc : memref<!tpu.dma_semaphore, #tpu.memory_space<semaphore_mem>>
      %dma_start3A = tpu.memref_slice %arg7[%add3A_9] : memref<376832xf32, #tpu.memory_space<hbm>> -> memref<11776xf32, #tpu.memory_space<hbm>>
      %dma_start3A_13 = tpu.memref_slice %arg7[%add3A_9] : memref<376832xf32, #tpu.memory_space<hbm>> -> memref<11776xf32, #tpu.memory_space<hbm>>
      tpu.enqueue_dma source(%arg13 : memref<11776xf32, #tpu.memory_space<vmem>>) target(%dma_start3A_13 : memref<11776xf32, #tpu.memory_space<hbm>>) target_semaphore(%run_scoped3A : memref<!tpu.dma_semaphore, #tpu.memory_space<semaphore_mem>>)
      %dma_wait3A = tpu.memref_slice %arg7[%add3A_9] : memref<376832xf32, #tpu.memory_space<hbm>> -> memref<11776xf32, #tpu.memory_space<hbm>>
      %dma_wait3A_14 = tpu.memref_slice %arg7[%add3A_9] : memref<376832xf32, #tpu.memory_space<hbm>> -> memref<11776xf32, #tpu.memory_space<hbm>>
      tpu.wait_dma2 semaphore(%run_scoped3A : memref<!tpu.dma_semaphore, #tpu.memory_space<semaphore_mem>>) src(%arg13 : memref<11776xf32, #tpu.memory_space<vmem>>) dst(%dma_wait3A_14 : memref<11776xf32, #tpu.memory_space<hbm>>)
      tpu.yield
    }) : () -> ()
    %scan3A_12 = arith.constant 1 : i32
    return
  }
}

module attributes {stable_mosaic.version = 14 : i64} {
  func.func @_tc_body(%arg0: i32, %arg1: memref<16xf32, #tpu.memory_space<smem>>, %arg2: memref<16xf32, #tpu.memory_space<smem>>, %arg3: memref<16xf32, #tpu.memory_space<smem>>, %arg4: memref<1xf32, #tpu.memory_space<smem>>, %arg5: memref<168x2048xf32, #tpu.memory_space<vmem>>, %arg6: memref<168x2048xf32, #tpu.memory_space<vmem>>) attributes {dimension_semantics = [#tpu.dimension_semantics<arbitrary>], iteration_bounds = array<i64: 5>, scalar_prefetch = 0 : i64, scratch_operands = 0 : i64, tpu.core_type = #tpu.core_type<tc>, window_params = [{transform_indices = @transform_0, window_bounds = array<i64: 16>}, {transform_indices = @transform_1, window_bounds = array<i64: 16>}, {transform_indices = @transform_2, window_bounds = array<i64: 16>}, {transform_indices = @transform_3, window_bounds = array<i64: 1>}, {transform_indices = @transform_4, window_bounds = array<i64: 168, 2048>}, {transform_indices = @transform_5, window_bounds = array<i64: 168, 2048>}]} {
    %get3A = arith.constant 0 : index
    %get3A_0 = arith.constant 0 : index
    %get3A_1 = vector.load %arg5[%get3A, %get3A_0] : memref<168x2048xf32, #tpu.memory_space<vmem>>, vector<168x2048xf32>
    %get3A_2 = arith.constant 0 : index
    %get3A_3 = memref.load %arg4[%get3A_2] : memref<1xf32, #tpu.memory_space<smem>>
    %get3A_4 = arith.constant 0 : index
    %get3A_5 = memref.load %arg1[%get3A_4] : memref<16xf32, #tpu.memory_space<smem>>
    %sub3A = vector.broadcast %get3A_5 : f32 to vector<168x2048xf32>
    %sub3A_6 = arith.subf %get3A_1, %sub3A : vector<168x2048xf32>
    %mul3A = arith.mulf %sub3A_6, %sub3A_6 : vector<168x2048xf32>
    %get3A_7 = arith.constant 0 : index
    %get3A_8 = memref.load %arg2[%get3A_7] : memref<16xf32, #tpu.memory_space<smem>>
    %mul3A_9 = vector.broadcast %get3A_8 : f32 to vector<168x2048xf32>
    %mul3A_10 = arith.mulf %mul3A, %mul3A_9 : vector<168x2048xf32>
    %get3A_11 = arith.constant 0 : index
    %get3A_12 = memref.load %arg3[%get3A_11] : memref<16xf32, #tpu.memory_space<smem>>
    %add3A = vector.broadcast %get3A_12 : f32 to vector<168x2048xf32>
    %add3A_13 = arith.addf %mul3A_10, %add3A : vector<168x2048xf32>
    %exp23A = math.exp2 %add3A_13 : vector<168x2048xf32>
    %get3A_14 = arith.constant 1 : index
    %get3A_15 = memref.load %arg1[%get3A_14] : memref<16xf32, #tpu.memory_space<smem>>
    %sub3A_16 = vector.broadcast %get3A_15 : f32 to vector<168x2048xf32>
    %sub3A_17 = arith.subf %get3A_1, %sub3A_16 : vector<168x2048xf32>
    %mul3A_18 = arith.mulf %sub3A_17, %sub3A_17 : vector<168x2048xf32>
    %get3A_19 = arith.constant 1 : index
    %get3A_20 = memref.load %arg2[%get3A_19] : memref<16xf32, #tpu.memory_space<smem>>
    %mul3A_21 = vector.broadcast %get3A_20 : f32 to vector<168x2048xf32>
    %mul3A_22 = arith.mulf %mul3A_18, %mul3A_21 : vector<168x2048xf32>
    %get3A_23 = arith.constant 1 : index
    %get3A_24 = memref.load %arg3[%get3A_23] : memref<16xf32, #tpu.memory_space<smem>>
    %add3A_25 = vector.broadcast %get3A_24 : f32 to vector<168x2048xf32>
    %add3A_26 = arith.addf %mul3A_22, %add3A_25 : vector<168x2048xf32>
    %exp23A_27 = math.exp2 %add3A_26 : vector<168x2048xf32>
    %add3A_28 = arith.addf %exp23A, %exp23A_27 : vector<168x2048xf32>
    %max3A = arith.maximumf %exp23A, %exp23A_27 : vector<168x2048xf32>
    %get3A_29 = arith.constant 2 : index
    %get3A_30 = memref.load %arg1[%get3A_29] : memref<16xf32, #tpu.memory_space<smem>>
    %sub3A_31 = vector.broadcast %get3A_30 : f32 to vector<168x2048xf32>
    %sub3A_32 = arith.subf %get3A_1, %sub3A_31 : vector<168x2048xf32>
    %mul3A_33 = arith.mulf %sub3A_32, %sub3A_32 : vector<168x2048xf32>
    %get3A_34 = arith.constant 2 : index
    %get3A_35 = memref.load %arg2[%get3A_34] : memref<16xf32, #tpu.memory_space<smem>>
    %mul3A_36 = vector.broadcast %get3A_35 : f32 to vector<168x2048xf32>
    %mul3A_37 = arith.mulf %mul3A_33, %mul3A_36 : vector<168x2048xf32>
    %get3A_38 = arith.constant 2 : index
    %get3A_39 = memref.load %arg3[%get3A_38] : memref<16xf32, #tpu.memory_space<smem>>
    %add3A_40 = vector.broadcast %get3A_39 : f32 to vector<168x2048xf32>
    %add3A_41 = arith.addf %mul3A_37, %add3A_40 : vector<168x2048xf32>
    %exp23A_42 = math.exp2 %add3A_41 : vector<168x2048xf32>
    %add3A_43 = arith.addf %add3A_28, %exp23A_42 : vector<168x2048xf32>
    %max3A_44 = arith.maximumf %max3A, %exp23A_42 : vector<168x2048xf32>
    %get3A_45 = arith.constant 3 : index
    %get3A_46 = memref.load %arg1[%get3A_45] : memref<16xf32, #tpu.memory_space<smem>>
    %sub3A_47 = vector.broadcast %get3A_46 : f32 to vector<168x2048xf32>
    %sub3A_48 = arith.subf %get3A_1, %sub3A_47 : vector<168x2048xf32>
    %mul3A_49 = arith.mulf %sub3A_48, %sub3A_48 : vector<168x2048xf32>
    %get3A_50 = arith.constant 3 : index
    %get3A_51 = memref.load %arg2[%get3A_50] : memref<16xf32, #tpu.memory_space<smem>>
    %mul3A_52 = vector.broadcast %get3A_51 : f32 to vector<168x2048xf32>
    %mul3A_53 = arith.mulf %mul3A_49, %mul3A_52 : vector<168x2048xf32>
    %get3A_54 = arith.constant 3 : index
    %get3A_55 = memref.load %arg3[%get3A_54] : memref<16xf32, #tpu.memory_space<smem>>
    %add3A_56 = vector.broadcast %get3A_55 : f32 to vector<168x2048xf32>
    %add3A_57 = arith.addf %mul3A_53, %add3A_56 : vector<168x2048xf32>
    %exp23A_58 = math.exp2 %add3A_57 : vector<168x2048xf32>
    %add3A_59 = arith.addf %add3A_43, %exp23A_58 : vector<168x2048xf32>
    %max3A_60 = arith.maximumf %max3A_44, %exp23A_58 : vector<168x2048xf32>
    %get3A_61 = arith.constant 4 : index
    %get3A_62 = memref.load %arg1[%get3A_61] : memref<16xf32, #tpu.memory_space<smem>>
    %sub3A_63 = vector.broadcast %get3A_62 : f32 to vector<168x2048xf32>
    %sub3A_64 = arith.subf %get3A_1, %sub3A_63 : vector<168x2048xf32>
    %mul3A_65 = arith.mulf %sub3A_64, %sub3A_64 : vector<168x2048xf32>
    %get3A_66 = arith.constant 4 : index
    %get3A_67 = memref.load %arg2[%get3A_66] : memref<16xf32, #tpu.memory_space<smem>>
    %mul3A_68 = vector.broadcast %get3A_67 : f32 to vector<168x2048xf32>
    %mul3A_69 = arith.mulf %mul3A_65, %mul3A_68 : vector<168x2048xf32>
    %get3A_70 = arith.constant 4 : index
    %get3A_71 = memref.load %arg3[%get3A_70] : memref<16xf32, #tpu.memory_space<smem>>
    %add3A_72 = vector.broadcast %get3A_71 : f32 to vector<168x2048xf32>
    %add3A_73 = arith.addf %mul3A_69, %add3A_72 : vector<168x2048xf32>
    %exp23A_74 = math.exp2 %add3A_73 : vector<168x2048xf32>
    %add3A_75 = arith.addf %add3A_59, %exp23A_74 : vector<168x2048xf32>
    %max3A_76 = arith.maximumf %max3A_60, %exp23A_74 : vector<168x2048xf32>
    %get3A_77 = arith.constant 5 : index
    %get3A_78 = memref.load %arg1[%get3A_77] : memref<16xf32, #tpu.memory_space<smem>>
    %sub3A_79 = vector.broadcast %get3A_78 : f32 to vector<168x2048xf32>
    %sub3A_80 = arith.subf %get3A_1, %sub3A_79 : vector<168x2048xf32>
    %mul3A_81 = arith.mulf %sub3A_80, %sub3A_80 : vector<168x2048xf32>
    %get3A_82 = arith.constant 5 : index
    %get3A_83 = memref.load %arg2[%get3A_82] : memref<16xf32, #tpu.memory_space<smem>>
    %mul3A_84 = vector.broadcast %get3A_83 : f32 to vector<168x2048xf32>
    %mul3A_85 = arith.mulf %mul3A_81, %mul3A_84 : vector<168x2048xf32>
    %get3A_86 = arith.constant 5 : index
    %get3A_87 = memref.load %arg3[%get3A_86] : memref<16xf32, #tpu.memory_space<smem>>
    %add3A_88 = vector.broadcast %get3A_87 : f32 to vector<168x2048xf32>
    %add3A_89 = arith.addf %mul3A_85, %add3A_88 : vector<168x2048xf32>
    %exp23A_90 = math.exp2 %add3A_89 : vector<168x2048xf32>
    %add3A_91 = arith.addf %add3A_75, %exp23A_90 : vector<168x2048xf32>
    %max3A_92 = arith.maximumf %max3A_76, %exp23A_90 : vector<168x2048xf32>
    %get3A_93 = arith.constant 6 : index
    %get3A_94 = memref.load %arg1[%get3A_93] : memref<16xf32, #tpu.memory_space<smem>>
    %sub3A_95 = vector.broadcast %get3A_94 : f32 to vector<168x2048xf32>
    %sub3A_96 = arith.subf %get3A_1, %sub3A_95 : vector<168x2048xf32>
    %mul3A_97 = arith.mulf %sub3A_96, %sub3A_96 : vector<168x2048xf32>
    %get3A_98 = arith.constant 6 : index
    %get3A_99 = memref.load %arg2[%get3A_98] : memref<16xf32, #tpu.memory_space<smem>>
    %mul3A_100 = vector.broadcast %get3A_99 : f32 to vector<168x2048xf32>
    %mul3A_101 = arith.mulf %mul3A_97, %mul3A_100 : vector<168x2048xf32>
    %get3A_102 = arith.constant 6 : index
    %get3A_103 = memref.load %arg3[%get3A_102] : memref<16xf32, #tpu.memory_space<smem>>
    %add3A_104 = vector.broadcast %get3A_103 : f32 to vector<168x2048xf32>
    %add3A_105 = arith.addf %mul3A_101, %add3A_104 : vector<168x2048xf32>
    %exp23A_106 = math.exp2 %add3A_105 : vector<168x2048xf32>
    %add3A_107 = arith.addf %add3A_91, %exp23A_106 : vector<168x2048xf32>
    %max3A_108 = arith.maximumf %max3A_92, %exp23A_106 : vector<168x2048xf32>
    %get3A_109 = arith.constant 7 : index
    %get3A_110 = memref.load %arg1[%get3A_109] : memref<16xf32, #tpu.memory_space<smem>>
    %sub3A_111 = vector.broadcast %get3A_110 : f32 to vector<168x2048xf32>
    %sub3A_112 = arith.subf %get3A_1, %sub3A_111 : vector<168x2048xf32>
    %mul3A_113 = arith.mulf %sub3A_112, %sub3A_112 : vector<168x2048xf32>
    %get3A_114 = arith.constant 7 : index
    %get3A_115 = memref.load %arg2[%get3A_114] : memref<16xf32, #tpu.memory_space<smem>>
    %mul3A_116 = vector.broadcast %get3A_115 : f32 to vector<168x2048xf32>
    %mul3A_117 = arith.mulf %mul3A_113, %mul3A_116 : vector<168x2048xf32>
    %get3A_118 = arith.constant 7 : index
    %get3A_119 = memref.load %arg3[%get3A_118] : memref<16xf32, #tpu.memory_space<smem>>
    %add3A_120 = vector.broadcast %get3A_119 : f32 to vector<168x2048xf32>
    %add3A_121 = arith.addf %mul3A_117, %add3A_120 : vector<168x2048xf32>
    %exp23A_122 = math.exp2 %add3A_121 : vector<168x2048xf32>
    %add3A_123 = arith.addf %add3A_107, %exp23A_122 : vector<168x2048xf32>
    %max3A_124 = arith.maximumf %max3A_108, %exp23A_122 : vector<168x2048xf32>
    %get3A_125 = arith.constant 8 : index
    %get3A_126 = memref.load %arg1[%get3A_125] : memref<16xf32, #tpu.memory_space<smem>>
    %sub3A_127 = vector.broadcast %get3A_126 : f32 to vector<168x2048xf32>
    %sub3A_128 = arith.subf %get3A_1, %sub3A_127 : vector<168x2048xf32>
    %mul3A_129 = arith.mulf %sub3A_128, %sub3A_128 : vector<168x2048xf32>
    %get3A_130 = arith.constant 8 : index
    %get3A_131 = memref.load %arg2[%get3A_130] : memref<16xf32, #tpu.memory_space<smem>>
    %mul3A_132 = vector.broadcast %get3A_131 : f32 to vector<168x2048xf32>
    %mul3A_133 = arith.mulf %mul3A_129, %mul3A_132 : vector<168x2048xf32>
    %get3A_134 = arith.constant 8 : index
    %get3A_135 = memref.load %arg3[%get3A_134] : memref<16xf32, #tpu.memory_space<smem>>
    %add3A_136 = vector.broadcast %get3A_135 : f32 to vector<168x2048xf32>
    %add3A_137 = arith.addf %mul3A_133, %add3A_136 : vector<168x2048xf32>
    %exp23A_138 = math.exp2 %add3A_137 : vector<168x2048xf32>
    %add3A_139 = arith.addf %add3A_123, %exp23A_138 : vector<168x2048xf32>
    %max3A_140 = arith.maximumf %max3A_124, %exp23A_138 : vector<168x2048xf32>
    %get3A_141 = arith.constant 9 : index
    %get3A_142 = memref.load %arg1[%get3A_141] : memref<16xf32, #tpu.memory_space<smem>>
    %sub3A_143 = vector.broadcast %get3A_142 : f32 to vector<168x2048xf32>
    %sub3A_144 = arith.subf %get3A_1, %sub3A_143 : vector<168x2048xf32>
    %mul3A_145 = arith.mulf %sub3A_144, %sub3A_144 : vector<168x2048xf32>
    %get3A_146 = arith.constant 9 : index
    %get3A_147 = memref.load %arg2[%get3A_146] : memref<16xf32, #tpu.memory_space<smem>>
    %mul3A_148 = vector.broadcast %get3A_147 : f32 to vector<168x2048xf32>
    %mul3A_149 = arith.mulf %mul3A_145, %mul3A_148 : vector<168x2048xf32>
    %get3A_150 = arith.constant 9 : index
    %get3A_151 = memref.load %arg3[%get3A_150] : memref<16xf32, #tpu.memory_space<smem>>
    %add3A_152 = vector.broadcast %get3A_151 : f32 to vector<168x2048xf32>
    %add3A_153 = arith.addf %mul3A_149, %add3A_152 : vector<168x2048xf32>
    %exp23A_154 = math.exp2 %add3A_153 : vector<168x2048xf32>
    %add3A_155 = arith.addf %add3A_139, %exp23A_154 : vector<168x2048xf32>
    %max3A_156 = arith.maximumf %max3A_140, %exp23A_154 : vector<168x2048xf32>
    %get3A_157 = arith.constant 10 : index
    %get3A_158 = memref.load %arg1[%get3A_157] : memref<16xf32, #tpu.memory_space<smem>>
    %sub3A_159 = vector.broadcast %get3A_158 : f32 to vector<168x2048xf32>
    %sub3A_160 = arith.subf %get3A_1, %sub3A_159 : vector<168x2048xf32>
    %mul3A_161 = arith.mulf %sub3A_160, %sub3A_160 : vector<168x2048xf32>
    %get3A_162 = arith.constant 10 : index
    %get3A_163 = memref.load %arg2[%get3A_162] : memref<16xf32, #tpu.memory_space<smem>>
    %mul3A_164 = vector.broadcast %get3A_163 : f32 to vector<168x2048xf32>
    %mul3A_165 = arith.mulf %mul3A_161, %mul3A_164 : vector<168x2048xf32>
    %get3A_166 = arith.constant 10 : index
    %get3A_167 = memref.load %arg3[%get3A_166] : memref<16xf32, #tpu.memory_space<smem>>
    %add3A_168 = vector.broadcast %get3A_167 : f32 to vector<168x2048xf32>
    %add3A_169 = arith.addf %mul3A_165, %add3A_168 : vector<168x2048xf32>
    %exp23A_170 = math.exp2 %add3A_169 : vector<168x2048xf32>
    %add3A_171 = arith.addf %add3A_155, %exp23A_170 : vector<168x2048xf32>
    %max3A_172 = arith.maximumf %max3A_156, %exp23A_170 : vector<168x2048xf32>
    %get3A_173 = arith.constant 11 : index
    %get3A_174 = memref.load %arg1[%get3A_173] : memref<16xf32, #tpu.memory_space<smem>>
    %sub3A_175 = vector.broadcast %get3A_174 : f32 to vector<168x2048xf32>
    %sub3A_176 = arith.subf %get3A_1, %sub3A_175 : vector<168x2048xf32>
    %mul3A_177 = arith.mulf %sub3A_176, %sub3A_176 : vector<168x2048xf32>
    %get3A_178 = arith.constant 11 : index
    %get3A_179 = memref.load %arg2[%get3A_178] : memref<16xf32, #tpu.memory_space<smem>>
    %mul3A_180 = vector.broadcast %get3A_179 : f32 to vector<168x2048xf32>
    %mul3A_181 = arith.mulf %mul3A_177, %mul3A_180 : vector<168x2048xf32>
    %get3A_182 = arith.constant 11 : index
    %get3A_183 = memref.load %arg3[%get3A_182] : memref<16xf32, #tpu.memory_space<smem>>
    %add3A_184 = vector.broadcast %get3A_183 : f32 to vector<168x2048xf32>
    %add3A_185 = arith.addf %mul3A_181, %add3A_184 : vector<168x2048xf32>
    %exp23A_186 = math.exp2 %add3A_185 : vector<168x2048xf32>
    %add3A_187 = arith.addf %add3A_171, %exp23A_186 : vector<168x2048xf32>
    %max3A_188 = arith.maximumf %max3A_172, %exp23A_186 : vector<168x2048xf32>
    %get3A_189 = arith.constant 12 : index
    %get3A_190 = memref.load %arg1[%get3A_189] : memref<16xf32, #tpu.memory_space<smem>>
    %sub3A_191 = vector.broadcast %get3A_190 : f32 to vector<168x2048xf32>
    %sub3A_192 = arith.subf %get3A_1, %sub3A_191 : vector<168x2048xf32>
    %mul3A_193 = arith.mulf %sub3A_192, %sub3A_192 : vector<168x2048xf32>
    %get3A_194 = arith.constant 12 : index
    %get3A_195 = memref.load %arg2[%get3A_194] : memref<16xf32, #tpu.memory_space<smem>>
    %mul3A_196 = vector.broadcast %get3A_195 : f32 to vector<168x2048xf32>
    %mul3A_197 = arith.mulf %mul3A_193, %mul3A_196 : vector<168x2048xf32>
    %get3A_198 = arith.constant 12 : index
    %get3A_199 = memref.load %arg3[%get3A_198] : memref<16xf32, #tpu.memory_space<smem>>
    %add3A_200 = vector.broadcast %get3A_199 : f32 to vector<168x2048xf32>
    %add3A_201 = arith.addf %mul3A_197, %add3A_200 : vector<168x2048xf32>
    %exp23A_202 = math.exp2 %add3A_201 : vector<168x2048xf32>
    %add3A_203 = arith.addf %add3A_187, %exp23A_202 : vector<168x2048xf32>
    %max3A_204 = arith.maximumf %max3A_188, %exp23A_202 : vector<168x2048xf32>
    %get3A_205 = arith.constant 13 : index
    %get3A_206 = memref.load %arg1[%get3A_205] : memref<16xf32, #tpu.memory_space<smem>>
    %sub3A_207 = vector.broadcast %get3A_206 : f32 to vector<168x2048xf32>
    %sub3A_208 = arith.subf %get3A_1, %sub3A_207 : vector<168x2048xf32>
    %mul3A_209 = arith.mulf %sub3A_208, %sub3A_208 : vector<168x2048xf32>
    %get3A_210 = arith.constant 13 : index
    %get3A_211 = memref.load %arg2[%get3A_210] : memref<16xf32, #tpu.memory_space<smem>>
    %mul3A_212 = vector.broadcast %get3A_211 : f32 to vector<168x2048xf32>
    %mul3A_213 = arith.mulf %mul3A_209, %mul3A_212 : vector<168x2048xf32>
    %get3A_214 = arith.constant 13 : index
    %get3A_215 = memref.load %arg3[%get3A_214] : memref<16xf32, #tpu.memory_space<smem>>
    %add3A_216 = vector.broadcast %get3A_215 : f32 to vector<168x2048xf32>
    %add3A_217 = arith.addf %mul3A_213, %add3A_216 : vector<168x2048xf32>
    %exp23A_218 = math.exp2 %add3A_217 : vector<168x2048xf32>
    %add3A_219 = arith.addf %add3A_203, %exp23A_218 : vector<168x2048xf32>
    %max3A_220 = arith.maximumf %max3A_204, %exp23A_218 : vector<168x2048xf32>
    %get3A_221 = arith.constant 14 : index
    %get3A_222 = memref.load %arg1[%get3A_221] : memref<16xf32, #tpu.memory_space<smem>>
    %sub3A_223 = vector.broadcast %get3A_222 : f32 to vector<168x2048xf32>
    %sub3A_224 = arith.subf %get3A_1, %sub3A_223 : vector<168x2048xf32>
    %mul3A_225 = arith.mulf %sub3A_224, %sub3A_224 : vector<168x2048xf32>
    %get3A_226 = arith.constant 14 : index
    %get3A_227 = memref.load %arg2[%get3A_226] : memref<16xf32, #tpu.memory_space<smem>>
    %mul3A_228 = vector.broadcast %get3A_227 : f32 to vector<168x2048xf32>
    %mul3A_229 = arith.mulf %mul3A_225, %mul3A_228 : vector<168x2048xf32>
    %get3A_230 = arith.constant 14 : index
    %get3A_231 = memref.load %arg3[%get3A_230] : memref<16xf32, #tpu.memory_space<smem>>
    %add3A_232 = vector.broadcast %get3A_231 : f32 to vector<168x2048xf32>
    %add3A_233 = arith.addf %mul3A_229, %add3A_232 : vector<168x2048xf32>
    %exp23A_234 = math.exp2 %add3A_233 : vector<168x2048xf32>
    %add3A_235 = arith.addf %add3A_219, %exp23A_234 : vector<168x2048xf32>
    %max3A_236 = arith.maximumf %max3A_220, %exp23A_234 : vector<168x2048xf32>
    %get3A_237 = arith.constant 15 : index
    %get3A_238 = memref.load %arg1[%get3A_237] : memref<16xf32, #tpu.memory_space<smem>>
    %sub3A_239 = vector.broadcast %get3A_238 : f32 to vector<168x2048xf32>
    %sub3A_240 = arith.subf %get3A_1, %sub3A_239 : vector<168x2048xf32>
    %mul3A_241 = arith.mulf %sub3A_240, %sub3A_240 : vector<168x2048xf32>
    %get3A_242 = arith.constant 15 : index
    %get3A_243 = memref.load %arg2[%get3A_242] : memref<16xf32, #tpu.memory_space<smem>>
    %mul3A_244 = vector.broadcast %get3A_243 : f32 to vector<168x2048xf32>
    %mul3A_245 = arith.mulf %mul3A_241, %mul3A_244 : vector<168x2048xf32>
    %get3A_246 = arith.constant 15 : index
    %get3A_247 = memref.load %arg3[%get3A_246] : memref<16xf32, #tpu.memory_space<smem>>
    %add3A_248 = vector.broadcast %get3A_247 : f32 to vector<168x2048xf32>
    %add3A_249 = arith.addf %mul3A_245, %add3A_248 : vector<168x2048xf32>
    %exp23A_250 = math.exp2 %add3A_249 : vector<168x2048xf32>
    %add3A_251 = arith.addf %add3A_235, %exp23A_250 : vector<168x2048xf32>
    %max3A_252 = arith.maximumf %max3A_236, %exp23A_250 : vector<168x2048xf32>
    %add3A_253 = arith.constant 9.99999993E-9 : f32
    %add3A_254 = vector.broadcast %add3A_253 : f32 to vector<168x2048xf32>
    %add3A_255 = arith.addf %add3A_251, %add3A_254 : vector<168x2048xf32>
    %div3A = vector.broadcast %get3A_3 : f32 to vector<168x2048xf32>
    %div3A_256 = arith.divf %div3A, %add3A_255 : vector<168x2048xf32>
    %mul3A_257 = arith.mulf %max3A_252, %div3A_256 : vector<168x2048xf32>
    %mul3A_258 = arith.mulf %exp23A, %div3A_256 : vector<168x2048xf32>
    %sub3A_259 = arith.subf %mul3A_258, %mul3A_257 : vector<168x2048xf32>
    %exp23A_260 = math.exp2 %sub3A_259 : vector<168x2048xf32>
    %mul3A_261 = arith.mulf %exp23A_27, %div3A_256 : vector<168x2048xf32>
    %sub3A_262 = arith.subf %mul3A_261, %mul3A_257 : vector<168x2048xf32>
    %exp23A_263 = math.exp2 %sub3A_262 : vector<168x2048xf32>
    %add3A_264 = arith.addf %exp23A_260, %exp23A_263 : vector<168x2048xf32>
    %get3A_265 = arith.constant 1 : index
    %get3A_266 = memref.load %arg1[%get3A_265] : memref<16xf32, #tpu.memory_space<smem>>
    %mul3A_267 = vector.broadcast %get3A_266 : f32 to vector<168x2048xf32>
    %mul3A_268 = arith.mulf %exp23A_263, %mul3A_267 : vector<168x2048xf32>
    %mul3A_269 = arith.mulf %exp23A_42, %div3A_256 : vector<168x2048xf32>
    %sub3A_270 = arith.subf %mul3A_269, %mul3A_257 : vector<168x2048xf32>
    %exp23A_271 = math.exp2 %sub3A_270 : vector<168x2048xf32>
    %add3A_272 = arith.addf %add3A_264, %exp23A_271 : vector<168x2048xf32>
    %get3A_273 = arith.constant 2 : index
    %get3A_274 = memref.load %arg1[%get3A_273] : memref<16xf32, #tpu.memory_space<smem>>
    %mul3A_275 = vector.broadcast %get3A_274 : f32 to vector<168x2048xf32>
    %mul3A_276 = arith.mulf %exp23A_271, %mul3A_275 : vector<168x2048xf32>
    %add3A_277 = arith.addf %mul3A_268, %mul3A_276 : vector<168x2048xf32>
    %mul3A_278 = arith.mulf %exp23A_58, %div3A_256 : vector<168x2048xf32>
    %sub3A_279 = arith.subf %mul3A_278, %mul3A_257 : vector<168x2048xf32>
    %exp23A_280 = math.exp2 %sub3A_279 : vector<168x2048xf32>
    %add3A_281 = arith.addf %add3A_272, %exp23A_280 : vector<168x2048xf32>
    %get3A_282 = arith.constant 3 : index
    %get3A_283 = memref.load %arg1[%get3A_282] : memref<16xf32, #tpu.memory_space<smem>>
    %mul3A_284 = vector.broadcast %get3A_283 : f32 to vector<168x2048xf32>
    %mul3A_285 = arith.mulf %exp23A_280, %mul3A_284 : vector<168x2048xf32>
    %add3A_286 = arith.addf %add3A_277, %mul3A_285 : vector<168x2048xf32>
    %mul3A_287 = arith.mulf %exp23A_74, %div3A_256 : vector<168x2048xf32>
    %sub3A_288 = arith.subf %mul3A_287, %mul3A_257 : vector<168x2048xf32>
    %exp23A_289 = math.exp2 %sub3A_288 : vector<168x2048xf32>
    %add3A_290 = arith.addf %add3A_281, %exp23A_289 : vector<168x2048xf32>
    %get3A_291 = arith.constant 4 : index
    %get3A_292 = memref.load %arg1[%get3A_291] : memref<16xf32, #tpu.memory_space<smem>>
    %mul3A_293 = vector.broadcast %get3A_292 : f32 to vector<168x2048xf32>
    %mul3A_294 = arith.mulf %exp23A_289, %mul3A_293 : vector<168x2048xf32>
    %add3A_295 = arith.addf %add3A_286, %mul3A_294 : vector<168x2048xf32>
    %mul3A_296 = arith.mulf %exp23A_90, %div3A_256 : vector<168x2048xf32>
    %sub3A_297 = arith.subf %mul3A_296, %mul3A_257 : vector<168x2048xf32>
    %exp23A_298 = math.exp2 %sub3A_297 : vector<168x2048xf32>
    %add3A_299 = arith.addf %add3A_290, %exp23A_298 : vector<168x2048xf32>
    %get3A_300 = arith.constant 5 : index
    %get3A_301 = memref.load %arg1[%get3A_300] : memref<16xf32, #tpu.memory_space<smem>>
    %mul3A_302 = vector.broadcast %get3A_301 : f32 to vector<168x2048xf32>
    %mul3A_303 = arith.mulf %exp23A_298, %mul3A_302 : vector<168x2048xf32>
    %add3A_304 = arith.addf %add3A_295, %mul3A_303 : vector<168x2048xf32>
    %mul3A_305 = arith.mulf %exp23A_106, %div3A_256 : vector<168x2048xf32>
    %sub3A_306 = arith.subf %mul3A_305, %mul3A_257 : vector<168x2048xf32>
    %exp23A_307 = math.exp2 %sub3A_306 : vector<168x2048xf32>
    %add3A_308 = arith.addf %add3A_299, %exp23A_307 : vector<168x2048xf32>
    %get3A_309 = arith.constant 6 : index
    %get3A_310 = memref.load %arg1[%get3A_309] : memref<16xf32, #tpu.memory_space<smem>>
    %mul3A_311 = vector.broadcast %get3A_310 : f32 to vector<168x2048xf32>
    %mul3A_312 = arith.mulf %exp23A_307, %mul3A_311 : vector<168x2048xf32>
    %add3A_313 = arith.addf %add3A_304, %mul3A_312 : vector<168x2048xf32>
    %mul3A_314 = arith.mulf %exp23A_122, %div3A_256 : vector<168x2048xf32>
    %sub3A_315 = arith.subf %mul3A_314, %mul3A_257 : vector<168x2048xf32>
    %exp23A_316 = math.exp2 %sub3A_315 : vector<168x2048xf32>
    %add3A_317 = arith.addf %add3A_308, %exp23A_316 : vector<168x2048xf32>
    %get3A_318 = arith.constant 7 : index
    %get3A_319 = memref.load %arg1[%get3A_318] : memref<16xf32, #tpu.memory_space<smem>>
    %mul3A_320 = vector.broadcast %get3A_319 : f32 to vector<168x2048xf32>
    %mul3A_321 = arith.mulf %exp23A_316, %mul3A_320 : vector<168x2048xf32>
    %add3A_322 = arith.addf %add3A_313, %mul3A_321 : vector<168x2048xf32>
    %mul3A_323 = arith.mulf %exp23A_138, %div3A_256 : vector<168x2048xf32>
    %sub3A_324 = arith.subf %mul3A_323, %mul3A_257 : vector<168x2048xf32>
    %exp23A_325 = math.exp2 %sub3A_324 : vector<168x2048xf32>
    %add3A_326 = arith.addf %add3A_317, %exp23A_325 : vector<168x2048xf32>
    %get3A_327 = arith.constant 8 : index
    %get3A_328 = memref.load %arg1[%get3A_327] : memref<16xf32, #tpu.memory_space<smem>>
    %mul3A_329 = vector.broadcast %get3A_328 : f32 to vector<168x2048xf32>
    %mul3A_330 = arith.mulf %exp23A_325, %mul3A_329 : vector<168x2048xf32>
    %add3A_331 = arith.addf %add3A_322, %mul3A_330 : vector<168x2048xf32>
    %mul3A_332 = arith.mulf %exp23A_154, %div3A_256 : vector<168x2048xf32>
    %sub3A_333 = arith.subf %mul3A_332, %mul3A_257 : vector<168x2048xf32>
    %exp23A_334 = math.exp2 %sub3A_333 : vector<168x2048xf32>
    %add3A_335 = arith.addf %add3A_326, %exp23A_334 : vector<168x2048xf32>
    %get3A_336 = arith.constant 9 : index
    %get3A_337 = memref.load %arg1[%get3A_336] : memref<16xf32, #tpu.memory_space<smem>>
    %mul3A_338 = vector.broadcast %get3A_337 : f32 to vector<168x2048xf32>
    %mul3A_339 = arith.mulf %exp23A_334, %mul3A_338 : vector<168x2048xf32>
    %add3A_340 = arith.addf %add3A_331, %mul3A_339 : vector<168x2048xf32>
    %mul3A_341 = arith.mulf %exp23A_170, %div3A_256 : vector<168x2048xf32>
    %sub3A_342 = arith.subf %mul3A_341, %mul3A_257 : vector<168x2048xf32>
    %exp23A_343 = math.exp2 %sub3A_342 : vector<168x2048xf32>
    %add3A_344 = arith.addf %add3A_335, %exp23A_343 : vector<168x2048xf32>
    %get3A_345 = arith.constant 10 : index
    %get3A_346 = memref.load %arg1[%get3A_345] : memref<16xf32, #tpu.memory_space<smem>>
    %mul3A_347 = vector.broadcast %get3A_346 : f32 to vector<168x2048xf32>
    %mul3A_348 = arith.mulf %exp23A_343, %mul3A_347 : vector<168x2048xf32>
    %add3A_349 = arith.addf %add3A_340, %mul3A_348 : vector<168x2048xf32>
    %mul3A_350 = arith.mulf %exp23A_186, %div3A_256 : vector<168x2048xf32>
    %sub3A_351 = arith.subf %mul3A_350, %mul3A_257 : vector<168x2048xf32>
    %exp23A_352 = math.exp2 %sub3A_351 : vector<168x2048xf32>
    %add3A_353 = arith.addf %add3A_344, %exp23A_352 : vector<168x2048xf32>
    %get3A_354 = arith.constant 11 : index
    %get3A_355 = memref.load %arg1[%get3A_354] : memref<16xf32, #tpu.memory_space<smem>>
    %mul3A_356 = vector.broadcast %get3A_355 : f32 to vector<168x2048xf32>
    %mul3A_357 = arith.mulf %exp23A_352, %mul3A_356 : vector<168x2048xf32>
    %add3A_358 = arith.addf %add3A_349, %mul3A_357 : vector<168x2048xf32>
    %mul3A_359 = arith.mulf %exp23A_202, %div3A_256 : vector<168x2048xf32>
    %sub3A_360 = arith.subf %mul3A_359, %mul3A_257 : vector<168x2048xf32>
    %exp23A_361 = math.exp2 %sub3A_360 : vector<168x2048xf32>
    %add3A_362 = arith.addf %add3A_353, %exp23A_361 : vector<168x2048xf32>
    %get3A_363 = arith.constant 12 : index
    %get3A_364 = memref.load %arg1[%get3A_363] : memref<16xf32, #tpu.memory_space<smem>>
    %mul3A_365 = vector.broadcast %get3A_364 : f32 to vector<168x2048xf32>
    %mul3A_366 = arith.mulf %exp23A_361, %mul3A_365 : vector<168x2048xf32>
    %add3A_367 = arith.addf %add3A_358, %mul3A_366 : vector<168x2048xf32>
    %mul3A_368 = arith.mulf %exp23A_218, %div3A_256 : vector<168x2048xf32>
    %sub3A_369 = arith.subf %mul3A_368, %mul3A_257 : vector<168x2048xf32>
    %exp23A_370 = math.exp2 %sub3A_369 : vector<168x2048xf32>
    %add3A_371 = arith.addf %add3A_362, %exp23A_370 : vector<168x2048xf32>
    %get3A_372 = arith.constant 13 : index
    %get3A_373 = memref.load %arg1[%get3A_372] : memref<16xf32, #tpu.memory_space<smem>>
    %mul3A_374 = vector.broadcast %get3A_373 : f32 to vector<168x2048xf32>
    %mul3A_375 = arith.mulf %exp23A_370, %mul3A_374 : vector<168x2048xf32>
    %add3A_376 = arith.addf %add3A_367, %mul3A_375 : vector<168x2048xf32>
    %mul3A_377 = arith.mulf %exp23A_234, %div3A_256 : vector<168x2048xf32>
    %sub3A_378 = arith.subf %mul3A_377, %mul3A_257 : vector<168x2048xf32>
    %exp23A_379 = math.exp2 %sub3A_378 : vector<168x2048xf32>
    %add3A_380 = arith.addf %add3A_371, %exp23A_379 : vector<168x2048xf32>
    %get3A_381 = arith.constant 14 : index
    %get3A_382 = memref.load %arg1[%get3A_381] : memref<16xf32, #tpu.memory_space<smem>>
    %mul3A_383 = vector.broadcast %get3A_382 : f32 to vector<168x2048xf32>
    %mul3A_384 = arith.mulf %exp23A_379, %mul3A_383 : vector<168x2048xf32>
    %add3A_385 = arith.addf %add3A_376, %mul3A_384 : vector<168x2048xf32>
    %mul3A_386 = arith.mulf %exp23A_250, %div3A_256 : vector<168x2048xf32>
    %sub3A_387 = arith.subf %mul3A_386, %mul3A_257 : vector<168x2048xf32>
    %exp23A_388 = math.exp2 %sub3A_387 : vector<168x2048xf32>
    %add3A_389 = arith.addf %add3A_380, %exp23A_388 : vector<168x2048xf32>
    %get3A_390 = arith.constant 15 : index
    %get3A_391 = memref.load %arg1[%get3A_390] : memref<16xf32, #tpu.memory_space<smem>>
    %mul3A_392 = vector.broadcast %get3A_391 : f32 to vector<168x2048xf32>
    %mul3A_393 = arith.mulf %exp23A_388, %mul3A_392 : vector<168x2048xf32>
    %add3A_394 = arith.addf %add3A_385, %mul3A_393 : vector<168x2048xf32>
    %div3A_395 = arith.divf %add3A_394, %add3A_389 : vector<168x2048xf32>
    %swap3A = arith.constant 0 : index
    %swap3A_396 = arith.constant 0 : index
    %swap3A_397 = vector.load %arg6[%swap3A, %swap3A_396] : memref<168x2048xf32, #tpu.memory_space<vmem>>, vector<168x2048xf32>
    tpu.vector_store %arg6[%swap3A, %swap3A_396], %div3A_395 {strides = array<i32>} : memref<168x2048xf32, #tpu.memory_space<vmem>>, vector<168x2048xf32>,
    return
  }
  func.func @transform_0(%arg0: i32) -> i32 {
    %c0_i32 = arith.constant 0 : i32
    %c0_i32_0 = arith.constant 0 : i32
    return %c0_i32 : i32
  }
  func.func @transform_1(%arg0: i32) -> i32 {
    %c0_i32 = arith.constant 0 : i32
    %c0_i32_0 = arith.constant 0 : i32
    return %c0_i32 : i32
  }
  func.func @transform_2(%arg0: i32) -> i32 {
    %c0_i32 = arith.constant 0 : i32
    %c0_i32_0 = arith.constant 0 : i32
    return %c0_i32 : i32
  }
  func.func @transform_3(%arg0: i32) -> i32 {
    %c0_i32 = arith.constant 0 : i32
    %c0_i32_0 = arith.constant 0 : i32
    return %c0_i32 : i32
  }
  func.func @transform_4(%arg0: i32) -> (i32, i32) {
    %c0_i32 = arith.constant 0 : i32
    %c0_i32_0 = arith.constant 0 : i32
    return %arg0, %c0_i32 : i32, i32
  }
  func.func @transform_5(%arg0: i32) -> (i32, i32) {
    %c0_i32 = arith.constant 0 : i32
    %c0_i32_0 = arith.constant 0 : i32
    return %arg0, %c0_i32 : i32, i32
  }
}

</mosaic_0001>

<sc_bundles>
// kernel: kernel.4.cloned.1.call-start
scs
__scs_entry_jumppad:
0x0: {  	(pc) =	sbr.rel $0x88, $3  }
0x1: {  	(tag) =	ssettag $0x0;
	lr =	simm.s32 $0x1  }
0x2: {  	[smem:$0x3F9A] =	sst lr;
	_ =	strace $0xD0000000  }
0x3: {  	_ = 	snop  }
0x4: {  	_ = 	snop  }
0x5: {  	_ = 	snop  }
0x6: {  	_ = 	snop  }
0x7: {  	_ = 	snop  }
__scs_overlays_trampoline_lowered:
0x8: {  	[smem:$0x3FA9] =	sst s0  }
0x9: {  	[smem:$0x3FAA] =	sst s1  }
0xa: {  	[smem:$0x3FAB] =	sst s2  }
0xb: {  	[smem:$0x3FAC] =	sst s3  }
0xc: {  	[smem:$0x3FAD] =	sst s4  }
0xd: {  	[smem:$0x3FAE] =	sst s5  }
0xe: {  	[smem:$0x3FAF] =	sst s6  }
0xf: {  	[smem:$0x3FB0] =	sst s7  }
0x10: {  	[smem:$0x3FB1] =	sst s8  }
0x11: {  	[smem:$0x3FB2] =	sst s9;
	s0 =	simm.s32 @!p0 $0x0  }
0x12: {  	s1 =	sld [smem:$0x3F98];
	s0 =	simm.s32 @p0 $0x1  }
0x13: {  	[smem:$0x3FB3] =	sst s0;
	s0 =	simm.s32 @!p1 $0x0  }
0x14: {  	s2 =	sld [smem:$0x3F97];
	s0 =	simm.s32 @p1 $0x1  }
0x15: {  	[smem:$0x3FB4] =	sst s0;
	s0 =	simm.s32 @!p2 $0x0  }
0x16: {  	s3 =	sld [smem:$0x3FDB];
	s0 =	simm.s32 @p2 $0x1  }
0x17: {  	s4 =	simm.s32 $0x1BF5;
	[smem:$0x3FB6] =	sst s0  }
0x18: {  	s0 =	sld [smem:$0x3F99];
	_ =	swait.ge [sflag:s4], $0x0  }
0x19: {  	s7 =	sld [smem:$0x3F9A]  }
0x1a: {  	s8 =	sadd.s32 $0xFFFFE003, lr  }
0x1b: {  	s9 =	sadd.s32 $0xFFFFFEF7, lr;
	s5 =	simm.s32 $0xFFFFFFFF;
	p2 =	slt.u32 s8, $0xFFFFF086  }
0x1c: {  	p1 =	slt.u32 s9, $0xF7A;
	s5 =	simm.s32 @!p2 $0x0  }
0x1d: {  	s5 =	simm.s32 @p1 $0x1;
	p0 =	seq.s32 s7, s2  }
0x1e: {  	s7 =	smul.u32 @!p0 $0xF7A, s2;
	p2 =	seq.s32 @!p0 s5, $0x0  }
0x1f: {  	s9 =	smul.u32 $0xF7A, s1;
	s8 =	simm.s32 @!p0 $0x1BF5;
	p2 =	por !p2, p0  }
0x20: {  	[sflag:s8] =	ssyncset.s32 @!p0 $0xFFFFF086;
	s6 =	sadd.s32 @!p0 s3, s7;
	s7 =	simm.s32 @!p0 $0x108  }
0x21: {  	s3 =	sadd.s32 s3, s9;
	s6 =	sadd.s32 @!p0 $0x88, s6;
	s7 =	simm.s32 @p2 $0x1082  }
0x22: {  	[simem:s7], [sflag:s8] =	dma.local @!p0 [hbm:s6], $0xF7A  }
0x23: {  	s9 =	sor.u32 $0xD0000000, s2;
	s6 =	simm.s32 $0x108;
	_ =	swait.ge @!p0 [sflag:s8], $0x0  }
0x24: {  	s3 =	sadd.s32 $0x88, s3;
	s6 =	simm.s32 @!p1 $0x1082;
	[sflag:s4] =	ssyncset.s32 $0xFFFFF086  }
0x25: {  	[simem:s6], [sflag:s4] =	dma.local [hbm:s3], $0xF7A  }
0x26: {  	[smem:$0x3F9A] =	sst s1;
	(tag) =	ssettag s2;
	_ =	strace s9  }
0x27: {  	s1 =	sld [smem:$0x3FAA]  }
0x28: {  	s2 =	sld [smem:$0x3FAB]  }
0x29: {  	s4 =	sld [smem:$0x3FAD]  }
0x2a: {  	p0 =	seq.s32 s5, $0x0;
	s5 =	sld [smem:$0x3FAE]  }
0x2b: {  	s6 =	sld [smem:$0x3FAF]  }
0x2c: {  	s7 =	sld [smem:$0x3FB0]  }
0x2d: {  	s3 =	simm.s32 $0x108;
	s8 =	sld [smem:$0x3FB1]  }
0x2e: {  	s3 =	simm.s32 @!p0 $0x1082;
	s9 =	sld [smem:$0x3FB2]  }
0x2f: {  	lr =	sadd.s32 s0, s3;
	s0 =	sld [smem:$0x3FA9]  }
0x30: {  	s3 =	sld [smem:$0x3FAC]  }
0x31: {  	[smem:$0x3FB5] =	sst s10  }
0x32: {  	s10 =	sld [smem:$0x3FB3];
	_ =	sdelay $0x3  }
0x33: {  	p0 =	seq.s32 s10, $0x1;
	s10 =	sld [smem:$0x3FB5];
	_ =	sdelay $0x3  }
0x34: {  	[smem:$0x3FB5] =	sst s10  }
0x35: {  	s10 =	sld [smem:$0x3FB4];
	_ =	sdelay $0x3  }
0x36: {  	p1 =	seq.s32 s10, $0x1;
	s10 =	sld [smem:$0x3FB5];
	_ =	sdelay $0x3  }
0x37: {  	[smem:$0x3FB5] =	sst s10  }
0x38: {  	s10 =	sld [smem:$0x3FB6]  }
0x39: {  	_ = 	snop;
	(pc) =	sbr.ind lr, $3  }
0x3a: {  	_ = 	snop  }
0x3b: {  	_ = 	snop  }
0x3c: {  	p2 =	seq.s32 s10, $0x1;
	s10 =	sld [smem:$0x3FB5]  }
0x3d: {  	_ =	shalt  }
0x3e: {  	_ =	shalt  }
0x3f: {  	_ =	shalt  }
0x40: {  	_ =	shalt  }
0x41: {  	_ =	shalt  }
0x42: {  	_ =	shalt  }
0x43: {  	_ =	shalt  }
0x44: {  	_ =	shalt  }
0x45: {  	_ =	shalt  }
0x46: {  	_ =	shalt  }
0x47: {  	_ =	shalt  }
0x48: {  	_ =	shalt  }
0x49: {  	_ =	shalt  }
0x4a: {  	_ =	shalt  }
0x4b: {  	_ =	shalt  }
0x4c: {  	_ =	shalt  }
0x4d: {  	_ =	shalt  }
0x4e: {  	_ =	shalt  }
0x4f: {  	_ =	shalt  }
0x50: {  	_ =	shalt  }
0x51: {  	_ =	shalt  }
0x52: {  	_ =	shalt  }
0x53: {  	_ =	shalt  }
0x54: {  	_ =	shalt  }
0x55: {  	_ =	shalt  }
0x56: {  	_ =	shalt  }
0x57: {  	_ =	shalt  }
0x58: {  	_ =	shalt  }
0x59: {  	_ =	shalt  }
0x5a: {  	_ =	shalt  }
0x5b: {  	_ =	shalt  }
0x5c: {  	_ =	shalt  }
0x5d: {  	_ =	shalt  }
0x5e: {  	_ =	shalt  }
0x5f: {  	_ =	shalt  }
0x60: {  	_ =	shalt  }
0x61: {  	_ =	shalt  }
0x62: {  	_ =	shalt  }
0x63: {  	_ =	shalt  }
0x64: {  	_ =	shalt  }
0x65: {  	_ =	shalt  }
0x66: {  	_ =	shalt  }
0x67: {  	_ =	shalt  }
0x68: {  	_ =	shalt  }
0x69: {  	_ =	shalt  }
0x6a: {  	_ =	shalt  }
0x6b: {  	_ =	shalt  }
0x6c: {  	_ =	shalt  }
0x6d: {  	_ =	shalt  }
0x6e: {  	_ =	shalt  }
0x6f: {  	_ =	shalt  }
0x70: {  	_ =	shalt  }
0x71: {  	_ =	shalt  }
0x72: {  	_ =	shalt  }
0x73: {  	_ =	shalt  }
0x74: {  	_ =	shalt  }
0x75: {  	_ =	shalt  }
0x76: {  	_ =	shalt  }
0x77: {  	_ =	shalt  }
0x78: {  	_ =	shalt  }
0x79: {  	_ =	shalt  }
0x7a: {  	_ =	shalt  }
0x7b: {  	_ =	shalt  }
0x7c: {  	_ =	shalt  }
0x7d: {  	_ =	shalt  }
0x7e: {  	_ =	shalt  }
0x7f: {  	_ =	shalt  }
0x80: {  	_ =	shalt  }
0x81: {  	_ =	shalt  }
0x82: {  	_ =	shalt  }
0x83: {  	_ =	shalt  }
0x84: {  	_ =	shalt  }
0x85: {  	_ =	shalt  }
0x86: {  	_ =	shalt  }
0x87: {  	_ =	shalt  }
.Lfunc_end0:
.L_simem_size_0:
called_computation_lowered:
.L_overlay_start_0:
0x88: {  	s2 =	sld [smem:$0x3FD9]  }
0x89: {  	s3 =	sld [smem:$0x3FFE];
	_ =	sdelay $0x1  }
0x8a: {  	s1 =	srdreg.scid  }
0x8b: {  	s0 =	sand.u32 $0x1, s1  }
0x8c: {  	s17 =	sshll.u32 s0, $0xA;
	s2 =	sadd.s32 s3, s2  }
0x8d: {  	s2 =	sadd.s32 s2, s17  }
0x8e: {  	[smem:$0x3FC1] =	sst s2  }
0x8f: {  	_ = 	snop  }
0x90: {  	s2 =	sld [smem:$0x3FD0];
	(tm) =	ssettm $0x1  }
0x91: {  	s18 =	sld [smem:$0x3FFB];
	_ =	sdelay $0x3  }
0x92: {  	_ =	strace s18  }
0x93: {  	s3 =	sld [smem:$0x3FFC];
	_ =	sdelay $0x3  }
0x94: {  	_ =	strace s3  }
0x95: {  	s3 =	sld [smem:$0x3FFD];
	_ =	sdelay $0x3  }
0x96: {  	_ =	strace s3  }
0x97: {  	_ =	strace $0x8FFFFFFF  }
0x98: {  	s19 =	sld [smem:$0x3FDB];
	_ =	sdelay $0x1  }
0x99: {  	s4 =	simm.s32 $_scs_section_size  }
0x9a: {  	s5 =	simm.s32 $_size__tile_overlayer_lowered;
	s6 =	simm.s32 $_tile_overlayer_lowered  }
0x9b: {  	s22 =	simm.s32 $0x1BFF;
	s21 =	sshll.u32 s6, $0x1;
	s3 =	sadd.s32 s4, s19  }
0x9c: {  	s7 =	simm.s32 $0x0;
	s20 =	sshll.u32 s5, $0x1;
	s5 =	sadd.s32 s21, s3  }
0x9d: {  	[timem:s7], [sflag:s22] =	dma.local [hbm:s5], s20  }
0x9e: {  	_ =	swait.ge [sflag:s22], s20  }
0x9f: {  	s4 =	ssub.s32 $0x0, s20;
	[sflag:s22] =	ssyncset.done $0x0  }
0xa0: {  	[sflag:s22] =	ssyncadd.s32 s4;
	_ =	sdelay $0x1  }
0xa1: {  	s23 =	simm.s32 $0x1B8B  }
0xa2: {  	_ =	swait.ge [sflag:s23], $0x1  }
0xa3: {  	[sflag:s23] =	ssyncset.done $0x0  }
0xa4: {  	s25 =	simm.s32 $0x1B8E;
	s24 =	sld [smem:$0x3FFE];
	[sflag:s23] =	ssyncadd.s32 $0xFFFFFFFF  }
0xa5: {  	s26 =	simm.s32 $execute0_lowered;
	[smem:$0x3FD2] =	sst s25  }
0xa6: {  	s5 =	sshll.u32 s26, $0x1;
	_ =	strace $0x80000046;
	[dreg:$0x1] =	wrdreg $0xFFFFFFFF  }
0xa7: {  	s28 =	simm.s32 $_size_execute0_lowered;
	s3 =	sadd.s32 s3, s5;
	[dreg:$0x0] =	wrdreg $0x0  }
0xa8: {  	s5 =	sshll.u32 s28, $0x1;
	[dreg:$0x2] =	wrdreg s3  }
0xa9: {  	[dreg:$0x3] =	wrdreg s5  }
0xaa: {  	[dreg:$0x4] =	wrdreg $0xC0  }
0xab: {  	_ =	task [dreg:s7], $0x5FFFF  }
0xac: {  	[dreg:$0x1] =	wrdreg $0xFFFFFFFF  }
0xad: {  	[dreg:$0x0] =	wrdreg $0x60  }
0xae: {  	[dreg:$0x2] =	wrdreg s2  }
0xaf: {  	[dreg:$0x3] =	wrdreg s24  }
0xb0: {  	[dreg:$0x4] =	wrdreg $0x9  }
0xb1: {  	_ =	task.clear_ibuf [dreg:s7], $0x5FFFF;
	_ =	strace $0x90000046  }
0xb2: {  	s29 =	simm.s32 $0x9;
	_ =	strace $0x80000048  }
0xb3: {  	_ =	swait.ge [sflag:s29], $0x1  }
0xb4: {  	[sflag:s29] =	ssyncadd.s32 $0xFFFFFFFF  }
0xb5: {  	_ =	strace $0x90000048  }
0xb6: {  	_ =	sfence  }
0xb7: {  	s30 =	sld [smem:$0x0];
	_ =	sdelay $0x2  }
0xb8: {  	s31 =	sshll.u32 s1, $0xD;
	s1 =	sshrl.u32 s1, $0x2  }
0xb9: {  	s3 =	sand.u32 $0x4000, s31;
	s1 =	sadd.s32 s1, s30  }
0xba: {  	s0 =	sor.u32 s3, s0;
	s1 =	sshll.u32 s1, $0x11  }
0xbb: {  	s0 =	sor.u32 s1, s0  }
0xbc: {  	s0 =	sadd.s32 $0x8F2B, s0  }
0xbd: {  	[sflag:s0] =	ssyncadd.remote.s32 $0x1  }
0xbe: {  	_ =	sfence.sel $0xFFFF  }
0xbf: {  	[dreg:$0x0] =	wrdreg $0xFFFFFFFF;
	(pc) =	sbr.abs _section_cstart, $3  }
0xc0: {  	[dreg:$0x1] =	wrdreg $0xFFFFFFFF  }
0xc1: {  	_ =	task.clear_ibuf [dreg:s7], $0x2FFFF;
	_ =	strace $0x9FFFFFFF  }
0xc2: {  	(tm) =	ssettm $0x7FFFFFFF  }
0xc3: {  	_ =	shalt  }
tec
execute0_lowered:
.L_overlay_start_1:
0x0: {  	(tag) =	ssettag $0x1  }
0x1: {  	s7 =	rddreg [dreg:$0x0]  }
0x2: {  	s8 =	rddreg [dreg:$0x1]  }
0x3: {  	s0 =	rddreg [dreg:$0x2]  }
0x4: {  	s2 =	simm.s32 $0x0;
	s3 =	srdreg.scid;
	s1 =	stileid.u32  }
0x5: {  	s12 =	simm.s32 $0x1000;
	s13 =	simm.s32 $0x1800;
	s14 =	simm.s32 $0x1880  }
0x6: {  	s15 =	simm.s32 $0x4680;
	s16 =	simm.s32 $0x0;
	[smem:$0x7FF] =	sst s2  }
0x7: {  	s5 =	sand.u32 $0x1, s3;
	s4 =	sshll.u32 s1, $0x1;
	s3 =	sadd.s32 $0x1200, s8  }
0x8: {  	_ =	strace $0x80000047;
	s6 =	sor.u32 s5, s4;
	s10 =	ssub.s32 $0x2, s5  }
0x9: {  	s4 =	sadd.s32 $0x1000, s8;
	s9 =	smul.u32 $0x5C0, s6;
	s11 =	sshrl.u32 s10, $0x1  }
0xa: {  	s5 =	sadd.s32 $0xE00, s8;
	s6 =	sadd.s32 $0xC00, s8;
	s10 =	ssub.s32 s10, s11  }
0xb: {  	s11 =	simm.s32 $0x800;
	s8 =	sadd.s32 s9, s8;
	s7 =	sadd.s32 s7, s9  }
0xc: {  	s9 =	smax.u32 s10, $0x1;
	s10 =	simm.s32 $0x1;
	s8 =	sadd.s32 $0x1400, s8  }
.LBB2_1:
0xd: {  	[tilespmem:s2], [sflag:$0x1] =	stream.linear.gather [hbm4b:s3+s2], $0x800, $0x38;
	[tilespmem:$0x7480] =	vst v63  }
0xe: {  	_ =	swait.ge [sflag:s10], $0x800  }
0xf: {  	[sflag:s10] =	ssyncset.done $0x0  }
0x10: {  	[sflag:s10] =	ssyncadd.s32 $0xFFFFF800  }
0x11: {  	[tilespmem:s11], [sflag:$0x1] =	stream.linear.gather [hbm4b:s4+s2], $0x800, $0x38;
	[tilespmem:$0x7480] =	vst v63  }
0x12: {  	_ =	swait.ge [sflag:s10], $0x800  }
0x13: {  	[sflag:s10] =	ssyncset.done $0x0  }
0x14: {  	[sflag:s10] =	ssyncadd.s32 $0xFFFFF800  }
0x15: {  	[tilespmem:s12], [sflag:$0x1] =	stream.linear.gather [hbm4b:s5+s2], $0x800, $0x38;
	[tilespmem:$0x7480] =	vst v63  }
0x16: {  	_ =	swait.ge [sflag:s10], $0x800  }
0x17: {  	[sflag:s10] =	ssyncset.done $0x0  }
0x18: {  	[sflag:s10] =	ssyncadd.s32 $0xFFFFF800  }
0x19: {  	[tilespmem:s13], [sflag:$0x1] =	stream.linear.gather [hbm4b:s6+s2], $0x80, $0x38;
	[tilespmem:$0x7480] =	vst v63  }
0x1a: {  	_ =	swait.ge [sflag:s10], $0x80  }
0x1b: {  	[sflag:s10] =	ssyncset.done $0x0  }
0x1c: {  	[sflag:s10] =	ssyncadd.s32 $0xFFFFFF80  }
0x1d: {  	[tilespmem:s14], [sflag:$0x1] =	stream.linear.gather [hbm4b:s7+s2], $0x2E00, $0x38;
	[tilespmem:$0x7480] =	vst v63  }
0x1e: {  	_ =	swait.ge [sflag:s10], $0x2E00  }
0x1f: {  	[sflag:s10] =	ssyncset.done $0x0  }
0x20: {  	[sflag:s10] =	ssyncadd.s32 $0xFFFFD200  }
0x21: {  	v50 =	vld [tilespmem:$0x780]  }
0x22: {  	v52 =	vld [tilespmem:$0x700]  }
0x23: {  	v53 =	vld [tilespmem:$0x680]  }
0x24: {  	v54 =	vld [tilespmem:$0x600]  }
0x25: {  	v6 =	vld [tilespmem:$0x1400]  }
0x26: {  	v51 =	vld [tilespmem:$0x580]  }
0x27: {  	v7 =	vld [tilespmem:$0xC00]  }
0x28: {  	v10 =	vld [tilespmem:$0xB80]  }
0x29: {  	v13 =	vld [tilespmem:$0xB00]  }
0x2a: {  	v14 =	vld [tilespmem:$0xA80]  }
0x2b: {  	v15 =	vld [tilespmem:$0xA00]  }
0x2c: {  	v58 =	vld [tilespmem:$0x280]  }
0x2d: {  	v20 =	vld [tilespmem:$0x1000]  }
0x2e: {  	v19 =	vld [tilespmem:$0x1080]  }
0x2f: {  	s17 =	simm.s32 $0x1890;
	v37 =	vld [tilespmem:$0x0]  }
0x30: {  	v0 =	vld [tilespmem:s17+$0x0]  }
0x31: {  	v48 =	vld [tilespmem:$0x80]  }
0x32: {  	v33 =	vld [tilespmem:$0x800]  }
0x33: {  	v49 =	vld [tilespmem:$0x100]  }
0x34: {  	v28 =	vld [tilespmem:$0x880]  }
0x35: {  	v62 =	vld [tilespmem:$0x180]  }
0x36: {  	v61 =	vld [tilespmem:$0x200];
	[tilespmem:$0x1F9F0] =	vst v48  }
0x37: {  	v29 =	vld [tilespmem:$0x900];
	[tilespmem:$0x1FFC0] =	vst v52  }
0x38: {  	v1 =	vsub.f32 v0, v37;
	[tilespmem:$0x1FFE0] =	vst v50  }
0x39: {  	v2 =	vsub.f32 v0, v48;
	v27 =	vld [tilespmem:$0x1100];
	[tilespmem:$0x1FA10] =	vst v49  }
0x3a: {  	v9 =	vsub.f32 v0, v52;
	v1 =	vmul.f32 v1, v1;
	[tilespmem:$0x1FDA0] =	vst v53  }
0x3b: {  	v39 =	vsub.f32 v0, v50;
	v3 =	vsub.f32 v0, v49;
	v2 =	vmul.f32 v2, v2;
	v31 =	vld [tilespmem:$0x980];
	[tilespmem:$0x1FBF0] =	vst v58  }
0x3c: {  	v4 =	vsub.f32 v0, v58;
	v8 =	vsub.f32 v0, v62;
	[tilespmem:$0x1FCF0] =	vst v54;
	v1 =	vmul.f32 v1, v33  }
0x3d: {  	v11 =	vsub.f32 v0, v61;
	v18 =	vsub.f32 v0, v51;
	v60 =	vld [tilespmem:$0x300];
	v2 =	vmul.f32 v2, v28;
	[tilespmem:$0x1FBB0] =	vst v62  }
0x3e: {  	v3 =	vmul.f32 v3, v3;
	v4 =	vmul.f32 v4, v4;
	v32 =	vld [tilespmem:$0x1180];
	[tilespmem:$0x1FBD0] =	vst v61;
	v1 =	vadd.f32 v1, v20  }
0x3f: {  	v8 =	vmul.f32 v8, v8;
	v11 =	vmul.f32 v11, v11;
	v59 =	vld [tilespmem:$0x380];
	v2 =	vadd.f32 v2, v19  }
0x40: {  	v17 =	vsub.f32 v0, v53;
	v3 =	vmul.f32 v3, v29;
	v25 =	vld [tilespmem:$0x1200];
	[tilespmem:$0x1FCD0] =	vst v51;
	v1 =	vmul.f32 $1.442695020e+00, v1  }
0x41: {  	v5 =	vsub.f32 v0, v54;
	v18 =	vmul.f32 v18, v18;
	v57 =	vld [tilespmem:$0x400];
	v2 =	vmul.f32 $1.442695020e+00, v2  }
0x42: {  	v26 =	vld [tilespmem:$0x1280];
	v3 =	vadd.f32 v3, v27;
	v8 =	vmul.f32 v8, v31;
	[tilespmem:$0x1FC10] =	vst v60;
	(erf) = vpow2.f32 v1  }
0x43: {  	v47 =	vmul.f32 v5, v5;
	v12 =	vsub.f32 v0, v60;
	v56 =	vld [tilespmem:$0x480];
	(erf) = vpow2.f32 v2  }
0x44: {  	v11 =	vmul.f32 v11, v15;
	v1 =	vmul.f32 $1.442695020e+00, v3;
	v3 =	vadd.f32 v8, v32;
	v21 =	vld [tilespmem:$0x1300]  }
0x45: {  	v2 =	vmul.f32 v4, v14;
	v4 =	vmul.f32 v12, v12;
	v8 =	vsub.f32 v0, v59;
	[tilespmem:$0x1FC30] =	vst v59  }
0x46: {  	v11 =	vadd.f32 v11, v25;
	v55 =	vld [tilespmem:$0x500];
	v3 =	vmul.f32 $1.442695020e+00, v3;
	(erf) = vpow2.f32 v1  }
0x47: {  	v24 =	vld [tilespmem:$0x1380];
	[tilespmem:$0x1FC70] =	vst v57;
	v1 =	vmul.f32 v4, v13;
	v4 =	vmul.f32 v8, v8;
	v8 =	vsub.f32 v0, v57  }
0x48: {  	v23 =	vld [tilespmem:$0xC80];
	v11 =	vmul.f32 $1.442695020e+00, v11;
	v2 =	vadd.f32 v2, v26;
	(erf) = vpow2.f32 v3  }
0x49: {  	v22 =	vld [tilespmem:$0x1480];
	v4 =	vmul.f32 v4, v10;
	v3 =	vmul.f32 v8, v8;
	[tilespmem:$0x1FC90] =	vst v56;
	v1 =	vadd.f32 v1, v21  }
0x4a: {  	v8 =	vsub.f32 v0, v56;
	v2 =	vmul.f32 $1.442695020e+00, v2;
	(erf) = vpow2.f32 v11;
	v16 =	vld [tilespmem:$0xD00]  }
0x4b: {  	v11 =	vld [tilespmem:$0x1500];
	v46 =	vmul.f32 v3, v7;
	v0 =	vsub.f32 v0, v55;
	[tilespmem:$0x1FCB0] =	vst v55;
	v35 =	vmul.f32 $1.442695020e+00, v1;
	v30 =	vpop (erf)  }
0x4c: {  	v8 =	vmul.f32 v8, v8;
	(erf) = vpow2.f32 v2;
	v3 =	vld [tilespmem:$0xD80];
	v34 =	vpop (erf)  }
0x4d: {  	v4 =	vadd.f32 v4, v24;
	v0 =	vmul.f32 v0, v0;
	v36 =	vadd.f32 v34, v30  }
0x4e: {  	v1 =	vld [tilespmem:$0x1580];
	v2 =	vadd.f32 v46, v6;
	v8 =	vmul.f32 v8, v23;
	(erf) = vpow2.f32 v35  }
0x4f: {  	v12 =	vld [tilespmem:$0xE00];
	v38 =	vmul.f32 $1.442695020e+00, v4;
	v41 =	vmul.f32 v0, v16;
	v35 =	vpop (erf)  }
0x50: {  	v5 =	vld [tilespmem:$0xF00];
	v40 =	vadd.f32 v8, v22;
	v2 =	vmul.f32 $1.442695020e+00, v2;
	v42 =	vadd.f32 v36, v35  }
0x51: {  	v8 =	vld [tilespmem:$0xE80];
	(erf) = vpow2.f32 v38;
	v41 =	vadd.f32 v41, v11;
	v18 =	vmul.f32 v18, v3;
	v36 =	vpop (erf)  }
0x52: {  	v44 =	vmul.f32 v17, v17;
	v4 =	vld [tilespmem:$0x1600];
	v42 =	vadd.f32 v42, v36  }
0x53: {  	v17 =	vld [tilespmem:$0xF80];
	v40 =	vmul.f32 $1.442695020e+00, v40;
	(erf) = vpow2.f32 v2;
	v43 =	vadd.f32 v18, v1;
	v38 =	vpop (erf)  }
0x54: {  	v0 =	vld [tilespmem:$0x1680];
	v18 =	vmul.f32 v47, v12;
	v42 =	vadd.f32 v42, v38  }
0x55: {  	v2 =	vld [tilespmem:$0x1700];
	v45 =	vmul.f32 $1.442695020e+00, v41;
	(erf) = vpow2.f32 v40;
	v41 =	vpop (erf)  }
0x56: {  	v9 =	vmul.f32 v9, v9;
	v44 =	vmul.f32 v44, v8;
	v42 =	vadd.f32 v42, v41  }
0x57: {  	v40 =	vadd.f32 v18, v4;
	v18 =	vld [tilespmem:$0x1780];
	v46 =	vmul.f32 $1.442695020e+00, v43;
	(erf) = vpow2.f32 v45;
	v43 =	vpop (erf)  }
0x58: {  	v39 =	vmul.f32 v39, v39;
	v63 =	vmul.f32 v9, v5;
	v42 =	vadd.f32 v42, v43  }
0x59: {  	v9 =	vld [tilespmem:s17+$0xFFFFFFF0];
	v45 =	vadd.f32 v44, v0;
	v40 =	vmul.f32 $1.442695020e+00, v40;
	(erf) = vpow2.f32 v46  }
0x5a: {  	v39 =	vmul.f32 v39, v17;
	v63 =	vadd.f32 v63, v2;
	v44 =	vpop (erf)  }
0x5b: {  	v45 =	vmul.f32 $1.442695020e+00, v45;
	(erf) = vpow2.f32 v40;
	v47 =	vadd.f32 v42, v44  }
0x5c: {  	v39 =	vadd.f32 v39, v18;
	v42 =	vpop (erf)  }
0x5d: {  	v46 =	vmul.f32 $1.442695020e+00, v63;
	(erf) = vpow2.f32 v45;
	v47 =	vadd.f32 v47, v42  }
0x5e: {  	v37 =	vsub.f32 v9, v37;
	v40 =	vpop (erf)  }
0x5f: {  	(erf) = vpow2.f32 v46;
	v45 =	vadd.f32 v47, v40;
	v47 =	vmul.f32 $1.442695020e+00, v39  }
0x60: {  	v48 =	vsub.f32 v9, v48;
	v63 =	vmul.f32 v37, v37;
	v39 =	vpop (erf)  }
0x61: {  	v45 =	vadd.f32 v45, v39;
	(erf) = vpow2.f32 v47;
	v47 =	vsub.f32 v9, v49  }
0x62: {  	v48 =	vmul.f32 v48, v48;
	v46 =	vmul.f32 v63, v33;
	v63 =	vsub.f32 v9, v62;
	v37 =	vpop (erf)  }
0x63: {  	v45 =	vadd.f32 v45, v37;
	v47 =	vmul.f32 v47, v47  }
0x64: {  	v62 =	vmul.f32 v48, v28;
	v20 =	vadd.f32 v46, v20;
	v63 =	vmul.f32 v63, v63;
	v33 =	vpop (erf)  }
0x65: {  	v45 =	vadd.f32 v45, v33;
	v29 =	vmul.f32 v47, v29  }
0x66: {  	v19 =	vadd.f32 v62, v19;
	v20 =	vmul.f32 $1.442695020e+00, v20;
	v31 =	vmul.f32 v63, v31;
	v28 =	vpop (erf)  }
0x67: {  	v45 =	vadd.f32 v45, v28;
	v29 =	vadd.f32 v29, v27  }
0x68: {  	v19 =	vmul.f32 $1.442695020e+00, v19;
	(erf) = vpow2.f32 v20;
	v20 =	vadd.f32 v31, v32;
	v27 =	vpop (erf)  }
0x69: {  	v61 =	vsub.f32 v9, v61;
	v45 =	vadd.f32 v45, v27;
	v29 =	vmul.f32 $1.442695020e+00, v29  }
0x6a: {  	v63 =	vsub.f32 v9, v58;
	(erf) = vpow2.f32 v19;
	v19 =	vmul.f32 $1.442695020e+00, v20;
	v31 =	vpop (erf)  }
0x6b: {  	v20 =	vmax.f32 v30, v34;
	v45 =	vadd.f32 v45, v31;
	(erf) = vpow2.f32 v29  }
0x6c: {  	v62 =	vmul.f32 v61, v61;
	v20 =	vmax.f32 v20, v35;
	(erf) = vpow2.f32 v19  }
0x6d: {  	v19 =	vmax.f32 v20, v36;
	v20 =	vmul.f32 v63, v63;
	v29 =	vadd.f32 $9.999999930e-09, v45  }
0x6e: {  	v46 =	vsub.f32 v9, v60;
	v15 =	vmul.f32 v62, v15;
	v19 =	vmax.f32 v19, v38  }
0x6f: {  	v19 =	vmax.f32 v19, v41;
	v14 =	vmul.f32 v20, v14;
	(erf) = vrcp.f32 v29  }
0x70: {  	v15 =	vadd.f32 v15, v25;
	v47 =	vmul.f32 v46, v46;
	v19 =	vmax.f32 v19, v43  }
0x71: {  	v48 =	vmax.f32 v19, v44;
	v14 =	vadd.f32 v14, v26  }
0x72: {  	v13 =	vmul.f32 v47, v13;
	v20 =	vsub.f32 v9, v59;
	v19 =	vmax.f32 v48, v42  }
0x73: {  	v29 =	vmul.f32 $1.442695020e+00, v15;
	v19 =	vmax.f32 v19, v40  }
0x74: {  	v58 =	vsub.f32 v9, v57;
	v13 =	vadd.f32 v13, v21;
	v15 =	vpop (erf);
	v49 =	vmul.f32 v20, v20;
	v20 =	vld [tilespmem:$0x1800]  }
0x75: {  	(erf) = vpow2.f32 v29;
	v59 =	vmul.f32 $1.442695020e+00, v14;
	v29 =	vmax.f32 v19, v39;
	v14 =	vpop (erf)  }
0x76: {  	v26 =	vmul.f32 v58, v58;
	v60 =	vmax.f32 v29, v37;
	v19 =	vpop (erf)  }
0x77: {  	v13 =	vmul.f32 $1.442695020e+00, v13;
	v10 =	vmul.f32 v49, v10;
	v25 =	vmax.f32 v60, v33;
	v21 =	vpop (erf)  }
0x78: {  	v7 =	vmul.f32 v26, v7;
	(erf) = vpow2.f32 v59;
	v25 =	vmax.f32 v25, v28;
	v61 =	vpop (erf)  }
0x79: {  	v10 =	vadd.f32 v10, v24;
	v25 =	vmax.f32 v25, v27;
	v32 =	vmul.f32 v61, v20  }
0x7a: {  	(erf) = vpow2.f32 v13;
	v25 =	vmax.f32 v25, v31  }
0x7b: {  	v6 =	vadd.f32 v7, v6;
	v10 =	vmul.f32 $1.442695020e+00, v10;
	v7 =	vmul.f32 v32, v25  }
0x7c: {  	v63 =	vmul.f32 v32, v30;
	v34 =	vmul.f32 v32, v34  }
0x7d: {  	v6 =	vmul.f32 $1.442695020e+00, v6;
	(erf) = vpow2.f32 v10  }
0x7e: {  	v46 =	vmul.f32 v32, v35;
	v45 =	vsub.f32 v63, v7;
	v10 =	vsub.f32 v34, v7  }
0x7f: {  	v29 =	vsub.f32 v9, v56;
	(erf) = vpow2.f32 v6;
	v47 =	vmul.f32 v32, v36  }
0x80: {  	v13 =	vmul.f32 $1.442695020e+00, v45;
	v6 =	vmul.f32 $1.442695020e+00, v10;
	v10 =	vsub.f32 v46, v7  }
0x81: {  	v62 =	vmul.f32 v29, v29;
	v48 =	vmul.f32 v32, v38  }
0x82: {  	v49 =	vsub.f32 v47, v7;
	(erf) = vpow2.f32 v13;
	v10 =	vmul.f32 $1.442695020e+00, v10  }
0x83: {  	(erf) = vpow2.f32 v6;
	v6 =	vmul.f32 v62, v23  }
0x84: {  	v56 =	vsub.f32 v48, v7;
	v13 =	vmul.f32 $1.442695020e+00, v49;
	v23 =	vmul.f32 v32, v41  }
0x85: {  	(erf) = vpow2.f32 v10;
	v10 =	vadd.f32 v6, v22;
	v22 =	vmul.f32 v32, v43  }
0x86: {  	v57 =	vpop (erf);
	v25 =	vmul.f32 $1.442695020e+00, v56  }
0x87: {  	v58 =	vsub.f32 v23, v7;
	(erf) = vpow2.f32 v13;
	v6 =	vpop (erf);
	v30 =	vsub.f32 v22, v7  }
0x88: {  	v29 =	vmul.f32 v32, v44;
	v10 =	vmul.f32 $1.442695020e+00, v10;
	v23 =	vpop (erf)  }
0x89: {  	(erf) = vpow2.f32 v25;
	v26 =	vmul.f32 $1.442695020e+00, v58;
	v59 =	vpop (erf)  }
0x8a: {  	v35 =	vmul.f32 v32, v42;
	(erf) = vpow2.f32 v10;
	v22 =	vpop (erf)  }
0x8b: {  	v29 =	vsub.f32 v29, v7;
	v10 =	vmul.f32 $1.442695020e+00, v30;
	(erf) = vpow2.f32 v26;
	v30 =	vpop (erf)  }
0x8c: {  	v36 =	vmul.f32 v32, v40;
	v40 =	vmul.f32 v32, v39;
	v25 =	vsub.f32 v35, v7;
	v38 =	vpop (erf)  }
0x8d: {  	v29 =	vmul.f32 $1.442695020e+00, v29;
	(erf) = vpow2.f32 v10;
	v30 =	vadd.f32 v38, v30  }
0x8e: {  	v42 =	vmul.f32 v32, v37;
	v25 =	vmul.f32 $1.442695020e+00, v25;
	v41 =	vpop (erf)  }
0x8f: {  	v10 =	vsub.f32 v36, v7;
	(erf) = vpow2.f32 v29;
	v30 =	vadd.f32 v30, v41  }
0x90: {  	v44 =	vadd.f32 v14, v15;
	v33 =	vmul.f32 v32, v33;
	v28 =	vmul.f32 v32, v28;
	v43 =	vpop (erf)  }
0x91: {  	v10 =	vmul.f32 $1.442695020e+00, v10;
	(erf) = vpow2.f32 v25;
	v30 =	vadd.f32 v30, v43  }
0x92: {  	v27 =	vmul.f32 v32, v27;
	v34 =	vsub.f32 v42, v7;
	v26 =	vsub.f32 v40, v7;
	v45 =	vpop (erf)  }
0x93: {  	v29 =	vsub.f32 v9, v55;
	(erf) = vpow2.f32 v10;
	v47 =	vpop (erf);
	v30 =	vadd.f32 v30, v45  }
0x94: {  	v33 =	vsub.f32 v33, v7;
	v28 =	vsub.f32 v28, v7;
	v46 =	vmul.f32 $1.442695020e+00, v26;
	v48 =	vpop (erf)  }
0x95: {  	v10 =	vmul.f32 v29, v29;
	v29 =	vmul.f32 $1.442695020e+00, v34;
	v30 =	vadd.f32 v30, v48  }
0x96: {  	v27 =	vsub.f32 v27, v7;
	v49 =	vsub.f32 v9, v51;
	(erf) = vpow2.f32 v46;
	v51 =	vpop (erf)  }
0x97: {  	v33 =	vmul.f32 $1.442695020e+00, v33;
	(erf) = vpow2.f32 v29;
	v29 =	vadd.f32 v30, v51  }
0x98: {  	v28 =	vmul.f32 $1.442695020e+00, v28;
	v25 =	vadd.f32 v19, v44;
	v30 =	vmul.f32 v32, v31;
	v31 =	vpop (erf)  }
0x99: {  	v10 =	vmul.f32 v10, v16;
	(erf) = vpow2.f32 v33;
	v29 =	vadd.f32 v29, v31  }
0x9a: {  	v25 =	vadd.f32 v21, v25;
	v16 =	vmul.f32 $1.442695020e+00, v27;
	(erf) = vpow2.f32 v28;
	[tilespmem:$0x1FA70] =	vst v31;
	v27 =	vpop (erf)  }
0x9b: {  	v28 =	vmul.f32 v49, v49;
	v31 =	vsub.f32 v9, v54;
	[tilespmem:$0x1FAA0] =	vst v27;
	v27 =	vadd.f32 v29, v27  }
0x9c: {  	v10 =	vadd.f32 v10, v11;
	v7 =	vsub.f32 v30, v7;
	v11 =	vpop (erf)  }
0x9d: {  	v3 =	vmul.f32 v28, v3;
	[tilespmem:$0x1FAB0] =	vst v11;
	v11 =	vadd.f32 v27, v11;
	v27 =	vmul.f32 v31, v31  }
0x9e: {  	(erf) = vpow2.f32 v16;
	v16 =	vsub.f32 v9, v53;
	v7 =	vmul.f32 $1.442695020e+00, v7  }
0x9f: {  	v25 =	vadd.f32 v57, v25;
	v1 =	vadd.f32 v3, v1;
	v28 =	vpop (erf)  }
0xa0: {  	v16 =	vmul.f32 v16, v16;
	(erf) = vpow2.f32 v7;
	v7 =	vadd.f32 v11, v28  }
0xa1: {  	v10 =	vmul.f32 $1.442695020e+00, v10;
	v11 =	vsub.f32 v9, v52;
	v3 =	vmul.f32 v27, v12;
	v27 =	vpop (erf)  }
0xa2: {  	v1 =	vmul.f32 $1.442695020e+00, v1;
	v8 =	vmul.f32 v16, v8;
	v7 =	vadd.f32 v7, v27  }
0xa3: {  	(erf) = vpow2.f32 v10;
	v3 =	vadd.f32 v3, v4;
	v10 =	vmul.f32 v11, v11;
	v56 =	vpop (erf)  }
0xa4: {  	v4 =	vsub.f32 v9, v50;
	v7 =	vadd.f32 v7, v56  }
0xa5: {  	v55 =	vadd.f32 v6, v25;
	(erf) = vpow2.f32 v1;
	v11 =	vpop (erf);
	v5 =	vmul.f32 v10, v5  }
0xa6: {  	v1 =	vmul.f32 $1.442695020e+00, v3;
	v4 =	vmul.f32 v4, v4;
	v3 =	vadd.f32 v7, v11  }
0xa7: {  	v0 =	vadd.f32 v8, v0;
	v9 =	vadd.f32 v23, v55;
	v8 =	vpop (erf)  }
0xa8: {  	(erf) = vpow2.f32 v1;
	v1 =	vadd.f32 v3, v8;
	v3 =	vmul.f32 v4, v17  }
0xa9: {  	v0 =	vmul.f32 $1.442695020e+00, v0;
	v2 =	vadd.f32 v5, v2;
	v7 =	vadd.f32 v59, v9;
	v5 =	vpop (erf)  }
0xaa: {  	v1 =	vadd.f32 v1, v5;
	v3 =	vadd.f32 v3, v18  }
0xab: {  	(erf) = vpow2.f32 v0;
	v2 =	vmul.f32 $1.442695020e+00, v2;
	v4 =	vadd.f32 v22, v7  }
0xac: {  	(erf) = vrcp.f32 v1  }
0xad: {  	v0 =	vadd.f32 v47, v4;
	v1 =	vmul.f32 $1.442695020e+00, v3;
	(erf) = vpow2.f32 v2  }
0xae: {  	v3 =	vpop (erf)  }
0xaf: {  	(erf) = vpow2.f32 v1;
	v0 =	vadd.f32 v3, v0  }
0xb0: {  	[tilespmem:$0x1FB30] =	vst v8;
	v8 =	vpop (erf)  }
0xb1: {  	v0 =	vadd.f32 v8, v0  }
0xb2: {  	v7 =	vpop (erf)  }
0xb3: {  	v0 =	vadd.f32 v7, v0  }
0xb4: {  	[tilespmem:$0x1FA00] =	vst v38;
	v2 =	vpop (erf)  }
0xb5: {  	[tilespmem:$0x1FA20] =	vst v41;
	v0 =	vadd.f32 v2, v0;
	v1 =	vpop (erf)  }
0xb6: {  	[tilespmem:$0x1FB40] =	vst v5;
	v5 =	vpop (erf)  }
0xb7: {  	[tilespmem:$0x1FA30] =	vst v43;
	v0 =	vadd.f32 v5, v0  }
0xb8: {  	[tilespmem:$0x1FA40] =	vst v45;
	v4 =	vpop (erf)  }
0xb9: {  	[tilespmem:$0x1FA50] =	vst v48;
	v0 =	vadd.f32 v4, v0  }
0xba: {  	[tilespmem:$0x1FB50] =	vst v1;
	v1 =	vmax.f32 v15, v14  }
0xbb: {  	[tilespmem:$0x1FA60] =	vst v51;
	v1 =	vmax.f32 v1, v19;
	v0 =	vadd.f32 $9.999999930e-09, v0  }
0xbc: {  	[tilespmem:$0x1FAC0] =	vst v28;
	v1 =	vmax.f32 v1, v21  }
0xbd: {  	[tilespmem:$0x1FAD0] =	vst v27;
	v1 =	vmax.f32 v1, v57;
	(erf) = vrcp.f32 v0  }
0xbe: {  	[tilespmem:$0x1FAE0] =	vst v56;
	v0 =	vmax.f32 v1, v6  }
0xbf: {  	[tilespmem:$0x1FAF0] =	vst v11;
	v0 =	vmax.f32 v0, v23  }
0xc0: {  	[tilespmem:$0x1FA80] =	vst v8;
	v0 =	vmax.f32 v0, v59  }
0xc1: {  	[tilespmem:$0x1FA90] =	vst v7;
	v0 =	vmax.f32 v0, v22  }
0xc2: {  	[tilespmem:$0x1FB00] =	vst v2;
	v0 =	vmax.f32 v0, v47  }
0xc3: {  	[tilespmem:$0x1FB10] =	vst v5;
	v0 =	vmax.f32 v0, v3  }
0xc4: {  	[tilespmem:$0x1FB20] =	vst v4;
	v0 =	vmax.f32 v0, v8  }
0xc5: {  	v9 =	vld [tilespmem:$0x600];
	v0 =	vmax.f32 v0, v7  }
0xc6: {  	v0 =	vmax.f32 v0, v2;
	v1 =	vpop (erf)  }
0xc7: {  	v0 =	vmax.f32 v0, v5;
	v5 =	vmul.f32 v1, v20  }
0xc8: {  	v0 =	vmax.f32 v0, v4  }
0xc9: {  	v2 =	vmul.f32 v5, v0;
	v0 =	vmul.f32 v5, v15  }
0xca: {  	[tilespmem:$0x1FFB0] =	vst v9;
	v1 =	vmul.f32 v5, v14;
	v4 =	vmul.f32 v5, v19  }
0xcb: {  	v38 =	vld [tilespmem:$0x1400];
	v7 =	vmul.f32 v5, v21;
	v8 =	vmul.f32 v5, v57;
	v0 =	vsub.f32 v0, v2  }
0xcc: {  	v49 =	vld [tilespmem:$0xC00];
	v6 =	vmul.f32 v5, v6;
	v1 =	vsub.f32 v1, v2;
	v4 =	vsub.f32 v4, v2  }
0xcd: {  	v63 =	vld [tilespmem:$0xB80];
	v3 =	vmul.f32 v5, v3;
	v7 =	vsub.f32 v7, v2;
	v0 =	vmul.f32 $1.442695020e+00, v0  }
0xce: {  	v62 =	vld [tilespmem:$0xB00];
	v8 =	vsub.f32 v8, v2;
	v1 =	vmul.f32 $1.442695020e+00, v1;
	v4 =	vmul.f32 $1.442695020e+00, v4  }
0xcf: {  	v29 =	vld [tilespmem:$0xA80];
	v7 =	vmul.f32 $1.442695020e+00, v7;
	(erf) = vpow2.f32 v0  }
0xd0: {  	v25 =	vld [tilespmem:$0xA00];
	v6 =	vsub.f32 v6, v2;
	v0 =	vmul.f32 $1.442695020e+00, v8;
	(erf) = vpow2.f32 v1  }
0xd1: {  	s31 =	simm.s32 $0x18B0;
	v30 =	vld [tilespmem:$0x0];
	v1 =	vmul.f32 v5, v23;
	(erf) = vpow2.f32 v4  }
0xd2: {  	v18 =	vld [tilespmem:s31+$0x0];
	v4 =	vmul.f32 $1.442695020e+00, v6;
	v6 =	vmul.f32 v5, v59  }
0xd3: {  	v16 =	vld [tilespmem:$0x80];
	(erf) = vpow2.f32 v7;
	v1 =	vsub.f32 v1, v2;
	v7 =	vmul.f32 v5, v47  }
0xd4: {  	v31 =	vld [tilespmem:$0x800];
	(erf) = vpow2.f32 v0;
	v0 =	vmul.f32 v5, v22;
	v6 =	vsub.f32 v6, v2  }
0xd5: {  	v14 =	vld [tilespmem:$0x100];
	v1 =	vmul.f32 $1.442695020e+00, v1;
	(erf) = vpow2.f32 v4  }
0xd6: {  	v15 =	vld [tilespmem:$0x180];
	v0 =	vsub.f32 v0, v2;
	v4 =	vmul.f32 $1.442695020e+00, v6;
	v6 =	vsub.f32 v7, v2  }
0xd7: {  	v57 =	vld [tilespmem:$0x200];
	(erf) = vpow2.f32 v1;
	v1 =	vsub.f32 v3, v2;
	v3 =	vsub.f32 v18, v30  }
0xd8: {  	v24 =	vld [tilespmem:$0x1000];
	v0 =	vmul.f32 $1.442695020e+00, v0  }
0xd9: {  	v17 =	vld [tilespmem:$0x280];
	v6 =	vmul.f32 $1.442695020e+00, v6;
	v3 =	vmul.f32 v3, v3  }
0xda: {  	v39 =	vld [tilespmem:$0x880];
	(erf) = vpow2.f32 v4;
	v1 =	vmul.f32 $1.442695020e+00, v1  }
0xdb: {  	v41 =	vld [tilespmem:$0x1080];
	[tilespmem:$0x1FE10] =	vst v16;
	(erf) = vpow2.f32 v0;
	v3 =	vmul.f32 v3, v31  }
0xdc: {  	v46 =	vld [tilespmem:$0x900];
	[tilespmem:$0x1FE30] =	vst v14;
	v7 =	vsub.f32 v18, v57;
	(erf) = vpow2.f32 v6;
	v6 =	vsub.f32 v18, v15  }
0xdd: {  	v42 =	vld [tilespmem:$0x980];
	v4 =	vsub.f32 v18, v16;
	(erf) = vpow2.f32 v1;
	v1 =	vadd.f32 v3, v24  }
0xde: {  	v52 =	vld [tilespmem:$0x1100];
	[tilespmem:$0x1FE60] =	vst v15;
	v3 =	vmul.f32 v6, v6;
	v6 =	vmul.f32 v7, v7;
	v7 =	vsub.f32 v18, v17  }
0xdf: {  	v45 =	vld [tilespmem:$0x1180];
	[tilespmem:$0x1FE90] =	vst v57;
	v0 =	vmul.f32 v4, v4;
	v4 =	vsub.f32 v18, v14  }
0xe0: {  	v28 =	vld [tilespmem:$0x1200];
	v1 =	vmul.f32 $1.442695020e+00, v1  }
0xe1: {  	v19 =	vld [tilespmem:$0x300];
	[tilespmem:$0x1FED0] =	vst v17;
	v0 =	vmul.f32 v0, v39;
	v4 =	vmul.f32 v4, v4  }
0xe2: {  	v21 =	vld [tilespmem:$0x380];
	(erf) = vpow2.f32 v1;
	v1 =	vmul.f32 v7, v7;
	v7 =	vpop (erf)  }
0xe3: {  	v32 =	vld [tilespmem:$0x1280];
	v0 =	vadd.f32 v0, v41;
	v4 =	vmul.f32 v4, v46;
	v6 =	vmul.f32 v6, v25;
	[tilespmem:$0x1FB70] =	vst v7  }
0xe4: {  	v11 =	vld [tilespmem:$0x480]  }
0xe5: {  	v0 =	vmul.f32 $1.442695020e+00, v0;
	v4 =	vadd.f32 v4, v52  }
0xe6: {  	v3 =	vmul.f32 v3, v42  }
0xe7: {  	(erf) = vpow2.f32 v0;
	v0 =	vmul.f32 $1.442695020e+00, v4;
	v4 =	vadd.f32 v6, v28;
	v6 =	vpop (erf)  }
0xe8: {  	v53 =	vld [tilespmem:$0x400];
	[tilespmem:$0x1FB60] =	vst v6  }
0xe9: {  	v3 =	vadd.f32 v3, v45;
	[tilespmem:$0x1FF50] =	vst v11  }
0xea: {  	v6 =	vsub.f32 v18, v19;
	v37 =	vld [tilespmem:$0x1300];
	(erf) = vpow2.f32 v0  }
0xeb: {  	v3 =	vmul.f32 $1.442695020e+00, v3;
	v0 =	vmul.f32 $1.442695020e+00, v4;
	v4 =	vpop (erf)  }
0xec: {  	v1 =	vmul.f32 v1, v29;
	[tilespmem:$0x1FB80] =	vst v4;
	v4 =	vsub.f32 v18, v21  }
0xed: {  	(erf) = vpow2.f32 v3;
	v3 =	vmul.f32 v6, v6  }
0xee: {  	[tilespmem:$0x1FF10] =	vst v21;
	v6 =	vpop (erf)  }
0xef: {  	v1 =	vadd.f32 v1, v32;
	v23 =	vld [tilespmem:$0x500];
	[tilespmem:$0x1FBA0] =	vst v6;
	v3 =	vmul.f32 v3, v62  }
0xf0: {  	(erf) = vpow2.f32 v0;
	v40 =	vld [tilespmem:$0x1380];
	v0 =	vmul.f32 v4, v4;
	v4 =	vpop (erf)  }
0xf1: {  	v1 =	vmul.f32 $1.442695020e+00, v1;
	v33 =	vld [tilespmem:$0x580];
	[tilespmem:$0x1FBC0] =	vst v4;
	v6 =	vpop (erf)  }
0xf2: {  	[tilespmem:$0x1FBE0] =	vst v6;
	v6 =	vpop (erf)  }
0xf3: {  	(erf) = vpow2.f32 v1;
	v1 =	vadd.f32 v3, v37;
	v34 =	vld [tilespmem:$0xC80];
	[tilespmem:$0x1FC00] =	vst v6;
	v3 =	vpop (erf)  }
0xf4: {  	v36 =	vld [tilespmem:$0xD00];
	[tilespmem:$0x1FC20] =	vst v3  }
0xf5: {  	v7 =	vpop (erf);
	v22 =	vld [tilespmem:$0x1480];
	[tilespmem:$0x1FF80] =	vst v23  }
0xf6: {  	v4 =	vsub.f32 v18, v53;
	[tilespmem:$0x1FC80] =	vst v7;
	v7 =	vpop (erf)  }
0xf7: {  	v0 =	vmul.f32 v0, v63;
	v35 =	vld [tilespmem:$0x1500];
	[tilespmem:$0x1FCA0] =	vst v7  }
0xf8: {  	v4 =	vmul.f32 v4, v4;
	v6 =	vsub.f32 v18, v11;
	v59 =	vld [tilespmem:$0xD80]  }
0xf9: {  	v0 =	vadd.f32 v0, v40;
	v3 =	vsub.f32 v18, v23;
	v1 =	vmul.f32 $1.442695020e+00, v1;
	v8 =	vpop (erf);
	v61 =	vld [tilespmem:$0x780];
	[tilespmem:$0x1FFA0] =	vst v33  }
0xfa: {  	v4 =	vmul.f32 v4, v49;
	v6 =	vmul.f32 v6, v6;
	[tilespmem:$0x1FCC0] =	vst v8  }
0xfb: {  	v0 =	vmul.f32 $1.442695020e+00, v0;
	v3 =	vmul.f32 v3, v3;
	v7 =	vsub.f32 v18, v33;
	v60 =	vld [tilespmem:$0x1580]  }
0xfc: {  	(erf) = vpow2.f32 v1;
	v6 =	vmul.f32 v6, v34;
	v26 =	vld [tilespmem:$0x680]  }
0xfd: {  	v1 =	vadd.f32 v4, v38;
	v4 =	vmul.f32 v7, v7;
	v3 =	vmul.f32 v3, v36  }
0xfe: {  	v20 =	vpop (erf);
	(erf) = vpow2.f32 v0;
	v27 =	vld [tilespmem:$0x700];
	v0 =	vadd.f32 v6, v22  }
0xff: {  	v48 =	vpop (erf);
	v50 =	vld [tilespmem:$0xE00];
	v1 =	vmul.f32 $1.442695020e+00, v1;
	v3 =	vadd.f32 v3, v35;
	v4 =	vmul.f32 v4, v59  }
0x100: {  	v7 =	vsub.f32 v18, v9;
	v43 =	vld [tilespmem:$0x1600];
	v6 =	vadd.f32 v48, v20;
	v0 =	vmul.f32 $1.442695020e+00, v0  }
0x101: {  	v54 =	vld [tilespmem:$0xE80];
	v55 =	vpop (erf);
	(erf) = vpow2.f32 v1;
	v3 =	vmul.f32 $1.442695020e+00, v3;
	[tilespmem:$0x1FFF0] =	vst v26;
	v4 =	vadd.f32 v4, v60  }
0x102: {  	v1 =	vadd.f32 v6, v55;
	(erf) = vpow2.f32 v0;
	v0 =	vmul.f32 v7, v7;
	v47 =	vld [tilespmem:$0x1680]  }
0x103: {  	v13 =	vpop (erf);
	v58 =	vld [tilespmem:$0xF00];
	[tilespmem:$0x1FB90] =	vst v27;
	(erf) = vpow2.f32 v3;
	v3 =	vsub.f32 v18, v26;
	v4 =	vmul.f32 $1.442695020e+00, v4  }
0x104: {  	v1 =	vadd.f32 v1, v13;
	v56 =	vld [tilespmem:$0xF80];
	v0 =	vmul.f32 v0, v50  }
0x105: {  	v12 =	vpop (erf);
	v6 =	vmul.f32 v3, v3;
	(erf) = vpow2.f32 v4;
	v4 =	vsub.f32 v18, v61  }
0x106: {  	v7 =	vsub.f32 v18, v27;
	v44 =	vld [tilespmem:$0x1780];
	v1 =	vadd.f32 v1, v12  }
0x107: {  	v10 =	vpop (erf);
	v51 =	vld [tilespmem:$0x1700];
	v0 =	vadd.f32 v0, v43;
	v6 =	vmul.f32 v6, v54;
	v4 =	vmul.f32 v4, v4  }
0x108: {  	v7 =	vmul.f32 v7, v7;
	v1 =	vadd.f32 v1, v10  }
0x109: {  	v3 =	vpop (erf);
	v8 =	vmul.f32 $1.442695020e+00, v0;
	v6 =	vadd.f32 v6, v47;
	v4 =	vmul.f32 v4, v56  }
0x10a: {  	v7 =	vmul.f32 v7, v58;
	v0 =	vadd.f32 v1, v3  }
0x10b: {  	v18 =	vld [tilespmem:s31+$0xFFFFFFF0];
	v9 =	vpop (erf);
	(erf) = vpow2.f32 v8;
	v8 =	vmul.f32 $1.442695020e+00, v6;
	v4 =	vadd.f32 v4, v44  }
0x10c: {  	v7 =	vadd.f32 v7, v51;
	v0 =	vadd.f32 v0, v9  }
0x10d: {  	v6 =	vpop (erf);
	v4 =	vmul.f32 $1.442695020e+00, v4  }
0x10e: {  	v7 =	vmul.f32 $1.442695020e+00, v7;
	(erf) = vpow2.f32 v8;
	v0 =	vadd.f32 v0, v6  }
0x10f: {  	v8 =	vpop (erf)  }
0x110: {  	(erf) = vpow2.f32 v7;
	v7 =	vsub.f32 v18, v30;
	v0 =	vadd.f32 v0, v8  }
0x111: {  	v30 =	vsub.f32 v18, v16;
	(erf) = vpow2.f32 v4;
	v4 =	vpop (erf)  }
0x112: {  	v7 =	vmul.f32 v7, v7;
	v1 =	vadd.f32 v0, v4;
	v0 =	vsub.f32 v18, v14  }
0x113: {  	v30 =	vmul.f32 v30, v30;
	v11 =	vpop (erf)  }
0x114: {  	v7 =	vmul.f32 v7, v31;
	v0 =	vmul.f32 v0, v0;
	v1 =	vadd.f32 v1, v11  }
0x115: {  	v30 =	vmul.f32 v30, v39;
	v31 =	vsub.f32 v18, v15;
	v39 =	vpop (erf)  }
0x116: {  	v7 =	vadd.f32 v7, v24;
	v0 =	vmul.f32 v0, v46;
	v1 =	vadd.f32 v1, v39  }
0x117: {  	v30 =	vadd.f32 v30, v41;
	v31 =	vmul.f32 v31, v31;
	v14 =	vpop (erf)  }
0x118: {  	v7 =	vmul.f32 $1.442695020e+00, v7;
	v0 =	vadd.f32 v0, v52;
	v1 =	vadd.f32 v1, v14  }
0x119: {  	v31 =	vmul.f32 v31, v42;
	v30 =	vmul.f32 $1.442695020e+00, v30;
	v46 =	vpop (erf)  }
0x11a: {  	(erf) = vpow2.f32 v7;
	v0 =	vmul.f32 $1.442695020e+00, v0;
	v1 =	vadd.f32 v1, v46  }
0x11b: {  	v7 =	vadd.f32 v31, v45;
	(erf) = vpow2.f32 v30;
	v30 =	vsub.f32 v18, v57;
	v45 =	vpop (erf)  }
0x11c: {  	(erf) = vpow2.f32 v0;
	v0 =	vadd.f32 v1, v45  }
0x11d: {  	v7 =	vmul.f32 $1.442695020e+00, v7;
	v1 =	vmul.f32 v30, v30;
	v30 =	vmax.f32 v20, v48  }
0x11e: {  	v31 =	vsub.f32 v18, v17;
	v30 =	vmax.f32 v30, v55;
	v0 =	vadd.f32 $9.999999930e-09, v0  }
0x11f: {  	v17 =	vsub.f32 v18, v19;
	(erf) = vpow2.f32 v7;
	v7 =	vmax.f32 v30, v13  }
0x120: {  	v1 =	vmul.f32 v1, v25;
	v7 =	vmax.f32 v7, v12;
	(erf) = vrcp.f32 v0  }
0x121: {  	v0 =	vmul.f32 v31, v31;
	v7 =	vmax.f32 v7, v10  }
0x122: {  	v17 =	vmul.f32 v17, v17;
	v1 =	vadd.f32 v1, v28;
	v7 =	vmax.f32 v7, v3  }
0x123: {  	v57 =	vsub.f32 v18, v21;
	v0 =	vmul.f32 v0, v29;
	v7 =	vmax.f32 v7, v9  }
0x124: {  	[tilespmem:$0x1FF00] =	vst v19;
	v24 =	vmovc v19;
	v19 =	vmul.f32 v17, v62;
	v1 =	vmul.f32 $1.442695020e+00, v1;
	v7 =	vmax.f32 v7, v6  }
0x125: {  	v17 =	vld [tilespmem:$0x1800];
	v25 =	vmul.f32 v57, v57;
	v0 =	vadd.f32 v0, v32;
	v7 =	vmax.f32 v7, v8;
	v32 =	vpop (erf)  }
0x126: {  	(erf) = vpow2.f32 v1;
	v1 =	vmax.f32 v7, v4;
	v7 =	vsub.f32 v18, v53;
	v30 =	vpop (erf)  }
0x127: {  	v25 =	vmul.f32 v25, v63;
	v0 =	vmul.f32 $1.442695020e+00, v0;
	v1 =	vmax.f32 v1, v11;
	v31 =	vpop (erf)  }
0x128: {  	v19 =	vadd.f32 v19, v37;
	v7 =	vmul.f32 v7, v7;
	v1 =	vmax.f32 v1, v39;
	v28 =	vpop (erf)  }
0x129: {  	(erf) = vpow2.f32 v0;
	v0 =	vadd.f32 v25, v40;
	v1 =	vmax.f32 v1, v14;
	v62 =	vpop (erf)  }
0x12a: {  	v19 =	vmul.f32 $1.442695020e+00, v19;
	v1 =	vmax.f32 v1, v46;
	v25 =	vmul.f32 v62, v17  }
0x12b: {  	v7 =	vmul.f32 v7, v49;
	v0 =	vmul.f32 $1.442695020e+00, v0;
	v1 =	vmax.f32 v1, v45  }
0x12c: {  	v29 =	vmul.f32 v25, v1;
	v1 =	vmul.f32 v25, v20  }
0x12d: {  	v16 =	vld [tilespmem:$0x1FF50];
	(erf) = vpow2.f32 v19;
	v7 =	vadd.f32 v7, v38  }
0x12e: {  	(erf) = vpow2.f32 v0;
	v0 =	vsub.f32 v1, v29  }
0x12f: {  	v1 =	vmul.f32 $1.442695020e+00, v7;
	v7 =	vmul.f32 v25, v48  }
0x130: {  	v19 =	vmul.f32 v25, v55;
	v0 =	vmul.f32 $1.442695020e+00, v0  }
0x131: {  	(erf) = vpow2.f32 v1;
	v1 =	vsub.f32 v7, v29  }
0x132: {  	v7 =	vsub.f32 v18, v16;
	(erf) = vpow2.f32 v0;
	v0 =	vsub.f32 v19, v29  }
0x133: {  	v13 =	vmul.f32 v25, v13;
	v1 =	vmul.f32 $1.442695020e+00, v1  }
0x134: {  	v7 =	vmul.f32 v7, v7;
	v0 =	vmul.f32 $1.442695020e+00, v0  }
0x135: {  	(erf) = vpow2.f32 v1;
	v1 =	vmul.f32 v25, v12  }
0x136: {  	v63 =	vsub.f32 v13, v29  }
0x137: {  	v7 =	vmul.f32 v7, v34;
	(erf) = vpow2.f32 v0  }
0x138: {  	v0 =	vmul.f32 v25, v10;
	v10 =	vmul.f32 $1.442695020e+00, v63;
	v34 =	vsub.f32 v1, v29  }
0x139: {  	v3 =	vmul.f32 v25, v3;
	v7 =	vadd.f32 v7, v22;
	v1 =	vpop (erf)  }
0x13a: {  	(erf) = vpow2.f32 v10;
	v10 =	vmul.f32 $1.442695020e+00, v34;
	v0 =	vsub.f32 v0, v29;
	v19 =	vpop (erf)  }
0x13b: {  	v9 =	vmul.f32 v25, v9;
	v3 =	vsub.f32 v3, v29;
	v7 =	vmul.f32 $1.442695020e+00, v7;
	v41 =	vpop (erf)  }
0x13c: {  	(erf) = vpow2.f32 v10;
	v0 =	vmul.f32 $1.442695020e+00, v0;
	v42 =	vpop (erf)  }
0x13d: {  	v3 =	vmul.f32 $1.442695020e+00, v3;
	(erf) = vpow2.f32 v7;
	v7 =	vsub.f32 v9, v29;
	v52 =	vpop (erf)  }
0x13e: {  	(erf) = vpow2.f32 v0;
	v0 =	vmul.f32 v25, v6;
	v6 =	vpop (erf)  }
0x13f: {  	(erf) = vpow2.f32 v3;
	v3 =	vmul.f32 $1.442695020e+00, v7;
	v40 =	vpop (erf)  }
0x140: {  	v7 =	vmul.f32 v25, v8;
	v0 =	vsub.f32 v0, v29;
	v6 =	vadd.f32 v40, v6  }
0x141: {  	(erf) = vpow2.f32 v3;
	v3 =	vmul.f32 v25, v4;
	v4 =	vsub.f32 v18, v23  }
0x142: {  	v8 =	vpop (erf);
	v7 =	vsub.f32 v7, v29  }
0x143: {  	v9 =	vmul.f32 $1.442695020e+00, v0;
	v6 =	vadd.f32 v6, v8;
	v4 =	vmul.f32 v4, v4  }
0x144: {  	v10 =	vmul.f32 v25, v11;
	v3 =	vsub.f32 v3, v29;
	v0 =	vpop (erf)  }
0x145: {  	(erf) = vpow2.f32 v9;
	v9 =	vmul.f32 $1.442695020e+00, v7;
	v6 =	vadd.f32 v6, v0  }
0x146: {  	v10 =	vsub.f32 v10, v29;
	v11 =	vmul.f32 v4, v36;
	v3 =	vmul.f32 $1.442695020e+00, v3;
	v7 =	vpop (erf)  }
0x147: {  	(erf) = vpow2.f32 v9;
	v9 =	vmul.f32 v25, v39;
	v6 =	vadd.f32 v6, v7;
	v4 =	vpop (erf)  }
0x148: {  	(erf) = vpow2.f32 v3;
	v3 =	vmul.f32 $1.442695020e+00, v10;
	v13 =	vpop (erf)  }
0x149: {  	v10 =	vmul.f32 v25, v14;
	v9 =	vsub.f32 v9, v29;
	v6 =	vadd.f32 v6, v13  }
0x14a: {  	(erf) = vpow2.f32 v3;
	v3 =	vmul.f32 v25, v46;
	v37 =	vpop (erf)  }
0x14b: {  	v48 =	vld [tilespmem:$0x1FFB0];
	v10 =	vsub.f32 v10, v29;
	v9 =	vmul.f32 $1.442695020e+00, v9;
	v6 =	vadd.f32 v6, v37  }
0x14c: {  	v36 =	vmul.f32 v25, v45;
	v11 =	vadd.f32 v11, v35;
	v55 =	vpop (erf);
	v3 =	vsub.f32 v3, v29  }
0x14d: {  	(erf) = vpow2.f32 v9;
	v9 =	vmul.f32 $1.442695020e+00, v10;
	v6 =	vadd.f32 v6, v55  }
0x14e: {  	v35 =	vsub.f32 v18, v33;
	v14 =	vsub.f32 v36, v29;
	v15 =	vpop (erf)  }
0x14f: {  	v3 =	vmul.f32 $1.442695020e+00, v3;
	(erf) = vpow2.f32 v9;
	v6 =	vadd.f32 v6, v15  }
0x150: {  	v38 =	vsub.f32 v18, v48;
	v12 =	vmul.f32 v35, v35;
	v45 =	vpop (erf)  }
0x151: {  	v39 =	vmul.f32 $1.442695020e+00, v14;
	(erf) = vpow2.f32 v3;
	v6 =	vadd.f32 v6, v45  }
0x152: {  	v46 =	vsub.f32 v18, v26;
	v10 =	vmul.f32 v12, v59;
	v25 =	vpop (erf)  }
0x153: {  	v3 =	vmul.f32 v38, v38;
	(erf) = vpow2.f32 v39;
	v6 =	vadd.f32 v6, v25  }
0x154: {  	v11 =	vmul.f32 $1.442695020e+00, v11;
	v49 =	vmul.f32 v46, v46;
	v38 =	vpop (erf)  }
0x155: {  	v10 =	vadd.f32 v10, v60;
	v3 =	vmul.f32 v3, v50;
	v6 =	vadd.f32 v6, v38  }
0x156: {  	v50 =	vsub.f32 v18, v27;
	(erf) = vpow2.f32 v11;
	v11 =	vsub.f32 v18, v61;
	v20 =	vpop (erf)  }
0x157: {  	v12 =	vmul.f32 v49, v54;
	v3 =	vadd.f32 v3, v43;
	v6 =	vadd.f32 v6, v20  }
0x158: {  	v9 =	vadd.f32 v30, v32;
	v10 =	vmul.f32 $1.442695020e+00, v10;
	v11 =	vmul.f32 v11, v11;
	v54 =	vpop (erf)  }
0x159: {  	v14 =	vmul.f32 v50, v50;
	v3 =	vmul.f32 $1.442695020e+00, v3;
	v6 =	vadd.f32 v6, v54  }
0x15a: {  	v36 =	vld [tilespmem:$0x1F9F0];
	v12 =	vadd.f32 v12, v47;
	(erf) = vpow2.f32 v10;
	v10 =	vmul.f32 v11, v56;
	v46 =	vpop (erf)  }
0x15b: {  	v33 =	vld [tilespmem:$0x1FA10];
	v14 =	vmul.f32 v14, v58;
	(erf) = vpow2.f32 v3;
	v3 =	vadd.f32 v6, v46  }
0x15c: {  	v9 =	vadd.f32 v31, v9;
	v56 =	vld [tilespmem:$0x1FA20];
	v57 =	vpop (erf);
	v6 =	vadd.f32 v10, v44;
	v10 =	vmul.f32 $1.442695020e+00, v12  }
0x15d: {  	v11 =	vadd.f32 v14, v51;
	v51 =	vld [tilespmem:$0x1FA00];
	v3 =	vadd.f32 v3, v57  }
0x15e: {  	v9 =	vadd.f32 v28, v9;
	v58 =	vld [tilespmem:$0x1FA30];
	(erf) = vpow2.f32 v10  }
0x15f: {  	(erf) = vrcp.f32 v3;
	v3 =	vld [tilespmem:$0x1FBB0]  }
0x160: {  	v9 =	vadd.f32 v1, v9;
	_ =	sdelay $0x1  }
0x161: {  	v9 =	vadd.f32 v19, v9;
	v14 =	vmul.f32 v56, v33;
	v12 =	vmul.f32 v51, v36  }
0x162: {  	v10 =	vmul.f32 $1.442695020e+00, v11  }
0x163: {  	v9 =	vadd.f32 v41, v9;
	v11 =	vadd.f32 v14, v12;
	v3 =	vmul.f32 v58, v3  }
0x164: {  	(erf) = vpow2.f32 v10;
	v10 =	vld [tilespmem:$0x1FBD0]  }
0x165: {  	v9 =	vadd.f32 v42, v9;
	v3 =	vadd.f32 v11, v3;
	v11 =	vld [tilespmem:$0x1FA40];
	_ =	sdelay $0x1  }
0x166: {  	v9 =	vadd.f32 v52, v9;
	_ =	sdelay $0x1  }
0x167: {  	v6 =	vmul.f32 $1.442695020e+00, v6;
	v9 =	vadd.f32 v4, v9  }
0x168: {  	v10 =	vmul.f32 v11, v10;
	v11 =	vpop (erf)  }
0x169: {  	(erf) = vpow2.f32 v6;
	v6 =	vadd.f32 v11, v9;
	v9 =	vld [tilespmem:$0x1FBF0]  }
0x16a: {  	v3 =	vadd.f32 v3, v10;
	v10 =	vld [tilespmem:$0x1FA50];
	_ =	sdelay $0x4  }
0x16b: {  	v9 =	vmul.f32 v10, v9  }
0x16c: {  	v10 =	vld [tilespmem:$0x1FA60]  }
0x16d: {  	v3 =	vadd.f32 v3, v9;
	v9 =	vld [tilespmem:$0x1FC10];
	_ =	sdelay $0x4  }
0x16e: {  	v9 =	vmul.f32 v10, v9  }
0x16f: {  	v10 =	vld [tilespmem:$0x1FA70]  }
0x170: {  	v3 =	vadd.f32 v3, v9;
	v9 =	vld [tilespmem:$0x1FC30];
	_ =	sdelay $0x4  }
0x171: {  	v9 =	vmul.f32 v10, v9  }
0x172: {  	v27 =	vpop (erf);
	v10 =	vld [tilespmem:$0x1FA80]  }
0x173: {  	v6 =	vadd.f32 v27, v6;
	v3 =	vadd.f32 v3, v9;
	v9 =	vld [tilespmem:$0x1FA90]  }
0x174: {  	v59 =	vpop (erf)  }
0x175: {  	v6 =	vadd.f32 v59, v6  }
0x176: {  	v22 =	vpop (erf)  }
0x177: {  	v60 =	vpop (erf);
	v6 =	vadd.f32 v22, v6;
	v10 =	vmul.f32 v5, v10  }
0x178: {  	v62 =	vpop (erf);
	v9 =	vmul.f32 v5, v9  }
0x179: {  	v6 =	vadd.f32 v62, v6;
	v10 =	vsub.f32 v10, v2  }
0x17a: {  	v63 =	vld [tilespmem:$0x1FC70];
	v23 =	vpop (erf);
	v9 =	vsub.f32 v9, v2  }
0x17b: {  	v18 =	vld [tilespmem:$0x1FAA0];
	v6 =	vadd.f32 v23, v6;
	v10 =	vmul.f32 $1.442695020e+00, v10  }
0x17c: {  	v34 =	vld [tilespmem:$0x1FC90];
	v39 =	vmax.f32 v32, v30;
	v9 =	vmul.f32 $1.442695020e+00, v9  }
0x17d: {  	v35 =	vld [tilespmem:$0x1FAB0];
	v6 =	vadd.f32 $9.999999930e-09, v6;
	(erf) = vpow2.f32 v10;
	v10 =	vmax.f32 v39, v31  }
0x17e: {  	(erf) = vpow2.f32 v9;
	v9 =	vmax.f32 v10, v28;
	v10 =	vld [tilespmem:$0x1FAC0]  }
0x17f: {  	(erf) = vrcp.f32 v6;
	v6 =	vld [tilespmem:$0x1FCB0]  }
0x180: {  	v12 =	vmul.f32 v18, v63;
	_ =	sdelay $0x1  }
0x181: {  	v3 =	vadd.f32 v3, v12;
	v12 =	vmul.f32 v35, v34;
	_ =	sdelay $0x1  }
0x182: {  	v3 =	vadd.f32 v3, v12;
	v6 =	vmul.f32 v10, v6  }
0x183: {  	v10 =	vld [tilespmem:$0x1FAD0]  }
0x184: {  	v3 =	vadd.f32 v3, v6;
	v6 =	vld [tilespmem:$0x1FCD0];
	_ =	sdelay $0x4  }
0x185: {  	v6 =	vmul.f32 v10, v6  }
0x186: {  	v10 =	vld [tilespmem:$0x1FAE0]  }
0x187: {  	v3 =	vadd.f32 v3, v6;
	v6 =	vld [tilespmem:$0x1FCF0];
	_ =	sdelay $0x4  }
0x188: {  	v6 =	vmul.f32 v10, v6  }
0x189: {  	v10 =	vld [tilespmem:$0x1FAF0]  }
0x18a: {  	v3 =	vadd.f32 v3, v6;
	v6 =	vld [tilespmem:$0x1FDA0];
	_ =	sdelay $0x1  }
0x18b: {  	v9 =	vmax.f32 v9, v1  }
0x18c: {  	v9 =	vmax.f32 v9, v19  }
0x18d: {  	v9 =	vmax.f32 v9, v41  }
0x18e: {  	v43 =	vld [tilespmem:$0x1FB10];
	v9 =	vmax.f32 v9, v42;
	v6 =	vmul.f32 v10, v6  }
0x18f: {  	v9 =	vmax.f32 v9, v52;
	v10 =	vld [tilespmem:$0x1FB00]  }
0x190: {  	v9 =	vmax.f32 v9, v4;
	v3 =	vadd.f32 v3, v6;
	v6 =	vld [tilespmem:$0x1FB20]  }
0x191: {  	v9 =	vmax.f32 v9, v11  }
0x192: {  	v9 =	vmax.f32 v9, v27;
	_ =	sdelay $0x1  }
0x193: {  	v44 =	vpop (erf);
	v10 =	vmul.f32 v5, v10  }
0x194: {  	v12 =	vmul.f32 v5, v43;
	v5 =	vmul.f32 v5, v6;
	v6 =	vmax.f32 v9, v59;
	v9 =	vpop (erf)  }
0x195: {  	[tilespmem:$0x1FD00] =	vst v9;
	v9 =	vsub.f32 v10, v2;
	_ =	sdelay $0x1  }
0x196: {  	v49 =	vld [tilespmem:$0x1FFC0];
	v9 =	vmul.f32 $1.442695020e+00, v9  }
0x197: {  	v10 =	vsub.f32 v12, v2;
	v2 =	vsub.f32 v5, v2;
	v5 =	vld [tilespmem:$0x1FFE0]  }
0x198: {  	(erf) = vpow2.f32 v9;
	v9 =	vld [tilespmem:$0x1FB40]  }
0x199: {  	v51 =	vld [tilespmem:$0x1FB30];
	v18 =	vmov v62;
	v6 =	vmax.f32 v6, v22;
	v47 =	vpop (erf)  }
0x19a: {  	[tilespmem:$0x1FE40] =	vst v59;
	v59 =	vmul.f32 v47, v17;
	v6 =	vmax.f32 v6, v18  }
0x19b: {  	v6 =	vmax.f32 v6, v23;
	v10 =	vmul.f32 $1.442695020e+00, v10  }
0x19c: {  	v56 =	vmul.f32 v59, v6;
	v2 =	vmul.f32 $1.442695020e+00, v2  }
0x19d: {  	v5 =	vmul.f32 v9, v5;
	v9 =	vmul.f32 v59, v30  }
0x19e: {  	v12 =	vmul.f32 v51, v49;
	(erf) = vpow2.f32 v10  }
0x19f: {  	(erf) = vpow2.f32 v2;
	v2 =	vsub.f32 v9, v56;
	v9 =	vld [tilespmem:$0x1FB50]  }
0x1a0: {  	v3 =	vadd.f32 v3, v12;
	_ =	sdelay $0x1  }
0x1a1: {  	v6 =	vmul.f32 v59, v32;
	v3 =	vadd.f32 v3, v5  }
0x1a2: {  	[tilespmem:$0x1FF30] =	vst v53  }
0x1a3: {  	[tilespmem:$0x1FDC0] =	vst v27;
	v6 =	vsub.f32 v6, v56;
	v5 =	vmul.f32 v59, v31;
	v3 =	vmul.f32 v9, v3  }
0x1a4: {  	[tilespmem:$0x1FE70] =	vst v22  }
0x1a5: {  	v1 =	vmul.f32 v59, v1;
	v6 =	vmul.f32 $1.442695020e+00, v6;
	[tilespmem:$0x1FFD0] =	vst v3;
	v3 =	vsub.f32 v5, v56  }
0x1a6: {  	[tilespmem:$0x1FDD0] =	vst v60;
	v2 =	vmul.f32 $1.442695020e+00, v2;
	v5 =	vmul.f32 v59, v28  }
0x1a7: {  	[tilespmem:$0x1FEA0] =	vst v62;
	(erf) = vpow2.f32 v6;
	v3 =	vmul.f32 $1.442695020e+00, v3  }
0x1a8: {  	[tilespmem:$0x1FEB0] =	vst v23;
	(erf) = vpow2.f32 v2;
	v2 =	vmul.f32 v59, v19;
	v5 =	vsub.f32 v5, v56  }
0x1a9: {  	[tilespmem:$0x1FCE0] =	vst v44;
	v1 =	vsub.f32 v1, v56;
	(erf) = vpow2.f32 v3;
	v3 =	vmul.f32 v59, v41  }
0x1aa: {  	s17 =	simm.s32 $0x18D0;
	v6 =	vmul.f32 v59, v42;
	v2 =	vsub.f32 v2, v56;
	v29 =	vld [tilespmem:$0x0];
	v5 =	vmul.f32 $1.442695020e+00, v5  }
0x1ab: {  	v1 =	vmul.f32 $1.442695020e+00, v1;
	v9 =	vmul.f32 v59, v52;
	v35 =	vld [tilespmem:s17+$0x0];
	v3 =	vsub.f32 v3, v56  }
0x1ac: {  	v2 =	vmul.f32 $1.442695020e+00, v2;
	(erf) = vpow2.f32 v5;
	v5 =	vsub.f32 v6, v56  }
0x1ad: {  	v34 =	vld [tilespmem:$0x1000];
	(erf) = vpow2.f32 v1;
	v1 =	vmul.f32 $1.442695020e+00, v3  }
0x1ae: {  	v27 =	vld [tilespmem:$0x1080];
	(erf) = vpow2.f32 v2;
	v2 =	vmul.f32 $1.442695020e+00, v5  }
0x1af: {  	v3 =	vsub.f32 v9, v56;
	v5 =	vld [tilespmem:$0x1FE30];
	(erf) = vpow2.f32 v1  }
0x1b0: {  	v18 =	vld [tilespmem:$0x800];
	(erf) = vpow2.f32 v2;
	v2 =	vmul.f32 v59, v4;
	v4 =	vsub.f32 v35, v29  }
0x1b1: {  	v41 =	vld [tilespmem:$0x80]  }
0x1b2: {  	v1 =	vmul.f32 $1.442695020e+00, v3;
	v3 =	vld [tilespmem:$0x1FE10];
	v2 =	vsub.f32 v2, v56;
	v4 =	vmul.f32 v4, v4  }
0x1b3: {  	v19 =	vld [tilespmem:$0x880]  }
0x1b4: {  	v26 =	vld [tilespmem:$0x100];
	v5 =	vmul.f32 v8, v5;
	v8 =	vpop (erf);
	v2 =	vmul.f32 $1.442695020e+00, v2  }
0x1b5: {  	v10 =	vld [tilespmem:$0x180];
	(erf) = vpow2.f32 v1;
	v1 =	vmul.f32 v59, v11;
	[tilespmem:$0x1FDB0] =	vst v8  }
0x1b6: {  	v30 =	vld [tilespmem:$0x280];
	(erf) = vpow2.f32 v2;
	v2 =	vmul.f32 v4, v18;
	v4 =	vpop (erf)  }
0x1b7: {  	v6 =	vsub.f32 v35, v41;
	v1 =	vsub.f32 v1, v56;
	v3 =	vmul.f32 v40, v3;
	[tilespmem:$0x1FF60] =	vst v4;
	v4 =	vld [tilespmem:$0x1FE60];
	_ =	sdelay $0x1  }
0x1b8: {  	v6 =	vmul.f32 v6, v6;
	v1 =	vmul.f32 $1.442695020e+00, v1;
	v3 =	vadd.f32 v5, v3;
	v5 =	vld [tilespmem:$0x1FE90];
	_ =	sdelay $0x1  }
0x1b9: {  	(erf) = vpow2.f32 v1;
	v1 =	vmul.f32 v6, v19  }
0x1ba: {  	v12 =	vld [tilespmem:$0x900];
	v0 =	vmul.f32 v0, v4;
	v4 =	vsub.f32 v35, v26  }
0x1bb: {  	v2 =	vadd.f32 v2, v34;
	v32 =	vld [tilespmem:$0x980];
	v1 =	vadd.f32 v1, v27  }
0x1bc: {  	v31 =	vld [tilespmem:$0x200];
	v6 =	vmul.f32 v7, v5;
	v7 =	vsub.f32 v35, v10;
	v4 =	vmul.f32 v4, v4  }
0x1bd: {  	v11 =	vld [tilespmem:$0x1100];
	v2 =	vmul.f32 $1.442695020e+00, v2;
	v5 =	vpop (erf)  }
0x1be: {  	v22 =	vld [tilespmem:$0x1180];
	v1 =	vmul.f32 $1.442695020e+00, v1;
	[tilespmem:$0x1FF90] =	vst v5;
	v0 =	vadd.f32 v3, v0;
	v3 =	vmul.f32 v7, v7  }
0x1bf: {  	(erf) = vpow2.f32 v2;
	v8 =	vld [tilespmem:$0xA80];
	v2 =	vmul.f32 v4, v12  }
0x1c0: {  	v4 =	vpop (erf);
	(erf) = vpow2.f32 v1;
	v1 =	vmul.f32 v3, v32;
	v3 =	vld [tilespmem:$0x1FED0];
	_ =	sdelay $0x3  }
0x1c1: {  	[tilespmem:$0x1FC40] =	vst v8  }
0x1c2: {  	v0 =	vadd.f32 v0, v6;
	v51 =	vld [tilespmem:$0xA00];
	[tilespmem:$0x1FDF0] =	vst v4;
	v4 =	vsub.f32 v35, v31;
	v3 =	vmul.f32 v13, v3  }
0x1c3: {  	v7 =	vsub.f32 v35, v30;
	v2 =	vadd.f32 v2, v11;
	v9 =	vld [tilespmem:$0xB80]  }
0x1c4: {  	v28 =	vld [tilespmem:$0x300];
	v1 =	vadd.f32 v1, v22;
	v0 =	vadd.f32 v0, v3;
	v3 =	vmul.f32 v4, v4  }
0x1c5: {  	v23 =	vld [tilespmem:$0x1200];
	v2 =	vmul.f32 $1.442695020e+00, v2  }
0x1c6: {  	v50 =	vmov v61;
	v5 =	vpop (erf);
	v61 =	vld [tilespmem:$0x1280];
	v1 =	vmul.f32 $1.442695020e+00, v1;
	v4 =	vmul.f32 v7, v7  }
0x1c7: {  	(erf) = vpow2.f32 v2;
	v13 =	vld [tilespmem:$0x380];
	[tilespmem:$0x1FE00] =	vst v5;
	v2 =	vmul.f32 v3, v51  }
0x1c8: {  	[tilespmem:$0x1FC60] =	vst v9;
	v3 =	vpop (erf);
	(erf) = vpow2.f32 v1;
	v1 =	vmul.f32 v4, v8;
	v4 =	vld [tilespmem:$0x1FF10]  }
0x1c9: {  	v14 =	vld [tilespmem:$0xB00];
	[tilespmem:$0x1FE20] =	vst v3  }
0x1ca: {  	v8 =	vld [tilespmem:$0x400]  }
0x1cb: {  	v6 =	vmul.f32 v37, v24;
	_ =	sdelay $0x1  }
0x1cc: {  	v0 =	vadd.f32 v0, v6;
	v6 =	vsub.f32 v35, v13;
	v4 =	vmul.f32 v55, v4;
	_ =	sdelay $0x1  }
0x1cd: {  	v2 =	vadd.f32 v2, v23;
	[tilespmem:$0x1FC50] =	vst v8;
	v0 =	vadd.f32 v0, v4;
	v4 =	vmul.f32 v6, v6  }
0x1ce: {  	v3 =	vsub.f32 v35, v28;
	v24 =	vld [tilespmem:$0x1300]  }
0x1cf: {  	v2 =	vmul.f32 $1.442695020e+00, v2;
	v43 =	vld [tilespmem:$0x1380]  }
0x1d0: {  	v7 =	vmul.f32 v15, v53;
	v5 =	vpop (erf);
	v1 =	vadd.f32 v1, v61;
	v3 =	vmul.f32 v3, v3;
	v53 =	vld [tilespmem:$0x480]  }
0x1d1: {  	(erf) = vpow2.f32 v2;
	v60 =	vld [tilespmem:$0x1400];
	[tilespmem:$0x1FE50] =	vst v5;
	v2 =	vmul.f32 v4, v9;
	v4 =	vpop (erf)  }
0x1d2: {  	v1 =	vmul.f32 $1.442695020e+00, v1;
	v3 =	vmul.f32 v3, v14;
	v21 =	vld [tilespmem:$0xC00];
	[tilespmem:$0x1FE80] =	vst v4;
	v4 =	vsub.f32 v35, v8  }
0x1d3: {  	v6 =	vld [tilespmem:$0x1FB60];
	v0 =	vadd.f32 v0, v7  }
0x1d4: {  	(erf) = vpow2.f32 v1;
	v1 =	vadd.f32 v3, v24;
	v44 =	vld [tilespmem:$0x500];
	v3 =	vmul.f32 v45, v16  }
0x1d5: {  	v62 =	vld [tilespmem:$0xC80]  }
0x1d6: {  	v39 =	vld [tilespmem:$0x580];
	v0 =	vadd.f32 v0, v3;
	v3 =	vmul.f32 v4, v4;
	v4 =	vpop (erf)  }
0x1d7: {  	[tilespmem:$0x1FEC0] =	vst v4;
	v4 =	vld [tilespmem:$0x1FB70];
	_ =	sdelay $0x1  }
0x1d8: {  	v2 =	vadd.f32 v2, v43  }
0x1d9: {  	v1 =	vmul.f32 $1.442695020e+00, v1  }
0x1da: {  	v5 =	vmul.f32 v6, v36;
	v2 =	vmul.f32 $1.442695020e+00, v2;
	v63 =	vld [tilespmem:$0x1480]  }
0x1db: {  	v17 =	vsub.f32 v35, v53;
	(erf) = vpow2.f32 v1;
	v16 =	vld [tilespmem:$0x600];
	v4 =	vadd.f32 v6, v4;
	v6 =	vpop (erf)  }
0x1dc: {  	(erf) = vpow2.f32 v2;
	v2 =	vmul.f32 v3, v21;
	[tilespmem:$0x1FEE0] =	vst v6;
	v3 =	vpop (erf);
	v6 =	vld [tilespmem:$0x1FFA0]  }
0x1dd: {  	v1 =	vmul.f32 v17, v17;
	v17 =	vld [tilespmem:$0xD00];
	[tilespmem:$0x1FEF0] =	vst v3  }
0x1de: {  	v58 =	vld [tilespmem:$0xD80];
	_ =	sdelay $0x2  }
0x1df: {  	v38 =	vmul.f32 v38, v6;
	v6 =	vpop (erf)  }
0x1e0: {  	[tilespmem:$0x1FF20] =	vst v6  }
0x1e1: {  	v7 =	vld [tilespmem:$0x1FF80];
	[tilespmem:$0x1FD10] =	vst v58  }
0x1e2: {  	v9 =	vld [tilespmem:$0x1500];
	_ =	sdelay $0x2  }
0x1e3: {  	v6 =	vpop (erf)  }
0x1e4: {  	[tilespmem:$0x1FF40] =	vst v6  }
0x1e5: {  	v55 =	vmul.f32 v25, v7;
	v7 =	vld [tilespmem:$0x1FB80];
	[tilespmem:$0x1FD20] =	vst v9  }
0x1e6: {  	v8 =	vld [tilespmem:$0x1580];
	_ =	sdelay $0x2  }
0x1e7: {  	v0 =	vadd.f32 v0, v55;
	v6 =	vpop (erf)  }
0x1e8: {  	v40 =	vsub.f32 v35, v39;
	v1 =	vmul.f32 v1, v62;
	v3 =	vsub.f32 v35, v44;
	[tilespmem:$0x1FF70] =	vst v6  }
0x1e9: {  	v2 =	vadd.f32 v2, v60;
	v49 =	vadd.f32 v4, v7;
	v4 =	vld [tilespmem:$0x1FFF0];
	[tilespmem:$0x1FD30] =	vst v8  }
0x1ea: {  	v1 =	vadd.f32 v1, v63;
	v3 =	vmul.f32 v3, v3;
	v15 =	vld [tilespmem:$0x780]  }
0x1eb: {  	v42 =	vmul.f32 v40, v40;
	v2 =	vmul.f32 $1.442695020e+00, v2;
	v0 =	vadd.f32 v0, v38;
	v38 =	vld [tilespmem:$0x1680]  }
0x1ec: {  	v1 =	vmul.f32 $1.442695020e+00, v1;
	v3 =	vmul.f32 v3, v17;
	v52 =	vld [tilespmem:$0x680]  }
0x1ed: {  	v37 =	vpop (erf);
	(erf) = vpow2.f32 v2;
	v2 =	vmul.f32 v42, v58;
	v25 =	vld [tilespmem:$0xE00]  }
0x1ee: {  	v4 =	vmul.f32 v54, v4;
	v36 =	vpop (erf);
	(erf) = vpow2.f32 v1;
	v1 =	vadd.f32 v3, v9;
	v54 =	vld [tilespmem:$0x700]  }
0x1ef: {  	v3 =	vadd.f32 v36, v37;
	v2 =	vadd.f32 v2, v8;
	v8 =	vld [tilespmem:$0x1600]  }
0x1f0: {  	v47 =	vmul.f32 v7, v33;
	v58 =	vpop (erf);
	v33 =	vld [tilespmem:$0xE80];
	[tilespmem:$0x1FD50] =	vst v38  }
0x1f1: {  	v20 =	vmul.f32 v20, v48;
	v48 =	vadd.f32 v3, v58;
	v3 =	vld [tilespmem:$0xF00];
	_ =	sdelay $0x4  }
0x1f2: {  	v6 =	vld [tilespmem:$0x1FB90];
	[tilespmem:$0x1FD60] =	vst v3  }
0x1f3: {  	v7 =	vld [tilespmem:$0xF80];
	_ =	sdelay $0x1  }
0x1f4: {  	v45 =	vsub.f32 v35, v16;
	v0 =	vadd.f32 v0, v20;
	_ =	sdelay $0x1  }
0x1f5: {  	v0 =	vadd.f32 v0, v4;
	v4 =	vmul.f32 v45, v45;
	v1 =	vmul.f32 $1.442695020e+00, v1  }
0x1f6: {  	v40 =	vmul.f32 v46, v6;
	v6 =	vpop (erf);
	v2 =	vmul.f32 $1.442695020e+00, v2;
	[tilespmem:$0x1FD80] =	vst v7  }
0x1f7: {  	(erf) = vpow2.f32 v1;
	v55 =	vadd.f32 v48, v6;
	v48 =	vsub.f32 v35, v52;
	v20 =	vld [tilespmem:$0x1700]  }
0x1f8: {  	(erf) = vpow2.f32 v2;
	v2 =	vmul.f32 v4, v25  }
0x1f9: {  	v0 =	vadd.f32 v0, v40;
	v4 =	vpop (erf);
	v45 =	vmul.f32 v48, v48;
	v48 =	vmul.f32 v57, v50  }
0x1fa: {  	v42 =	vadd.f32 v55, v4;
	v55 =	vsub.f32 v35, v54  }
0x1fb: {  	v35 =	vsub.f32 v35, v15;
	v0 =	vadd.f32 v0, v48  }
0x1fc: {  	v46 =	vmul.f32 v55, v55;
	[tilespmem:$0x1FD70] =	vst v20  }
0x1fd: {  	v1 =	vmul.f32 v45, v33;
	v9 =	vld [tilespmem:$0x1780];
	[tilespmem:$0x1FDE0] =	vst v0;
	v0 =	vmul.f32 v35, v35  }
0x1fe: {  	v46 =	vmul.f32 v46, v3;
	v3 =	vld [tilespmem:$0x1FBA0]  }
0x1ff: {  	v38 =	vadd.f32 v1, v38;
	v1 =	vmul.f32 v0, v7;
	v0 =	vld [tilespmem:$0x1FBB0];
	_ =	sdelay $0x2  }
0x200: {  	v40 =	vmov v8;
	v2 =	vadd.f32 v2, v8;
	v8 =	vpop (erf)  }
0x201: {  	v55 =	vadd.f32 v42, v8  }
0x202: {  	v5 =	vadd.f32 v47, v5;
	v45 =	vpop (erf);
	v0 =	vmul.f32 v3, v0  }
0x203: {  	v42 =	vadd.f32 v55, v45;
	v55 =	vadd.f32 v1, v9;
	v1 =	vld [tilespmem:$0x1FBC0]  }
0x204: {  	v5 =	vadd.f32 v5, v0;
	v0 =	vld [tilespmem:$0x1FBD0]  }
0x205: {  	v2 =	vmul.f32 $1.442695020e+00, v2;
	v7 =	vpop (erf)  }
0x206: {  	v48 =	vadd.f32 v42, v7;
	[tilespmem:$0x1FD90] =	vst v9  }
0x207: {  	(erf) = vpow2.f32 v2;
	v49 =	vadd.f32 v49, v3;
	v57 =	vpop (erf);
	v2 =	vld [tilespmem:s17+$0xFFFFFFF0]  }
0x208: {  	v46 =	vadd.f32 v46, v20;
	v35 =	vmul.f32 $1.442695020e+00, v38;
	v38 =	vadd.f32 v48, v57  }
0x209: {  	v47 =	vmul.f32 $1.442695020e+00, v55;
	v48 =	vadd.f32 v49, v1;
	v55 =	vmul.f32 v1, v0;
	v1 =	vld [tilespmem:$0x1FBE0]  }
0x20a: {  	v0 =	vld [tilespmem:$0x1FBF0]  }
0x20b: {  	v46 =	vmul.f32 $1.442695020e+00, v46;
	v9 =	vpop (erf)  }
0x20c: {  	(erf) = vpow2.f32 v35;
	v42 =	vadd.f32 v38, v9;
	v38 =	vsub.f32 v2, v41  }
0x20d: {  	(erf) = vpow2.f32 v46;
	v35 =	vpop (erf);
	v29 =	vsub.f32 v2, v29  }
0x20e: {  	(erf) = vpow2.f32 v47;
	v46 =	vadd.f32 v42, v35  }
0x20f: {  	v29 =	vmul.f32 v29, v29;
	v3 =	vmul.f32 v1, v0;
	v0 =	vsub.f32 v2, v10  }
0x210: {  	v47 =	vmul.f32 v38, v38;
	v38 =	vmovc v10;
	v48 =	vadd.f32 v48, v1;
	v1 =	vsub.f32 v2, v26;
	v10 =	vld [tilespmem:$0x1FC00]  }
0x211: {  	v20 =	vmov v41;
	v41 =	vpop (erf);
	v42 =	vmul.f32 v0, v0;
	v0 =	vld [tilespmem:$0x1FC10]  }
0x212: {  	v46 =	vadd.f32 v46, v41;
	v29 =	vmul.f32 v29, v18;
	v1 =	vmul.f32 v1, v1  }
0x213: {  	v18 =	vpop (erf);
	v49 =	vadd.f32 v5, v55;
	v5 =	vmul.f32 v47, v19  }
0x214: {  	v46 =	vadd.f32 v46, v18;
	v29 =	vadd.f32 v29, v34;
	v1 =	vmul.f32 v1, v12  }
0x215: {  	v12 =	vadd.f32 v5, v27;
	v27 =	vmul.f32 v42, v32;
	v42 =	vld [tilespmem:$0x1FC20];
	v19 =	vadd.f32 v48, v10  }
0x216: {  	v1 =	vadd.f32 v1, v11;
	v11 =	vmul.f32 $1.442695020e+00, v29;
	v48 =	vmul.f32 v10, v0;
	v10 =	vpop (erf)  }
0x217: {  	v3 =	vadd.f32 v49, v3;
	v12 =	vmul.f32 $1.442695020e+00, v12;
	v55 =	vadd.f32 v46, v10  }
0x218: {  	v5 =	vpop (erf);
	(erf) = vpow2.f32 v11;
	v11 =	vadd.f32 v27, v22;
	v1 =	vmul.f32 $1.442695020e+00, v1  }
0x219: {  	v22 =	vsub.f32 v2, v31;
	(erf) = vpow2.f32 v12;
	v29 =	vadd.f32 v55, v5  }
0x21a: {  	v34 =	vadd.f32 v19, v42;
	v19 =	vpop (erf);
	(erf) = vpow2.f32 v1;
	v1 =	vmul.f32 $1.442695020e+00, v11  }
0x21b: {  	v49 =	vld [tilespmem:$0x1FC40];
	v11 =	vmul.f32 v22, v22;
	v22 =	vmax.f32 v37, v36;
	v46 =	vadd.f32 v29, v19  }
0x21c: {  	(erf) = vpow2.f32 v1;
	v1 =	vmax.f32 v22, v58;
	v22 =	vsub.f32 v2, v30  }
0x21d: {  	v11 =	vmul.f32 v11, v51;
	v1 =	vmax.f32 v1, v6;
	v12 =	vadd.f32 $9.999999930e-09, v46  }
0x21e: {  	v47 =	vmul.f32 v22, v22;
	v1 =	vmax.f32 v1, v4  }
0x21f: {  	v27 =	vld [tilespmem:$0x1FC50];
	v22 =	vsub.f32 v2, v28;
	v11 =	vadd.f32 v11, v23;
	(erf) = vrcp.f32 v12  }
0x220: {  	v0 =	vld [tilespmem:$0x1FC30];
	v1 =	vmax.f32 v1, v8;
	v12 =	vmul.f32 v47, v49  }
0x221: {  	v32 =	vmovc v13;
	v51 =	vld [tilespmem:$0x1FC60];
	v22 =	vmul.f32 v22, v22;
	v1 =	vmax.f32 v1, v45;
	v11 =	vmul.f32 $1.442695020e+00, v11  }
0x222: {  	v23 =	vsub.f32 v2, v32;
	v1 =	vmax.f32 v1, v7;
	v12 =	vadd.f32 v12, v61  }
0x223: {  	v14 =	vmul.f32 v22, v14;
	v1 =	vmax.f32 v1, v57;
	(erf) = vpow2.f32 v11  }
0x224: {  	v55 =	vpop (erf);
	v22 =	vmul.f32 v23, v23;
	v11 =	vld [tilespmem:$0x1800];
	v23 =	vsub.f32 v2, v27;
	v1 =	vmax.f32 v1, v9  }
0x225: {  	v3 =	vadd.f32 v3, v48;
	v0 =	vmul.f32 v42, v0;
	v29 =	vpop (erf);
	v1 =	vmax.f32 v1, v35  }
0x226: {  	v46 =	vpop (erf);
	v12 =	vmul.f32 $1.442695020e+00, v12;
	v22 =	vmul.f32 v22, v51;
	v1 =	vmax.f32 v1, v41  }
0x227: {  	v14 =	vadd.f32 v14, v24;
	v61 =	vmul.f32 v23, v23;
	v42 =	vpop (erf);
	v1 =	vmax.f32 v1, v18  }
0x228: {  	(erf) = vpow2.f32 v12;
	v22 =	vadd.f32 v22, v43;
	v1 =	vmax.f32 v1, v10;
	v23 =	vpop (erf)  }
0x229: {  	v14 =	vmul.f32 $1.442695020e+00, v14;
	v1 =	vmax.f32 v1, v5;
	v13 =	vmul.f32 v23, v11  }
0x22a: {  	v12 =	vmul.f32 v61, v21;
	v24 =	vmul.f32 $1.442695020e+00, v22;
	v1 =	vmax.f32 v1, v19  }
0x22b: {  	v22 =	vmul.f32 v13, v1;
	v1 =	vmul.f32 v13, v37  }
0x22c: {  	v0 =	vadd.f32 v3, v0;
	(erf) = vpow2.f32 v14;
	v3 =	vadd.f32 v12, v60  }
0x22d: {  	(erf) = vpow2.f32 v24;
	v1 =	vsub.f32 v1, v22  }
0x22e: {  	v3 =	vmul.f32 $1.442695020e+00, v3;
	v48 =	vmul.f32 v13, v36  }
0x22f: {  	v49 =	vmul.f32 v13, v58;
	v1 =	vmul.f32 $1.442695020e+00, v1  }
0x230: {  	(erf) = vpow2.f32 v3;
	v6 =	vmul.f32 v13, v6;
	v3 =	vsub.f32 v48, v22  }
0x231: {  	v43 =	vld [tilespmem:$0x1FC70];
	(erf) = vpow2.f32 v1;
	v1 =	vsub.f32 v49, v22  }
0x232: {  	v21 =	vld [tilespmem:$0x1FC80];
	v6 =	vsub.f32 v6, v22;
	v3 =	vmul.f32 $1.442695020e+00, v3  }
0x233: {  	v60 =	vld [tilespmem:$0x1FCA0];
	v4 =	vmul.f32 v13, v4;
	v1 =	vmul.f32 $1.442695020e+00, v1  }
0x234: {  	v58 =	vld [tilespmem:$0x1FC90];
	(erf) = vpow2.f32 v3;
	v3 =	vmul.f32 $1.442695020e+00, v6  }
0x235: {  	v61 =	vld [tilespmem:$0x1FCC0];
	v23 =	vsub.f32 v2, v53;
	(erf) = vpow2.f32 v1  }
0x236: {  	v1 =	vsub.f32 v4, v22;
	(erf) = vpow2.f32 v3;
	v3 =	vld [tilespmem:$0x1FCB0]  }
0x237: {  	v12 =	vmul.f32 v21, v43;
	v47 =	vmul.f32 v23, v23  }
0x238: {  	v1 =	vmul.f32 $1.442695020e+00, v1  }
0x239: {  	v0 =	vadd.f32 v0, v12;
	v14 =	vmul.f32 v47, v62;
	v62 =	vld [tilespmem:$0x1FCE0];
	v12 =	vmul.f32 v60, v58  }
0x23a: {  	(erf) = vpow2.f32 v1;
	v1 =	vld [tilespmem:$0x1FCD0]  }
0x23b: {  	v0 =	vadd.f32 v0, v12;
	v3 =	vmul.f32 v61, v3  }
0x23c: {  	v8 =	vmul.f32 v13, v8;
	v6 =	vadd.f32 v14, v63;
	v4 =	vsub.f32 v2, v44  }
0x23d: {  	v0 =	vadd.f32 v0, v3  }
0x23e: {  	v3 =	vmul.f32 v4, v4;
	v4 =	vmul.f32 $1.442695020e+00, v6;
	v6 =	vsub.f32 v8, v22  }
0x23f: {  	v1 =	vmul.f32 v62, v1  }
0x240: {  	v63 =	vmul.f32 v3, v17;
	v3 =	vmul.f32 $1.442695020e+00, v6  }
0x241: {  	v24 =	vld [tilespmem:$0x1FD00];
	(erf) = vpow2.f32 v4  }
0x242: {  	v0 =	vadd.f32 v0, v1;
	v1 =	vmul.f32 v13, v45;
	v45 =	vpop (erf);
	(erf) = vpow2.f32 v3;
	v3 =	vld [tilespmem:$0x1FCF0];
	_ =	sdelay $0x1  }
0x243: {  	v23 =	vadd.f32 v34, v21;
	_ =	sdelay $0x1  }
0x244: {  	v23 =	vadd.f32 v23, v60;
	v4 =	vmul.f32 v13, v7  }
0x245: {  	v1 =	vsub.f32 v1, v22;
	v34 =	vmul.f32 v24, v3  }
0x246: {  	v12 =	vadd.f32 v23, v61;
	v4 =	vsub.f32 v4, v22  }
0x247: {  	v58 =	vmul.f32 $1.442695020e+00, v1;
	v1 =	vadd.f32 v0, v34;
	v0 =	vmul.f32 v13, v9;
	v9 =	vld [tilespmem:$0x1FD10]  }
0x248: {  	v8 =	vadd.f32 v12, v62;
	v6 =	vsub.f32 v2, v39;
	v48 =	vpop (erf)  }
0x249: {  	v51 =	vmov v53;
	v53 =	vmov v44;
	v43 =	vpop (erf);
	v4 =	vmul.f32 $1.442695020e+00, v4  }
0x24a: {  	v6 =	vmul.f32 v6, v6;
	v44 =	vpop (erf);
	v3 =	vadd.f32 v8, v24;
	v8 =	vmul.f32 v13, v57  }
0x24b: {  	v49 =	vpop (erf)  }
0x24c: {  	(erf) = vpow2.f32 v58;
	v8 =	vsub.f32 v8, v22;
	v6 =	vmul.f32 v6, v9;
	v9 =	vpop (erf)  }
0x24d: {  	v61 =	vld [tilespmem:$0x1FD20];
	(erf) = vpow2.f32 v4;
	v4 =	vpop (erf)  }
0x24e: {  	v60 =	vmul.f32 v13, v35;
	v8 =	vmul.f32 $1.442695020e+00, v8;
	v9 =	vadd.f32 v4, v9  }
0x24f: {  	v10 =	vmul.f32 v13, v10;
	v0 =	vsub.f32 v0, v22;
	v23 =	vpop (erf)  }
0x250: {  	(erf) = vpow2.f32 v8;
	v8 =	vadd.f32 v9, v23;
	v9 =	vsub.f32 v60, v22  }
0x251: {  	v62 =	vmul.f32 v13, v41;
	v0 =	vmul.f32 $1.442695020e+00, v0  }
0x252: {  	v7 =	vsub.f32 v2, v16;
	v12 =	vadd.f32 v63, v61;
	v9 =	vmul.f32 $1.442695020e+00, v9  }
0x253: {  	v63 =	vmul.f32 v13, v18;
	(erf) = vpow2.f32 v0;
	v0 =	vsub.f32 v62, v22  }
0x254: {  	v5 =	vmul.f32 v13, v5;
	v7 =	vmul.f32 v7, v7;
	v24 =	vpop (erf)  }
0x255: {  	v14 =	vsub.f32 v63, v22;
	v0 =	vmul.f32 $1.442695020e+00, v0;
	v8 =	vadd.f32 v8, v24  }
0x256: {  	v7 =	vmul.f32 v7, v25;
	(erf) = vpow2.f32 v9;
	v9 =	vpop (erf)  }
0x257: {  	(erf) = vpow2.f32 v0;
	v0 =	vadd.f32 v8, v9;
	v8 =	vmul.f32 $1.442695020e+00, v14  }
0x258: {  	v10 =	vsub.f32 v10, v22;
	v4 =	vmul.f32 v4, v20;
	v25 =	vmul.f32 v23, v26  }
0x259: {  	v5 =	vsub.f32 v5, v22;
	v62 =	vpop (erf);
	(erf) = vpow2.f32 v8  }
0x25a: {  	v41 =	vmovc v16;
	v16 =	vld [tilespmem:$0x1FD30];
	v4 =	vadd.f32 v25, v4;
	v8 =	vmul.f32 $1.442695020e+00, v10;
	v10 =	vmul.f32 v24, v38  }
0x25b: {  	v37 =	vmov v26;
	v5 =	vmul.f32 $1.442695020e+00, v5;
	v18 =	vmul.f32 v13, v19;
	v26 =	vpop (erf)  }
0x25c: {  	v34 =	vpop (erf);
	(erf) = vpow2.f32 v8;
	v4 =	vadd.f32 v4, v10;
	v8 =	vmul.f32 v9, v31  }
0x25d: {  	[tilespmem:$0x1FD40] =	vst v38;
	v63 =	vsub.f32 v2, v54;
	v38 =	vsub.f32 v18, v22;
	v9 =	vpop (erf);
	(erf) = vpow2.f32 v5  }
0x25e: {  	v5 =	vmul.f32 v26, v30;
	v4 =	vadd.f32 v4, v8;
	v8 =	vsub.f32 v2, v52  }
0x25f: {  	v6 =	vadd.f32 v6, v16;
	v0 =	vadd.f32 v0, v26;
	v47 =	vmul.f32 $1.442695020e+00, v38  }
0x260: {  	v4 =	vadd.f32 v4, v5;
	v5 =	vmul.f32 v8, v8;
	v8 =	vmul.f32 v34, v28  }
0x261: {  	v12 =	vmul.f32 $1.442695020e+00, v12;
	v7 =	vadd.f32 v7, v40;
	v0 =	vadd.f32 v0, v34  }
0x262: {  	v58 =	vadd.f32 v29, v55;
	v6 =	vmul.f32 $1.442695020e+00, v6;
	v10 =	vpop (erf);
	(erf) = vpow2.f32 v47  }
0x263: {  	v7 =	vmul.f32 $1.442695020e+00, v7;
	v26 =	vld [tilespmem:$0x1FD60];
	v0 =	vadd.f32 v0, v9;
	v57 =	vpop (erf);
	(erf) = vpow2.f32 v12  }
0x264: {  	v9 =	vmul.f32 v9, v32;
	(erf) = vpow2.f32 v6;
	v4 =	vadd.f32 v4, v8;
	v8 =	vpop (erf)  }
0x265: {  	v60 =	vadd.f32 v46, v58;
	v24 =	vpop (erf);
	(erf) = vpow2.f32 v7;
	v7 =	vld [tilespmem:$0x1FD70]  }
0x266: {  	v61 =	vld [tilespmem:$0x1FD50];
	v4 =	vadd.f32 v4, v9;
	v9 =	vmul.f32 v63, v63  }
0x267: {  	v0 =	vadd.f32 v0, v10;
	v6 =	vadd.f32 v42, v60  }
0x268: {  	v10 =	vmul.f32 v10, v27;
	v9 =	vmul.f32 v9, v26  }
0x269: {  	v0 =	vadd.f32 v0, v57;
	v5 =	vmul.f32 v5, v33;
	v6 =	vadd.f32 v45, v6  }
0x26a: {  	v4 =	vadd.f32 v4, v10;
	v7 =	vadd.f32 v9, v7;
	v9 =	vmul.f32 v57, v51  }
0x26b: {  	v5 =	vadd.f32 v5, v61;
	v0 =	vadd.f32 v0, v8  }
0x26c: {  	v36 =	vmovc v15;
	v6 =	vadd.f32 v48, v6;
	v8 =	vmul.f32 v8, v53;
	v4 =	vadd.f32 v4, v9;
	v9 =	vld [tilespmem:$0x1FD80]  }
0x26d: {  	v2 =	vsub.f32 v2, v36;
	v0 =	vadd.f32 v0, v24  }
0x26e: {  	v25 =	vpop (erf);
	v6 =	vadd.f32 v43, v6;
	v5 =	vmul.f32 $1.442695020e+00, v5;
	v4 =	vadd.f32 v4, v8;
	v8 =	vld [tilespmem:$0x1FD90]  }
0x26f: {  	v2 =	vmul.f32 v2, v2;
	v10 =	vpop (erf);
	v0 =	vadd.f32 v0, v25  }
0x270: {  	v34 =	vpop (erf);
	(erf) = vpow2.f32 v5;
	v5 =	vadd.f32 v44, v6;
	v6 =	vmul.f32 v24, v39  }
0x271: {  	v0 =	vadd.f32 v0, v10;
	v2 =	vmul.f32 v2, v9  }
0x272: {  	v4 =	vadd.f32 v4, v6;
	v6 =	vld [tilespmem:$0x1FDA0]  }
0x273: {  	v0 =	vadd.f32 v0, v34;
	v2 =	vadd.f32 v2, v8;
	v8 =	vld [tilespmem:$0x1FDB0]  }
0x274: {  	v9 =	vpop (erf)  }
0x275: {  	v0 =	vadd.f32 v0, v9  }
0x276: {  	v40 =	vld [tilespmem:$0x1FE20]  }
0x277: {  	v38 =	vld [tilespmem:$0x1FE00];
	(erf) = vrcp.f32 v0;
	v0 =	vadd.f32 v49, v5;
	v5 =	vmul.f32 v25, v41  }
0x278: {  	v47 =	vld [tilespmem:$0x1FE30];
	v6 =	vmul.f32 v8, v6  }
0x279: {  	v60 =	vld [tilespmem:$0x1FE60];
	v4 =	vadd.f32 v4, v5;
	v5 =	vmul.f32 v10, v52  }
0x27a: {  	v7 =	vmul.f32 $1.442695020e+00, v7;
	v3 =	vadd.f32 v3, v8;
	v8 =	vadd.f32 v1, v6;
	v1 =	vld [tilespmem:$0x1FDC0]  }
0x27b: {  	v57 =	vld [tilespmem:$0x1FE50];
	v4 =	vadd.f32 v4, v5;
	v6 =	vmul.f32 v34, v54  }
0x27c: {  	(erf) = vpow2.f32 v7;
	v2 =	vmul.f32 $1.442695020e+00, v2;
	v7 =	vadd.f32 v62, v0;
	v10 =	vld [tilespmem:$0x1FDE0]  }
0x27d: {  	v0 =	vpop (erf);
	v4 =	vadd.f32 v4, v6;
	v6 =	vmul.f32 v9, v36;
	v9 =	vld [tilespmem:$0x1FE10]  }
0x27e: {  	(erf) = vpow2.f32 v2;
	v2 =	vadd.f32 v0, v7;
	v7 =	vld [tilespmem:$0x1FDD0]  }
0x27f: {  	v4 =	vadd.f32 v4, v6;
	v6 =	vld [tilespmem:$0x1FE40];
	v5 =	vmul.f32 v59, v1;
	_ =	sdelay $0x1  }
0x280: {  	v5 =	vsub.f32 v5, v56  }
0x281: {  	v12 =	vmul.f32 v40, v47;
	v1 =	vpop (erf);
	v9 =	vmul.f32 v38, v9  }
0x282: {  	v10 =	vmul.f32 v7, v10;
	v7 =	vld [tilespmem:$0x1FDF0];
	v2 =	vadd.f32 v1, v2;
	v61 =	vpop (erf);
	v5 =	vmul.f32 $1.442695020e+00, v5  }
0x283: {  	v14 =	vmul.f32 v57, v60;
	v25 =	vld [tilespmem:$0x1FE80];
	v63 =	vpop (erf);
	v6 =	vmul.f32 v59, v6;
	v9 =	vadd.f32 v12, v9  }
0x284: {  	v2 =	vadd.f32 v61, v2;
	v58 =	vpop (erf);
	(erf) = vpow2.f32 v5;
	v5 =	vld [tilespmem:$0x1FE70]  }
0x285: {  	v24 =	vmul.f32 v58, v4;
	v6 =	vsub.f32 v6, v56;
	v4 =	vadd.f32 v9, v14;
	v9 =	vld [tilespmem:$0x1FE90];
	_ =	sdelay $0x1  }
0x286: {  	v7 =	vadd.f32 v38, v7;
	v2 =	vadd.f32 v63, v2;
	v6 =	vmul.f32 $1.442695020e+00, v6  }
0x287: {  	v26 =	vld [tilespmem:$0x1FEB0];
	v18 =	vpop (erf)  }
0x288: {  	v7 =	vadd.f32 v7, v40;
	v2 =	vadd.f32 v18, v2;
	(erf) = vpow2.f32 v6;
	v6 =	vld [tilespmem:$0x1FEA0]  }
0x289: {  	v34 =	vld [tilespmem:$0x1FEC0];
	v21 =	vpop (erf);
	v5 =	vmul.f32 v59, v5;
	v9 =	vmul.f32 v25, v9  }
0x28a: {  	v38 =	vld [tilespmem:$0x1FEE0];
	v7 =	vadd.f32 v7, v57;
	v2 =	vadd.f32 v21, v2  }
0x28b: {  	v5 =	vsub.f32 v5, v56;
	v4 =	vadd.f32 v4, v9;
	v9 =	vld [tilespmem:$0x1FED0]  }
0x28c: {  	v17 =	vld [tilespmem:$0x1FF90];
	v13 =	vmul.f32 v59, v26;
	v7 =	vadd.f32 v7, v25;
	v2 =	vadd.f32 $9.999999930e-09, v2  }
0x28d: {  	v40 =	vld [tilespmem:$0x1FEF0];
	v6 =	vmul.f32 v59, v6;
	v5 =	vmul.f32 $1.442695020e+00, v5  }
0x28e: {  	v16 =	vld [tilespmem:$0x1FF60];
	v7 =	vadd.f32 v7, v34;
	(erf) = vrcp.f32 v2  }
0x28f: {  	v6 =	vsub.f32 v6, v56;
	(erf) = vpow2.f32 v5;
	v5 =	vsub.f32 v13, v56;
	v56 =	vld [tilespmem:$0x1FF20]  }
0x290: {  	v47 =	vld [tilespmem:$0x1FF10];
	v2 =	vadd.f32 v7, v38;
	v9 =	vmul.f32 v34, v9  }
0x291: {  	v57 =	vld [tilespmem:$0x1FF40]  }
0x292: {  	v2 =	vadd.f32 v2, v40;
	v4 =	vadd.f32 v4, v9;
	v9 =	vld [tilespmem:$0x1FF00]  }
0x293: {  	v58 =	vld [tilespmem:$0x1FF70];
	v7 =	vmax.f32 v55, v29;
	v6 =	vmul.f32 $1.442695020e+00, v6  }
0x294: {  	v3 =	vadd.f32 v3, v16;
	v7 =	vmax.f32 v7, v46;
	v2 =	vadd.f32 v2, v56  }
0x295: {  	v5 =	vmul.f32 $1.442695020e+00, v5;
	(erf) = vpow2.f32 v6;
	v6 =	vmax.f32 v7, v42;
	v7 =	vld [tilespmem:$0x1FF30]  }
0x296: {  	v6 =	vmax.f32 v6, v45;
	v2 =	vadd.f32 v2, v57  }
0x297: {  	v3 =	vadd.f32 v3, v17;
	v6 =	vmax.f32 v6, v48;
	v9 =	vmul.f32 v38, v9  }
0x298: {  	v13 =	vmul.f32 v40, v47;
	v6 =	vmax.f32 v6, v43;
	v2 =	vadd.f32 v2, v58  }
0x299: {  	(erf) = vpow2.f32 v5;
	v5 =	vpop (erf);
	v6 =	vmax.f32 v6, v44;
	v4 =	vadd.f32 v4, v9  }
0x29a: {  	v6 =	vmax.f32 v6, v49;
	v9 =	vmul.f32 v56, v7;
	v7 =	vld [tilespmem:$0x1FF50];
	v2 =	vadd.f32 v2, v5  }
0x29b: {  	(erf) = vrcp.f32 v3;
	v3 =	vpop (erf);
	v59 =	vmax.f32 v6, v62;
	v6 =	vld [tilespmem:$0x1FFA0];
	v4 =	vadd.f32 v4, v13  }
0x29c: {  	v60 =	vadd.f32 v2, v3;
	v2 =	vld [tilespmem:$0x1FFB0]  }
0x29d: {  	v9 =	vadd.f32 v4, v9;
	v4 =	vld [tilespmem:$0x1FFD0];
	_ =	sdelay $0x3  }
0x29e: {  	s18 =	simm.s32 $0x4690;
	v14 =	vmul.f32 v57, v7;
	v7 =	vld [tilespmem:$0x1FF80]  }
0x29f: {  	s19 =	simm.s32 $0x46B0;
	v13 =	vmax.f32 v59, v0;
	v6 =	vmul.f32 v5, v6;
	v5 =	vmul.f32 v3, v2;
	v3 =	vld [tilespmem:$0x1FFC0];
	[tilespmem:s18+$0x0] =	vst v4  }
0x2a0: {  	s21 =	simm.s32 $0x46D0;
	v2 =	vmax.f32 v13, v1;
	v4 =	vld [tilespmem:$0x1FFE0];
	[tilespmem:s19+$0x0] =	vst v10  }
0x2a1: {  	[tilespmem:s21+$0x0] =	vst v24  }
0x2a2: {  	v12 =	vld [tilespmem:$0x1FFF0]  }
0x2a3: {  	v13 =	vmax.f32 v2, v61;
	v2 =	vpop (erf)  }
0x2a4: {  	v34 =	vmul.f32 v2, v11;
	v11 =	vmax.f32 v13, v63  }
0x2a5: {  	v35 =	vmovc v20;
	v7 =	vmul.f32 v58, v7;
	v3 =	vmul.f32 v16, v3;
	v11 =	vmax.f32 v11, v18  }
0x2a6: {  	v10 =	vadd.f32 v9, v14;
	v9 =	vpop (erf);
	v11 =	vmax.f32 v11, v21;
	v4 =	vmul.f32 v17, v4  }
0x2a7: {  	s22 =	simm.s32 $0x40;
	s20 =	simm.s32 $0x46D0;
	v33 =	vmovc v27;
	v8 =	vadd.f32 v8, v3;
	v3 =	vadd.f32 v60, v9;
	v9 =	vmul.f32 v9, v12  }
.LBB2_2:
0x2a8: {  	[tilespmem:$0x1F8E0] =	vst v28;
	v28 =	vmul.f32 v34, v11;
	v11 =	vmul.f32 v34, v55  }
0x2a9: {  	v2 =	vadd.f32 v8, v4;
	v8 =	vmul.f32 v34, v29;
	v12 =	vmul.f32 v34, v46  }
0x2aa: {  	v23 =	vld [tilespmem:$0x780];
	v13 =	vmul.f32 v34, v42;
	v14 =	vmul.f32 v34, v45  }
0x2ab: {  	v4 =	vmovc v36;
	v59 =	vld [tilespmem:$0x600];
	v19 =	vmul.f32 v34, v48;
	v7 =	vadd.f32 v10, v7;
	v11 =	vsub.f32 v11, v28  }
0x2ac: {  	v1 =	vmul.f32 v34, v1;
	[tilespmem:$0x1F9D0] =	vst v4;
	v4 =	vld [tilespmem:$0x700];
	v8 =	vsub.f32 v8, v28;
	v12 =	vsub.f32 v12, v28  }
0x2ad: {  	v16 =	vpop (erf);
	v22 =	vld [tilespmem:$0x580];
	v13 =	vsub.f32 v13, v28;
	v14 =	vsub.f32 v14, v28;
	v11 =	vmul.f32 $1.442695020e+00, v11  }
0x2ae: {  	[tilespmem:$0x1FC50] =	vst v33;
	v25 =	vld [tilespmem:$0xB80];
	v17 =	vpop (erf);
	v6 =	vadd.f32 v7, v6;
	v7 =	vmul.f32 v34, v43;
	v8 =	vmul.f32 $1.442695020e+00, v8  }
0x2af: {  	[tilespmem:$0x1F8F0] =	vst v32;
	v45 =	vld [tilespmem:$0xB00];
	v20 =	vpop (erf);
	v12 =	vmul.f32 $1.442695020e+00, v12;
	(erf) = vpow2.f32 v11;
	v11 =	vadd.f32 v3, v16  }
0x2b0: {  	[tilespmem:$0x1F850] =	vst v18;
	v29 =	vld [tilespmem:$0xA80];
	v19 =	vsub.f32 v19, v28;
	v13 =	vmul.f32 $1.442695020e+00, v13;
	(erf) = vpow2.f32 v8  }
0x2b1: {  	v42 =	vld [tilespmem:$0x280];
	v5 =	vadd.f32 v6, v5;
	v18 =	vmovc v4;
	v4 =	vmovc v39;
	(erf) = vpow2.f32 v12;
	v8 =	vadd.f32 v11, v17  }
0x2b2: {  	v46 =	vld [tilespmem:$0x1000];
	v6 =	vsub.f32 v7, v28;
	[tilespmem:$0x1F930] =	vst v4;
	v4 =	vmul.f32 $1.442695020e+00, v14;
	(erf) = vpow2.f32 v13  }
0x2b3: {  	v10 =	vld [tilespmem:$0x680];
	v7 =	vmul.f32 v34, v44;
	v5 =	vadd.f32 v5, v9;
	[tilespmem:$0x1F940] =	vst v8;
	v8 =	vmul.f32 $1.442695020e+00, v19  }
0x2b4: {  	v27 =	vld [tilespmem:$0x800];
	[tilespmem:$0x1F9A0] =	vst v2;
	v1 =	vsub.f32 v1, v28;
	(erf) = vpow2.f32 v4;
	v4 =	vmul.f32 v34, v49  }
0x2b5: {  	s17 =	sadd.s32 $0x20, s17;
	v32 =	vld [tilespmem:$0x880];
	v2 =	vmovc v52;
	[tilespmem:$0x1F9C0] =	vst v5;
	v5 =	vmul.f32 $1.442695020e+00, v6;
	v6 =	vsub.f32 v7, v28;
	v7 =	vmul.f32 v34, v62  }
0x2b6: {  	v15 =	vmovc v54;
	[tilespmem:$0x1F9E0] =	vst v2;
	v2 =	vmul.f32 v34, v0;
	v0 =	vld [tilespmem:s17+$0x0];
	(erf) = vpow2.f32 v8;
	v4 =	vsub.f32 v4, v28  }
0x2b7: {  	[tilespmem:$0x1F9B0] =	vst v20;
	v20 =	vmovc v41;
	v62 =	vmul.f32 v34, v61;
	v19 =	vld [tilespmem:$0x200];
	v6 =	vmul.f32 $1.442695020e+00, v6;
	v7 =	vsub.f32 v7, v28  }
0x2b8: {  	[tilespmem:$0x1F910] =	vst v51;
	v56 =	vld [tilespmem:$0x900];
	v60 =	vmov v10;
	(erf) = vpow2.f32 v5;
	v4 =	vmul.f32 $1.442695020e+00, v4;
	v8 =	vpop (erf)  }
0x2b9: {  	[tilespmem:$0x1F8B0] =	vst v21;
	v43 =	vld [tilespmem:$0xA00];
	v5 =	vsub.f32 v2, v28;
	v7 =	vmul.f32 $1.442695020e+00, v7;
	v11 =	vpop (erf);
	(erf) = vpow2.f32 v6  }
0x2ba: {  	[tilespmem:$0x1F960] =	vst v16;
	v10 =	vld [tilespmem:$0x0];
	v2 =	vmul.f32 $1.442695020e+00, v1;
	v6 =	vadd.f32 v11, v8;
	v8 =	vpop (erf);
	(erf) = vpow2.f32 v4  }
0x2bb: {  	v40 =	vmov v22;
	v9 =	vld [tilespmem:$0x80];
	[tilespmem:$0x1F7F0] =	vst v62;
	v36 =	vpop (erf);
	(erf) = vpow2.f32 v7;
	v7 =	vmul.f32 v11, v35  }
0x2bc: {  	v41 =	vsub.f32 v0, v40;
	v62 =	vld [tilespmem:$0xE00];
	[tilespmem:$0x1F830] =	vst v2;
	v2 =	vmul.f32 v34, v63;
	v63 =	vsub.f32 v0, v19  }
0x2bd: {  	v16 =	vmovc v59;
	v12 =	vsub.f32 v0, v60;
	v5 =	vmul.f32 $1.442695020e+00, v5;
	v4 =	vld [tilespmem:$0x100];
	[tilespmem:$0x1F810] =	vst v7;
	v7 =	vmul.f32 v8, v37  }
0x2be: {  	[tilespmem:$0x1F920] =	vst v53;
	v24 =	vld [tilespmem:$0x1200];
	v22 =	vsub.f32 v0, v16;
	v61 =	vmul.f32 v41, v41;
	v13 =	vmul.f32 v63, v63;
	v52 =	vpop (erf)  }
0x2bf: {  	v6 =	vadd.f32 v6, v8;
	v37 =	vld [tilespmem:$0x180];
	v1 =	vpop (erf);
	(erf) = vpow2.f32 v5;
	[tilespmem:$0x1F820] =	vst v7;
	v7 =	vsub.f32 v0, v10  }
0x2c0: {  	v55 =	vld [tilespmem:$0x1100];
	[tilespmem:$0x1F970] =	vst v15;
	v22 =	vmul.f32 v22, v22;
	v12 =	vmul.f32 v12, v12;
	v5 =	vsub.f32 v0, v9  }
0x2c1: {  	v44 =	vld [tilespmem:$0x1080];
	[tilespmem:$0x1F7A0] =	vst v60;
	v13 =	vmul.f32 v13, v43;
	v15 =	vadd.f32 v6, v36;
	v6 =	vmul.f32 v7, v7  }
0x2c2: {  	v21 =	vld [tilespmem:$0x300];
	v3 =	vmovc v9;
	v60 =	vmul.f32 v22, v62;
	v5 =	vmul.f32 v5, v5;
	v7 =	vsub.f32 v0, v4  }
0x2c3: {  	v35 =	vld [tilespmem:$0x980];
	v13 =	vadd.f32 v13, v24;
	[tilespmem:$0x1F7D0] =	vst v1;
	v9 =	vpop (erf);
	v1 =	vmov v4;
	v6 =	vmul.f32 v6, v27  }
0x2c4: {  	v47 =	vld [tilespmem:$0x380];
	[tilespmem:$0x1F800] =	vst v9;
	v5 =	vmul.f32 v5, v32;
	v11 =	vsub.f32 v0, v37;
	v4 =	vpop (erf);
	v7 =	vmul.f32 v7, v7  }
0x2c5: {  	v9 =	vsub.f32 v0, v42;
	v13 =	vmul.f32 $1.442695020e+00, v13;
	[tilespmem:$0x1F860] =	vst v4;
	v4 =	vld [tilespmem:$0x1180];
	v6 =	vadd.f32 v6, v46  }
0x2c6: {  	v51 =	vld [tilespmem:$0x400];
	[tilespmem:$0x1F980] =	vst v17;
	v33 =	vpop (erf);
	v5 =	vadd.f32 v5, v44;
	v11 =	vmul.f32 v11, v11;
	v7 =	vmul.f32 v7, v56  }
0x2c7: {  	v53 =	vld [tilespmem:$0x480];
	[tilespmem:$0x1F780] =	vst v18;
	v17 =	vsub.f32 v0, v18;
	v9 =	vmul.f32 v9, v9;
	v39 =	vpop (erf);
	v6 =	vmul.f32 $1.442695020e+00, v6  }
0x2c8: {  	v58 =	vld [tilespmem:$0x1280];
	[tilespmem:$0x1F790] =	vst v16;
	v5 =	vmul.f32 $1.442695020e+00, v5;
	v11 =	vmul.f32 v11, v35;
	v7 =	vadd.f32 v7, v55;
	v16 =	vpop (erf)  }
0x2c9: {  	v54 =	vld [tilespmem:$0x1300];
	v18 =	vmovc v19;
	v19 =	vsub.f32 v0, v21;
	[tilespmem:$0x1F900] =	vst v16;
	v16 =	vmul.f32 v17, v17;
	(erf) = vpow2.f32 v6  }
0x2ca: {  	[tilespmem:$0x1F880] =	vst v31;
	v31 =	vld [tilespmem:$0xC80];
	v6 =	vmul.f32 $1.442695020e+00, v7;
	v7 =	vadd.f32 v11, v4;
	(erf) = vpow2.f32 v5  }
0x2cb: {  	v59 =	vld [tilespmem:$0x500];
	v11 =	vsub.f32 v0, v47;
	v5 =	vmul.f32 v9, v29;
	v9 =	vmul.f32 v19, v19  }
0x2cc: {  	[tilespmem:$0x1F950] =	vst v20;
	v20 =	vld [tilespmem:$0xC00];
	v19 =	vsub.f32 v0, v53;
	v7 =	vmul.f32 $1.442695020e+00, v7;
	(erf) = vpow2.f32 v6  }
0x2cd: {  	[tilespmem:$0x1F8A0] =	vst v33;
	v33 =	vld [tilespmem:$0x1380];
	v6 =	vmul.f32 v9, v45;
	v9 =	vmul.f32 v11, v11  }
0x2ce: {  	v38 =	vld [tilespmem:$0x1400];
	v11 =	vsub.f32 v0, v51;
	v5 =	vadd.f32 v5, v58;
	v19 =	vmul.f32 v19, v19  }
0x2cf: {  	[tilespmem:$0x1F8C0] =	vst v30;
	v48 =	vld [tilespmem:$0x1480];
	v8 =	vsub.f32 v0, v23;
	(erf) = vpow2.f32 v7;
	v7 =	vmul.f32 v9, v25  }
0x2d0: {  	[tilespmem:$0x1F840] =	vst v2;
	v0 =	vsub.f32 v0, v59;
	v2 =	vmul.f32 v11, v11;
	v9 =	vld [tilespmem:$0xD00];
	v5 =	vmul.f32 $1.442695020e+00, v5  }
0x2d1: {  	v30 =	vld [tilespmem:$0xD80];
	[tilespmem:$0x1F7B0] =	vst v23;
	v23 =	vadd.f32 v6, v54;
	(erf) = vpow2.f32 v13;
	v19 =	vmul.f32 v19, v31  }
0x2d2: {  	v6 =	vld [tilespmem:$0x1500];
	v2 =	vmul.f32 v2, v20;
	v7 =	vadd.f32 v7, v33;
	v11 =	vpop (erf);
	(erf) = vpow2.f32 v5  }
0x2d3: {  	v49 =	vld [tilespmem:$0x1580];
	v0 =	vmul.f32 v0, v0;
	v23 =	vmul.f32 $1.442695020e+00, v23  }
0x2d4: {  	v57 =	vadd.f32 v19, v48;
	v19 =	vld [tilespmem:$0xE80];
	v5 =	vadd.f32 v2, v38;
	v2 =	vmul.f32 $1.442695020e+00, v7;
	v13 =	vpop (erf)  }
0x2d5: {  	(erf) = vpow2.f32 v23;
	v23 =	vld [tilespmem:$0x1600];
	v0 =	vmul.f32 v0, v9;
	v26 =	vadd.f32 v13, v11  }
0x2d6: {  	[tilespmem:$0x1F990] =	vst v50;
	v14 =	vpop (erf);
	v50 =	vmul.f32 $1.442695020e+00, v5;
	(erf) = vpow2.f32 v2;
	v5 =	vld [tilespmem:$0x1680]  }
0x2d7: {  	[tilespmem:$0x1F8D0] =	vst v39;
	v39 =	vadd.f32 v0, v6;
	v0 =	vmul.f32 v61, v30;
	v61 =	vld [tilespmem:$0xF00];
	v26 =	vadd.f32 v26, v14  }
0x2d8: {  	v41 =	vmul.f32 $1.442695020e+00, v57;
	v7 =	vpop (erf);
	(erf) = vpow2.f32 v50  }
0x2d9: {  	v63 =	vadd.f32 v0, v49;
	v0 =	vld [tilespmem:$0xF80];
	v39 =	vmul.f32 $1.442695020e+00, v39;
	v26 =	vadd.f32 v26, v7  }
0x2da: {  	v2 =	vld [tilespmem:$0x1700];
	v12 =	vmul.f32 v12, v19;
	v57 =	vpop (erf);
	(erf) = vpow2.f32 v41  }
0x2db: {  	v41 =	vadd.f32 v60, v23;
	v50 =	vadd.f32 v26, v57;
	v26 =	vld [tilespmem:s17+$0xFFFFFFF0];
	v22 =	vpop (erf);
	(erf) = vpow2.f32 v39  }
0x2dc: {  	v60 =	vld [tilespmem:$0x1780];
	v39 =	vadd.f32 v12, v5;
	v12 =	vmul.f32 v16, v61;
	v16 =	vmul.f32 v8, v8  }
0x2dd: {  	[tilespmem:$0x1F890] =	vst v52;
	v63 =	vmul.f32 $1.442695020e+00, v63;
	v50 =	vadd.f32 v50, v22  }
0x2de: {  	v41 =	vmul.f32 $1.442695020e+00, v41;
	[tilespmem:$0x1F7C0] =	vst v0;
	v8 =	vpop (erf);
	v16 =	vmul.f32 v16, v0;
	v0 =	vadd.f32 v15, v52;
	v52 =	vld [tilespmem:$0x1FD40]  }
0x2df: {  	(erf) = vpow2.f32 v63;
	v17 =	vadd.f32 v12, v2;
	v50 =	vadd.f32 v50, v8  }
0x2e0: {  	v39 =	vmul.f32 $1.442695020e+00, v39;
	v12 =	vpop (erf);
	(erf) = vpow2.f32 v41;
	v41 =	vsub.f32 v26, v10  }
0x2e1: {  	v16 =	vadd.f32 v16, v60;
	v50 =	vadd.f32 v50, v12  }
0x2e2: {  	v17 =	vmul.f32 $1.442695020e+00, v17;
	v15 =	vpop (erf);
	(erf) = vpow2.f32 v39;
	v39 =	vsub.f32 v26, v3  }
0x2e3: {  	v63 =	vmovc v2;
	v16 =	vmul.f32 $1.442695020e+00, v16;
	v2 =	vmul.f32 v36, v52;
	v50 =	vadd.f32 v50, v15  }
0x2e4: {  	v52 =	vmov v37;
	v36 =	vpop (erf);
	(erf) = vpow2.f32 v17;
	v17 =	vmul.f32 v39, v39  }
0x2e5: {  	v39 =	vsub.f32 v26, v52;
	[tilespmem:$0x1F870] =	vst v2;
	v2 =	vmul.f32 v41, v41;
	v41 =	vsub.f32 v26, v1  }
0x2e6: {  	v50 =	vadd.f32 v50, v36;
	v37 =	vpop (erf);
	(erf) = vpow2.f32 v16;
	v16 =	vmul.f32 v17, v32  }
0x2e7: {  	v17 =	vmul.f32 v39, v39;
	v10 =	vmul.f32 v2, v27  }
0x2e8: {  	v41 =	vmul.f32 v41, v41;
	v50 =	vadd.f32 v50, v37  }
0x2e9: {  	v32 =	vpop (erf);
	v16 =	vadd.f32 v16, v44;
	v17 =	vmul.f32 v17, v35;
	v10 =	vadd.f32 v10, v46  }
0x2ea: {  	v39 =	vmul.f32 v41, v56;
	v56 =	vsub.f32 v26, v18;
	v50 =	vadd.f32 v50, v32  }
0x2eb: {  	v35 =	vpop (erf);
	v16 =	vmul.f32 $1.442695020e+00, v16;
	v17 =	vadd.f32 v17, v4;
	v2 =	vmul.f32 $1.442695020e+00, v10  }
0x2ec: {  	v39 =	vadd.f32 v39, v55;
	v41 =	vmul.f32 v56, v56;
	v56 =	vadd.f32 v50, v35  }
0x2ed: {  	v55 =	vsub.f32 v26, v42;
	v17 =	vmul.f32 $1.442695020e+00, v17;
	(erf) = vpow2.f32 v2;
	v10 =	vpop (erf)  }
0x2ee: {  	v39 =	vmul.f32 $1.442695020e+00, v39;
	v41 =	vmul.f32 v41, v43;
	v44 =	vadd.f32 v56, v10  }
0x2ef: {  	v56 =	vsub.f32 v26, v21;
	(erf) = vpow2.f32 v16;
	v4 =	vpop (erf);
	v16 =	vmul.f32 v55, v55  }
0x2f0: {  	(erf) = vpow2.f32 v39;
	v46 =	vadd.f32 v41, v24;
	v44 =	vadd.f32 v44, v4  }
0x2f1: {  	v24 =	vpop (erf);
	v41 =	vmul.f32 v56, v56;
	v16 =	vmul.f32 v16, v29;
	v29 =	vsub.f32 v26, v47  }
0x2f2: {  	v56 =	vmax.f32 v11, v13;
	(erf) = vpow2.f32 v17;
	v55 =	vadd.f32 v44, v24  }
0x2f3: {  	v39 =	vmul.f32 $1.442695020e+00, v46;
	v17 =	vmax.f32 v56, v14;
	v16 =	vadd.f32 v16, v58  }
0x2f4: {  	v41 =	vmul.f32 v41, v45;
	v17 =	vmax.f32 v17, v7;
	v43 =	vadd.f32 $9.999999930e-09, v55  }
0x2f5: {  	v2 =	vmovc v21;
	v21 =	vmul.f32 v29, v29;
	v58 =	vsub.f32 v26, v51;
	v17 =	vmax.f32 v17, v57  }
0x2f6: {  	[tilespmem:$0x1F7E0] =	vst v0;
	v16 =	vmul.f32 $1.442695020e+00, v16;
	v17 =	vmax.f32 v17, v22;
	v55 =	vpop (erf);
	(erf) = vrcp.f32 v43  }
0x2f7: {  	v0 =	vmovc v3;
	v56 =	vmul.f32 v21, v25;
	v3 =	vmax.f32 v17, v8;
	v17 =	vmul.f32 v58, v58  }
0x2f8: {  	v58 =	vsub.f32 v26, v53;
	v3 =	vmax.f32 v3, v12;
	(erf) = vpow2.f32 v39  }
0x2f9: {  	v39 =	vadd.f32 v41, v54;
	v29 =	vpop (erf);
	v25 =	vmax.f32 v3, v15;
	v17 =	vmul.f32 v17, v20  }
0x2fa: {  	v20 =	vmul.f32 v58, v58;
	v46 =	vpop (erf);
	(erf) = vpow2.f32 v16;
	v16 =	vadd.f32 v56, v33  }
0x2fb: {  	v3 =	vld [tilespmem:$0x1800];
	v45 =	vmax.f32 v25, v36;
	v56 =	vsub.f32 v26, v59;
	v39 =	vmul.f32 $1.442695020e+00, v39  }
0x2fc: {  	v50 =	vmovc v42;
	v58 =	vadd.f32 v29, v55;
	v33 =	vmax.f32 v45, v37;
	v17 =	vadd.f32 v17, v38  }
0x2fd: {  	v42 =	vpop (erf);
	v31 =	vmul.f32 v20, v31;
	v33 =	vmax.f32 v33, v32;
	(erf) = vpow2.f32 v39  }
0x2fe: {  	v16 =	vmul.f32 $1.442695020e+00, v16;
	v25 =	vmul.f32 v56, v56;
	v33 =	vmax.f32 v33, v35  }
0x2ff: {  	v56 =	vsub.f32 v26, v40;
	v44 =	vadd.f32 v46, v58;
	v33 =	vmax.f32 v33, v10;
	v45 =	vpop (erf)  }
0x300: {  	v17 =	vmul.f32 $1.442695020e+00, v17;
	v33 =	vmax.f32 v33, v4;
	v41 =	vmul.f32 v45, v3  }
0x301: {  	v9 =	vmul.f32 v25, v9;
	v33 =	vmax.f32 v33, v24;
	v45 =	vpop (erf);
	(erf) = vpow2.f32 v16  }
0x302: {  	v16 =	vadd.f32 v31, v48;
	v31 =	vmul.f32 v41, v33;
	v11 =	vmul.f32 v41, v11  }
0x303: {  	v21 =	vld [tilespmem:$0x1F790];
	v25 =	vmul.f32 v56, v56;
	v44 =	vadd.f32 v42, v44;
	v13 =	vmul.f32 v41, v13  }
0x304: {  	v14 =	vmul.f32 v41, v14;
	v7 =	vmul.f32 v41, v7;
	v11 =	vsub.f32 v11, v31  }
0x305: {  	v48 =	vpop (erf);
	v8 =	vmul.f32 v41, v8;
	v12 =	vmul.f32 v41, v12;
	v13 =	vsub.f32 v13, v31  }
0x306: {  	v6 =	vadd.f32 v9, v6;
	v43 =	vpop (erf);
	(erf) = vpow2.f32 v17;
	v9 =	vmul.f32 $1.442695020e+00, v11  }
0x307: {  	v15 =	vmul.f32 v41, v15;
	v38 =	vsub.f32 v14, v31;
	v11 =	vmul.f32 $1.442695020e+00, v13  }
0x308: {  	v58 =	vsub.f32 v26, v21;
	v17 =	vmul.f32 v41, v57;
	(erf) = vpow2.f32 v9  }
0x309: {  	v7 =	vsub.f32 v7, v31;
	v9 =	vmul.f32 $1.442695020e+00, v38;
	(erf) = vpow2.f32 v11  }
0x30a: {  	v57 =	vmul.f32 $1.442695020e+00, v16;
	v16 =	vmul.f32 v41, v22;
	v17 =	vsub.f32 v17, v31  }
0x30b: {  	v7 =	vmul.f32 $1.442695020e+00, v7;
	v11 =	vadd.f32 v45, v44;
	v44 =	vpop (erf);
	(erf) = vpow2.f32 v9  }
0x30c: {  	v8 =	vsub.f32 v8, v31;
	v12 =	vsub.f32 v12, v31;
	v17 =	vmul.f32 $1.442695020e+00, v17  }
0x30d: {  	v16 =	vsub.f32 v16, v31;
	v9 =	vmul.f32 v25, v30;
	(erf) = vpow2.f32 v7  }
0x30e: {  	v8 =	vmul.f32 $1.442695020e+00, v8;
	v12 =	vmul.f32 $1.442695020e+00, v12  }
0x30f: {  	v20 =	vld [tilespmem:$0x1F7A0];
	v16 =	vmul.f32 $1.442695020e+00, v16;
	v7 =	vadd.f32 v9, v49;
	v49 =	vpop (erf);
	(erf) = vpow2.f32 v17  }
0x310: {  	v9 =	vmul.f32 v58, v58;
	(erf) = vpow2.f32 v57  }
0x311: {  	v58 =	vpop (erf);
	(erf) = vpow2.f32 v16;
	v16 =	vmul.f32 v41, v36  }
0x312: {  	v15 =	vsub.f32 v15, v31;
	v17 =	vpop (erf);
	(erf) = vpow2.f32 v8;
	v8 =	vmul.f32 v9, v62  }
0x313: {  	v13 =	vadd.f32 v17, v58;
	v9 =	vsub.f32 v16, v31;
	v16 =	vmul.f32 v41, v37  }
0x314: {  	v56 =	vsub.f32 v26, v20;
	v10 =	vmul.f32 v41, v10;
	v15 =	vmul.f32 $1.442695020e+00, v15;
	v30 =	vpop (erf)  }
0x315: {  	(erf) = vpow2.f32 v12;
	v13 =	vadd.f32 v13, v30;
	v62 =	vsub.f32 v16, v31  }
0x316: {  	v24 =	vmul.f32 v41, v24;
	v10 =	vsub.f32 v10, v31;
	v16 =	vmul.f32 v41, v32;
	v32 =	vpop (erf)  }
0x317: {  	v9 =	vmul.f32 $1.442695020e+00, v9;
	(erf) = vpow2.f32 v15;
	v13 =	vadd.f32 v13, v32  }
0x318: {  	v12 =	vmul.f32 v56, v56;
	v56 =	vmul.f32 v41, v35;
	v33 =	vpop (erf);
	v38 =	vsub.f32 v16, v31  }
0x319: {  	v14 =	vmul.f32 $1.442695020e+00, v62;
	v13 =	vadd.f32 v13, v33;
	v62 =	vpop (erf);
	(erf) = vpow2.f32 v9  }
0x31a: {  	v4 =	vmul.f32 v41, v4;
	v25 =	vsub.f32 v56, v31;
	v9 =	vmul.f32 $1.442695020e+00, v38;
	v16 =	vpop (erf)  }
0x31b: {  	v10 =	vmul.f32 $1.442695020e+00, v10;
	(erf) = vpow2.f32 v14;
	v13 =	vadd.f32 v13, v16  }
0x31c: {  	v4 =	vsub.f32 v4, v31;
	v57 =	vmul.f32 $1.442695020e+00, v25;
	v58 =	vpop (erf);
	(erf) = vpow2.f32 v9  }
0x31d: {  	v9 =	vmul.f32 v17, v0;
	v17 =	vmul.f32 v30, v1;
	v13 =	vadd.f32 v13, v58  }
0x31e: {  	v4 =	vmul.f32 $1.442695020e+00, v4;
	v38 =	vmul.f32 v32, v52;
	v30 =	vpop (erf)  }
0x31f: {  	v54 =	vld [tilespmem:$0x1F780];
	(erf) = vpow2.f32 v57;
	v9 =	vadd.f32 v17, v9;
	v13 =	vadd.f32 v13, v30  }
0x320: {  	v35 =	vmov v0;
	v0 =	vsub.f32 v24, v31;
	v56 =	vpop (erf);
	(erf) = vpow2.f32 v10  }
0x321: {  	v10 =	vmul.f32 v33, v18;
	v9 =	vadd.f32 v9, v38;
	v13 =	vadd.f32 v13, v56  }
0x322: {  	v6 =	vmul.f32 $1.442695020e+00, v6;
	v17 =	vpop (erf);
	(erf) = vpow2.f32 v4  }
0x323: {  	v0 =	vmul.f32 $1.442695020e+00, v0;
	v4 =	vadd.f32 v9, v10;
	v10 =	vadd.f32 v13, v17  }
0x324: {  	v22 =	vsub.f32 v26, v54;
	v11 =	vadd.f32 v48, v11;
	v9 =	vmul.f32 v16, v50;
	v16 =	vpop (erf)  }
0x325: {  	v7 =	vmul.f32 $1.442695020e+00, v7;
	(erf) = vpow2.f32 v0;
	v0 =	vadd.f32 v10, v16  }
0x326: {  	v8 =	vadd.f32 v8, v23;
	v4 =	vadd.f32 v4, v9;
	v9 =	vmul.f32 v58, v2;
	v58 =	vpop (erf)  }
0x327: {  	v36 =	vld [tilespmem:$0x1F7B0];
	v37 =	vmovc v1;
	v12 =	vmul.f32 v12, v19;
	v1 =	vmul.f32 v22, v22;
	v0 =	vadd.f32 v0, v58  }
0x328: {  	(erf) = vpow2.f32 v6;
	v6 =	vmul.f32 v30, v47;
	v4 =	vadd.f32 v4, v9;
	v10 =	vpop (erf)  }
0x329: {  	(erf) = vpow2.f32 v7;
	v7 =	vadd.f32 v0, v10;
	v0 =	vmul.f32 $1.442695020e+00, v8  }
0x32a: {  	v11 =	vadd.f32 v43, v11;
	v12 =	vadd.f32 v12, v5;
	v5 =	vmul.f32 v1, v61;
	v9 =	vpop (erf)  }
0x32b: {  	v4 =	vadd.f32 v4, v6;
	v6 =	vmul.f32 v56, v51;
	v61 =	vpop (erf);
	(erf) = vpow2.f32 v0;
	v0 =	vld [tilespmem:$0x1F7C0]  }
0x32c: {  	v57 =	vsub.f32 v26, v36  }
0x32d: {  	v11 =	vadd.f32 v44, v11;
	v4 =	vadd.f32 v4, v6;
	v6 =	vmul.f32 v17, v53  }
0x32e: {  	v13 =	vmul.f32 v57, v57;
	v7 =	vadd.f32 v7, v9  }
0x32f: {  	v11 =	vadd.f32 v49, v11;
	v4 =	vadd.f32 v4, v6;
	v6 =	vmul.f32 v16, v59  }
0x330: {  	v5 =	vadd.f32 v5, v63;
	v7 =	vadd.f32 v7, v61;
	v13 =	vmul.f32 v13, v0  }
0x331: {  	v12 =	vmul.f32 $1.442695020e+00, v12;
	v8 =	vpop (erf);
	v4 =	vadd.f32 v4, v6;
	v6 =	vmul.f32 v58, v40  }
0x332: {  	v41 =	vmovc v21;
	v5 =	vmul.f32 $1.442695020e+00, v5;
	v7 =	vadd.f32 v7, v8;
	v13 =	vadd.f32 v13, v60  }
0x333: {  	v24 =	vld [tilespmem:$0x1F7D0];
	v0 =	vpop (erf);
	(erf) = vpow2.f32 v12;
	v4 =	vadd.f32 v4, v6;
	v6 =	vmul.f32 v10, v41  }
0x334: {  	v1 =	vpop (erf);
	(erf) = vrcp.f32 v7;
	v7 =	vadd.f32 v62, v11;
	v11 =	vld [tilespmem:$0x1F820];
	v10 =	vmul.f32 $1.442695020e+00, v13  }
0x335: {  	(erf) = vpow2.f32 v5;
	v4 =	vadd.f32 v4, v6;
	v6 =	vmul.f32 v9, v20;
	v9 =	vld [tilespmem:$0x1F7E0]  }
0x336: {  	(erf) = vpow2.f32 v10;
	v10 =	vld [tilespmem:$0x1F810];
	_ =	sdelay $0x1  }
0x337: {  	v7 =	vadd.f32 v0, v7;
	_ =	sdelay $0x1  }
0x338: {  	v25 =	vld [tilespmem:$0x1F800];
	v4 =	vadd.f32 v4, v6;
	v6 =	vmul.f32 v61, v54;
	v7 =	vadd.f32 v1, v7  }
0x339: {  	v9 =	vadd.f32 v9, v24;
	v10 =	vadd.f32 v11, v10;
	v11 =	vld [tilespmem:$0x1F830]  }
0x33a: {  	v61 =	vpop (erf);
	v4 =	vadd.f32 v4, v6;
	v6 =	vmul.f32 v8, v36  }
0x33b: {  	v8 =	vld [tilespmem:$0x1F7F0];
	v7 =	vadd.f32 v61, v7  }
0x33c: {  	v4 =	vadd.f32 v4, v6;
	v63 =	vpop (erf)  }
0x33d: {  	v6 =	vadd.f32 v9, v25;
	v7 =	vadd.f32 v63, v7;
	v9 =	vpop (erf)  }
0x33e: {  	v23 =	vmov v2;
	v2 =	vmul.f32 v9, v4;
	v9 =	vpop (erf);
	(erf) = vpow2.f32 v11;
	v11 =	vld [tilespmem:$0x1F840]  }
0x33f: {  	v7 =	vadd.f32 v9, v7  }
0x340: {  	v5 =	vmax.f32 v55, v29;
	v8 =	vsub.f32 v8, v28;
	v4 =	vpop (erf)  }
0x341: {  	v5 =	vmax.f32 v5, v46;
	v7 =	vadd.f32 v4, v7  }
0x342: {  	v21 =	vmovc v18;
	v5 =	vmax.f32 v5, v42;
	v8 =	vmul.f32 $1.442695020e+00, v8;
	v18 =	vmov v9;
	v9 =	vld [tilespmem:$0x1F870]  }
0x343: {  	v5 =	vmax.f32 v5, v45;
	v7 =	vadd.f32 $9.999999930e-09, v7;
	v26 =	vsub.f32 v11, v28;
	v11 =	vld [tilespmem:$0x1F850]  }
0x344: {  	v38 =	vld [tilespmem:$0x1F8A0];
	v5 =	vmax.f32 v5, v48;
	(erf) = vpow2.f32 v8  }
0x345: {  	v5 =	vmax.f32 v5, v43;
	(erf) = vrcp.f32 v7;
	v7 =	vld [tilespmem:$0x1F8B0]  }
0x346: {  	v16 =	vld [tilespmem:$0x1F860];
	v5 =	vmax.f32 v5, v44  }
0x347: {  	v5 =	vmax.f32 v5, v49;
	v9 =	vadd.f32 v10, v9;
	v10 =	vld [tilespmem:$0x1F880]  }
0x348: {  	v5 =	vmax.f32 v5, v62;
	v33 =	vmul.f32 v34, v11;
	v11 =	vld [tilespmem:$0x1F890]  }
0x349: {  	s21 =	sadd.s32 $0x20, s21;
	v5 =	vmax.f32 v5, v0  }
0x34a: {  	v5 =	vmax.f32 v5, v1;
	[tilespmem:s21+$0x0] =	vst v2;
	v2 =	vmul.f32 v34, v7;
	v7 =	vld [tilespmem:$0x1F8C0]  }
0x34b: {  	v39 =	vmov v40;
	v40 =	vld [tilespmem:$0x1F8D0];
	v6 =	vadd.f32 v6, v16;
	v5 =	vmax.f32 v5, v61  }
0x34c: {  	v5 =	vmax.f32 v5, v63  }
0x34d: {  	v6 =	vadd.f32 v6, v38;
	v5 =	vmax.f32 v5, v18;
	v10 =	vmul.f32 v11, v10  }
0x34e: {  	v17 =	vsub.f32 v33, v28;
	v11 =	vmax.f32 v5, v4;
	v5 =	vmul.f32 $1.442695020e+00, v26  }
0x34f: {  	v31 =	vmovc v21;
	v21 =	vmov v4;
	v7 =	vmul.f32 v24, v7;
	v4 =	vadd.f32 v9, v10  }
0x350: {  	(erf) = vpow2.f32 v5;
	v5 =	vadd.f32 v6, v40;
	v6 =	vmul.f32 $1.442695020e+00, v17  }
0x351: {  	v4 =	vadd.f32 v4, v7;
	v7 =	vld [tilespmem:$0x1F8E0]  }
0x352: {  	v8 =	vpop (erf);
	(erf) = vpow2.f32 v6;
	v6 =	vld [tilespmem:$0x1FC50];
	_ =	sdelay $0x1  }
0x353: {  	v9 =	vld [tilespmem:$0x1F8F0];
	_ =	sdelay $0x2  }
0x354: {  	v2 =	vsub.f32 v2, v28;
	v7 =	vmul.f32 v25, v7;
	v10 =	vmul.f32 v38, v6;
	v6 =	vld [tilespmem:$0x1F910];
	_ =	sdelay $0x1  }
0x355: {  	v30 =	vmovc v50;
	v50 =	vld [tilespmem:$0x1F900];
	v2 =	vmul.f32 $1.442695020e+00, v2;
	v9 =	vmul.f32 v16, v9;
	v4 =	vadd.f32 v4, v7;
	_ =	sdelay $0x1  }
0x356: {  	(erf) = vpow2.f32 v2;
	v2 =	vadd.f32 v4, v9;
	v4 =	vld [tilespmem:$0x1F930]  }
0x357: {  	v56 =	vmul.f32 v40, v6;
	v6 =	vld [tilespmem:$0x1F920];
	_ =	sdelay $0x1  }
0x358: {  	v5 =	vadd.f32 v5, v50;
	_ =	sdelay $0x1  }
0x359: {  	v5 =	vadd.f32 v5, v8  }
0x35a: {  	v7 =	vmul.f32 v50, v6;
	v6 =	vmul.f32 v8, v4;
	v4 =	vpop (erf);
	v8 =	vld [tilespmem:$0x1F940]  }
0x35b: {  	v9 =	vadd.f32 v5, v4;
	v5 =	vld [tilespmem:$0x1F950];
	_ =	sdelay $0x2  }
0x35c: {  	v57 =	vld [tilespmem:$0x1F970]  }
0x35d: {  	(erf) = vrcp.f32 v8;
	v8 =	vld [tilespmem:$0x1F960]  }
0x35e: {  	v5 =	vmul.f32 v4, v5;
	v4 =	vld [tilespmem:$0x1FB90];
	_ =	sdelay $0x1  }
0x35f: {  	v58 =	vpop (erf)  }
0x360: {  	v34 =	vmul.f32 v58, v3;
	v3 =	vld [tilespmem:$0x1F9C0];
	_ =	sdelay $0x1  }
0x361: {  	v10 =	vadd.f32 v2, v10;
	v2 =	vld [tilespmem:$0x1F980];
	v8 =	vmul.f32 v8, v4;
	v4 =	vmov v57  }
0x362: {  	[tilespmem:$0x1FB90] =	vst v4;
	v4 =	vld [tilespmem:$0x1F990];
	_ =	sdelay $0x1  }
0x363: {  	v8 =	vadd.f32 v3, v8;
	v3 =	vld [tilespmem:$0x1F9D0];
	_ =	sdelay $0x1  }
0x364: {  	v33 =	vmov v51;
	v51 =	vmov v53;
	v53 =	vmov v59;
	v59 =	vld [tilespmem:$0x1F9B0]  }
0x365: {  	v4 =	vmul.f32 v2, v4;
	v2 =	vld [tilespmem:$0x1F9A0]  }
0x366: {  	s22 =	sadd.s32 $0x20, s22;
	v60 =	vpop (erf)  }
0x367: {  	p0 =	slt.u32 s22, $0x2DE0;
	v50 =	vmov v3;
	v3 =	vadd.f32 v9, v60;
	v9 =	vld [tilespmem:$0x1F9E0]  }
.Ltmp0:
0x368: {  	_ = 	snop;
	(pc) =	sbr.rel @p0 .LBB2_2-.Ltmp0, $4  }
0x369: {  	_ = 	snop  }
0x36a: {  	v14 =	vmul.f32 v59, v2  }
0x36b: {  	[tilespmem:$0x1FD40] =	vst v52;
	v52 =	vmov v20  }
0x36c: {  	v32 =	vmovc v47;
	v28 =	vmov v23;
	v10 =	vadd.f32 v10, v56;
	v9 =	vmul.f32 v60, v9;
	[tilespmem:s18+$0xFFFFFFF0] =	vst v14;
	s18 =	smov.u32 s19;
	s19 =	smov.u32 s20;
	s20 =	smov.u32 s21  }
0x36d: {  	v11 =	vmul.f32 v34, v11;
	v12 =	vmul.f32 v34, v55  }
0x36e: {  	v13 =	vmul.f32 v34, v29  }
0x36f: {  	v12 =	vsub.f32 v12, v11  }
0x370: {  	v14 =	vmul.f32 v34, v46;
	v13 =	vsub.f32 v13, v11  }
0x371: {  	v15 =	vmul.f32 v34, v42;
	v12 =	vmul.f32 $1.442695020e+00, v12  }
0x372: {  	v14 =	vsub.f32 v14, v11;
	v13 =	vmul.f32 $1.442695020e+00, v13  }
0x373: {  	v16 =	vmul.f32 v34, v45;
	v38 =	vsub.f32 v15, v11;
	(erf) = vpow2.f32 v12  }
0x374: {  	v14 =	vmul.f32 $1.442695020e+00, v14;
	(erf) = vpow2.f32 v13  }
0x375: {  	v12 =	vmul.f32 $1.442695020e+00, v38  }
0x376: {  	v40 =	vmul.f32 v34, v48;
	v42 =	vsub.f32 v16, v11;
	(erf) = vpow2.f32 v14  }
0x377: {  	v46 =	vmul.f32 v34, v43  }
0x378: {  	v45 =	vmul.f32 $1.442695020e+00, v42;
	v13 =	vsub.f32 v40, v11;
	(erf) = vpow2.f32 v12  }
0x379: {  	v17 =	vmul.f32 v34, v44;
	v12 =	vpop (erf)  }
0x37a: {  	v15 =	vsub.f32 v46, v11;
	v13 =	vmul.f32 $1.442695020e+00, v13;
	(erf) = vpow2.f32 v45;
	v16 =	vpop (erf)  }
0x37b: {  	v19 =	vmul.f32 v34, v49;
	v14 =	vpop (erf)  }
0x37c: {  	v48 =	vsub.f32 v17, v11;
	v47 =	vmul.f32 $1.442695020e+00, v15;
	(erf) = vpow2.f32 v13;
	v49 =	vpop (erf)  }
0x37d: {  	v22 =	vmul.f32 v34, v62;
	v19 =	vsub.f32 v19, v11;
	v23 =	vpop (erf)  }
0x37e: {  	v15 =	vmul.f32 $1.442695020e+00, v48;
	(erf) = vpow2.f32 v47;
	v55 =	vadd.f32 v23, v49  }
0x37f: {  	v0 =	vmul.f32 v34, v0;
	v1 =	vmul.f32 v34, v1;
	v56 =	vsub.f32 v22, v11;
	v57 =	vpop (erf)  }
0x380: {  	v19 =	vmul.f32 $1.442695020e+00, v19;
	(erf) = vpow2.f32 v15;
	v13 =	vadd.f32 v55, v57  }
0x381: {  	v24 =	vmul.f32 v34, v61;
	v62 =	vmul.f32 v34, v63;
	v0 =	vsub.f32 v0, v11;
	v58 =	vpop (erf)  }
0x382: {  	v17 =	vmul.f32 $1.442695020e+00, v56;
	(erf) = vpow2.f32 v19;
	v13 =	vadd.f32 v13, v58  }
0x383: {  	v63 =	vmul.f32 v34, v18;
	v1 =	vsub.f32 v1, v11;
	v24 =	vsub.f32 v24, v11;
	v59 =	vpop (erf)  }
0x384: {  	v20 =	vld [tilespmem:$0x1FD40];
	v0 =	vmul.f32 $1.442695020e+00, v0;
	(erf) = vpow2.f32 v17;
	v13 =	vadd.f32 v13, v59  }
0x385: {  	v2 =	vmul.f32 v34, v21;
	v1 =	vmul.f32 $1.442695020e+00, v1;
	v61 =	vpop (erf)  }
0x386: {  	v24 =	vmul.f32 $1.442695020e+00, v24;
	(erf) = vpow2.f32 v0;
	v13 =	vadd.f32 v13, v61  }
0x387: {  	v60 =	vmul.f32 v23, v35;
	v22 =	vmul.f32 v57, v37;
	v25 =	vpop (erf)  }
0x388: {  	v0 =	vsub.f32 v62, v11;
	(erf) = vpow2.f32 v1;
	v13 =	vadd.f32 v13, v25  }
0x389: {  	v15 =	vmul.f32 v58, v20;
	v17 =	vadd.f32 v22, v60;
	v1 =	vsub.f32 v63, v11;
	v26 =	vpop (erf)  }
0x38a: {  	v0 =	vmul.f32 $1.442695020e+00, v0;
	(erf) = vpow2.f32 v24;
	v13 =	vadd.f32 v13, v26  }
0x38b: {  	v27 =	vmul.f32 v59, v31;
	v31 =	vsub.f32 v2, v11;
	v15 =	vadd.f32 v17, v15;
	v24 =	vpop (erf)  }
0x38c: {  	v29 =	vmul.f32 $1.442695020e+00, v1;
	(erf) = vpow2.f32 v0;
	v13 =	vadd.f32 v13, v24  }
0x38d: {  	v37 =	vmul.f32 v61, v30;
	v1 =	vmul.f32 $1.442695020e+00, v31;
	v34 =	vpop (erf)  }
0x38e: {  	v35 =	vadd.f32 v15, v27;
	(erf) = vpow2.f32 v29;
	v13 =	vadd.f32 v13, v34  }
0x38f: {  	v40 =	vmul.f32 v25, v28;
	v38 =	vpop (erf)  }
0x390: {  	v11 =	vadd.f32 v35, v37;
	(erf) = vpow2.f32 v1;
	v13 =	vadd.f32 v13, v38  }
0x391: {  	v42 =	vpop (erf)  }
0x392: {  	v43 =	vmul.f32 v26, v32;
	v11 =	vadd.f32 v11, v40;
	v13 =	vadd.f32 v13, v42  }
0x393: {  	v44 =	vpop (erf)  }
0x394: {  	v18 =	vmul.f32 v24, v33;
	v11 =	vadd.f32 v11, v43;
	v13 =	vadd.f32 v13, v44  }
0x395: {  	v45 =	vpop (erf)  }
0x396: {  	v2 =	vmul.f32 v34, v51;
	v11 =	vadd.f32 v11, v18;
	v13 =	vadd.f32 v13, v45  }
0x397: {  	v3 =	vadd.f32 v3, v12;
	v46 =	vpop (erf)  }
0x398: {  	v0 =	vmul.f32 v38, v53;
	v2 =	vadd.f32 v11, v2;
	v47 =	vadd.f32 v13, v46  }
0x399: {  	v7 =	vadd.f32 v10, v7;
	v3 =	vadd.f32 v3, v16;
	v48 =	vpop (erf)  }
0x39a: {  	v56 =	vld [tilespmem:$0x1FB90];
	v1 =	vmul.f32 v42, v39;
	v0 =	vadd.f32 v2, v0;
	v49 =	vadd.f32 v47, v48  }
0x39b: {  	v6 =	vadd.f32 v7, v6;
	(erf) = vrcp.f32 v3  }
0x39c: {  	v51 =	vmul.f32 v44, v41;
	v0 =	vadd.f32 v0, v1;
	(erf) = vrcp.f32 v49  }
0x39d: {  	v53 =	vadd.f32 v6, v5  }
0x39e: {  	v55 =	vmul.f32 v45, v52;
	v0 =	vadd.f32 v0, v51  }
0x39f: {  	v3 =	vmul.f32 v12, v56;
	v1 =	vadd.f32 v53, v9  }
0x3a0: {  	v57 =	vmul.f32 v46, v54;
	v0 =	vadd.f32 v0, v55  }
0x3a1: {  	v58 =	vmul.f32 v16, v50;
	v1 =	vadd.f32 v1, v3  }
0x3a2: {  	v59 =	vadd.f32 v8, v4;
	v60 =	vmul.f32 v48, v36;
	v0 =	vadd.f32 v0, v57  }
0x3a3: {  	v1 =	vadd.f32 v1, v58  }
0x3a4: {  	v61 =	vmul.f32 v14, v59;
	v62 =	vpop (erf);
	v0 =	vadd.f32 v0, v60  }
0x3a5: {  	v1 =	vmul.f32 v62, v1;
	v63 =	vpop (erf)  }
0x3a6: {  	s16 =	sadd.s32 $0x1, s16;
	[tilespmem:s18+$0xFFFFFFF0] =	vst v61;
	v0 =	vmul.f32 v63, v0  }
0x3a7: {  	p0 =	sne.s32 s16, s9;
	[tilespmem:s19+$0xFFFFFFF0] =	vst v1  }
.Ltmp1:
0x3a8: {  	[tilespmem:s20+$0xFFFFFFF0] =	vst v0;
	(pc) =	sbr.rel @p0 .LBB2_1-.Ltmp1, $4  }
0x3a9: {  	[hbm4b:s8+s2] =	stream.linear.scatter [tilespmem:s15], [sflag:$0x1], $0x2E00, $0x38;
	[tilespmem:$0x7480] =	vst v63  }
0x3aa: {  	_ =	swait.ge [sflag:s10], $0x2E00  }
0x3ab: {  	[sflag:s10] =	ssyncset.done $0x0  }
0x3ac: {  	[sflag:s10] =	ssyncadd.s32 $0xFFFFD200  }
0x3ad: {  	_ =	sfence.sel $0x180000  }
0x3ae: {  	[bflag:$0x0] =	sbarrier.arrive $0xFFFF  }
0x3af: {  	p0 =	sne.s32 s1, $0x0;
	_ =	strace $0x90000047  }
0x3b0: {  	s0 =	sadd.s32 @!p0 $0x100000, s0;
	[bflag:$0x2] =	sbarrier.arrive $0xFFFF  }
0x3b1: {  	[sflag:s0] =	ssyncadd.tile.s32 @!p0 $0x1;
	_ =	shalt  }
.Lfunc_end2:
_tile_overlayer_lowered:
.L_overlay_start_2:
0x3b2: {  	(tag) =	ssettag $0x2  }
0x3b3: {  	s0 =	rddreg [dreg:$0x0];
	s2 =	stileid.u32  }
0x3b4: {  	s1 =	rddreg [dreg:$0x1];
	p0 =	sne.s32 s2, $0x0  }
0x3b5: {  	s3 =	rddreg [dreg:$0x2];
	[bflag:$0x3] =	sbarrier.arrive $0xFFFF;
	s2 =	simm.s32 @!p0 $0x1C01  }
0x3b6: {  	[timem:s3], [sflag:s2] =	dma.local @!p0 [hbm:s0], s1  }
0x3b7: {  	s0 =	simm.s32 @!p0 $0x1  }
0x3b8: {  	_ =	swait.ge @!p0 [sflag:s0], s1  }
0x3b9: {  	s1 =	ssub.s32 @!p0 $0x0, s1;
	[sflag:s0] =	ssyncset.done @!p0 $0x0  }
0x3ba: {  	[sflag:s0] =	ssyncadd.s32 @!p0 s1  }
0x3bb: {  	[bflag:$0x3] =	sbarrier.arrive $0xFFFF  }
0x3bc: {  	_ =	shalt  }

</sc_bundles>
